<compile_context>
chip_gen: v7x
topology: tpu7x:2x2x1
jax: 0.10.2.dev20260603
libtpu: 0.0.44.dev20260713+nightly
codegen_flags: <defaults>
</compile_context>

<pallas_src>
import functools

import jax
import jax.numpy as jnp
from jax import lax
from jax.experimental import pallas as pl
from jax.experimental.pallas import tpu as pltpu
from jax.experimental.pallas import tpu_sc as plsc

NC = 2
NS = 16
NW = NC * NS
CE = 128
L = 16


def _mesh():
  return plsc.VectorSubcoreMesh(core_axis_name="c", subcore_axis_name="s")


def _deg_call(npad, chunks):
  rps = npad // NS

  @functools.partial(
      pl.kernel,
      out_type=jax.ShapeDtypeStruct((NC, npad, 16), jnp.float32),
      mesh=_mesh(),
      compiler_params=pltpu.CompilerParams(use_tc_tiling_on_sc=False),
      scratch_types=[
          pltpu.VMEM((chunks, CE), jnp.int32),
          pltpu.VMEM((CE, 16), jnp.float32),
          pltpu.VMEM_SHARED((npad, 16), jnp.float32),
      ],
  )
  def k(zd_hbm, one_hbm, dst_hbm, out_hbm, didx, ones, accd):
    c = lax.axis_index("c")
    s = lax.axis_index("s")
    wid = s * NC + c
    pltpu.sync_copy(zd_hbm.at[pl.ds(s * rps, rps)], accd.at[pl.ds(s * rps, rps)])
    pltpu.sync_copy(dst_hbm.at[wid], didx)
    pltpu.sync_copy(one_hbm, ones)
    plsc.subcore_barrier()

    def body(i, carry):
      pltpu.sync_copy(ones, accd.at[didx.at[i]], add=True)
      return carry

    lax.fori_loop(0, chunks, body, 0)
    plsc.subcore_barrier()
    pltpu.sync_copy(accd.at[pl.ds(s * rps, rps)],
                    out_hbm.at[c, pl.ds(s * rps, rps)])

  return k


def _seg_sum_call(npad, chunks):
  rps = npad // NS

  @functools.partial(
      pl.kernel,
      out_type=jax.ShapeDtypeStruct((NC, npad, 128), jnp.float32),
      mesh=_mesh(),
      scratch_types=[
          pltpu.VMEM((chunks, CE), jnp.int32),
          pltpu.VMEM((chunks, CE), jnp.int32),
          pltpu.VMEM((CE, 128), jnp.float32),
          pltpu.VMEM_SHARED((npad, 128), jnp.float32),
          pltpu.SemaphoreType.DMA,
      ],
  )
  def k(y_hbm, z_hbm, src_hbm, dst_hbm, out_hbm, sidx, didx, rows, acc, sem):
    c = lax.axis_index("c")
    s = lax.axis_index("s")
    wid = s * NC + c
    pltpu.sync_copy(z_hbm.at[pl.ds(s * rps, rps)], acc.at[pl.ds(s * rps, rps)])
    pltpu.sync_copy(src_hbm.at[wid], sidx)
    pltpu.sync_copy(dst_hbm.at[wid], didx)
    plsc.subcore_barrier()

    def body(i, carry):
      pltpu.async_copy(y_hbm.at[sidx.at[i]], rows, sem).wait()
      pltpu.sync_copy(rows, acc.at[didx.at[i]], add=True)
      return carry

    lax.fori_loop(0, chunks, body, 0)
    plsc.subcore_barrier()
    pltpu.sync_copy(acc.at[pl.ds(s * rps, rps)],
                    out_hbm.at[c, pl.ds(s * rps, rps)])

  return k


def _gat_den_call(npad, chunks):
  rps = npad // NS

  @functools.partial(
      pl.kernel,
      out_type=jax.ShapeDtypeStruct((NC, npad, 16), jnp.float32),
      mesh=_mesh(),
      compiler_params=pltpu.CompilerParams(use_tc_tiling_on_sc=False),
      scratch_types=[
          pltpu.VMEM((chunks, CE), jnp.int32),
          pltpu.VMEM((chunks, CE), jnp.int32),
          pltpu.VMEM((16,), jnp.float32),
          pltpu.VMEM((CE, 16), jnp.float32),
          pltpu.VMEM((CE, 16), jnp.float32),
          pltpu.VMEM((CE, 16), jnp.float32),
          pltpu.VMEM((CE, 16), jnp.float32),
          pltpu.VMEM_SHARED((npad, 16), jnp.float32),
          pltpu.SemaphoreType.DMA,
      ],
  )
  def k(zd_hbm, src_hbm, dst_hbm, ae_hbm, asn_hbm, adn_hbm, avec_hbm,
        outd_hbm, sidx, didx, avecv, asr, adr, aer, exrows, accd, sem):
    c = lax.axis_index("c")
    s = lax.axis_index("s")
    wid = s * NC + c
    pltpu.sync_copy(zd_hbm.at[pl.ds(s * rps, rps)], accd.at[pl.ds(s * rps, rps)])
    pltpu.sync_copy(src_hbm.at[wid], sidx)
    pltpu.sync_copy(dst_hbm.at[wid], didx)
    pltpu.sync_copy(avec_hbm, avecv)
    plsc.subcore_barrier()
    A = avecv[...]

    def chunk_body(i, carry):
      c2 = pltpu.async_copy(asn_hbm.at[sidx.at[i]], asr, sem)
      c3 = pltpu.async_copy(adn_hbm.at[didx.at[i]], adr, sem)
      pltpu.sync_copy(ae_hbm.at[wid, i], aer)
      c2.wait()
      c3.wait()

      def edge_body(j, cc):
        al = asr[j, :] + adr[j, :] + aer[j, :]
        al = jnp.maximum(al, 0.2 * al)
        exrows[j, :] = jnp.exp(al - A)
        return cc

      lax.fori_loop(0, CE, edge_body, 0)
      pltpu.sync_copy(exrows, accd.at[didx.at[i]], add=True)
      return carry

    lax.fori_loop(0, chunks, chunk_body, 0)
    plsc.subcore_barrier()
    pltpu.sync_copy(accd.at[pl.ds(s * rps, rps)],
                    outd_hbm.at[c, pl.ds(s * rps, rps)])

  return k


def _gat_num_call(npad, chunks):
  rps = npad // NS

  @functools.partial(
      pl.kernel,
      out_type=jax.ShapeDtypeStruct((NC, npad, 128), jnp.float32),
      mesh=_mesh(),
      compiler_params=pltpu.CompilerParams(use_tc_tiling_on_sc=False),
      scratch_types=[
          pltpu.VMEM((chunks, CE), jnp.int32),
          pltpu.VMEM((chunks, CE), jnp.int32),
          pltpu.VMEM((16,), jnp.float32),
          pltpu.VMEM((CE, 128), jnp.float32),
          pltpu.VMEM((CE, 16), jnp.float32),
          pltpu.VMEM((CE, 16), jnp.float32),
          pltpu.VMEM((CE, 16), jnp.float32),
          pltpu.VMEM_SHARED((npad, 128), jnp.float32),
          pltpu.SemaphoreType.DMA,
      ],
  )
  def k(xs_hbm, zn_hbm, src_hbm, dst_hbm, ae_hbm, asn_hbm, adn_hbm,
        avec_hbm, outn_hbm, sidx, didx, avecv, rows, asr, adr, aer, accn,
        sem):
    c = lax.axis_index("c")
    s = lax.axis_index("s")
    wid = s * NC + c
    pltpu.sync_copy(zn_hbm.at[pl.ds(s * rps, rps)], accn.at[pl.ds(s * rps, rps)])
    pltpu.sync_copy(src_hbm.at[wid], sidx)
    pltpu.sync_copy(dst_hbm.at[wid], didx)
    pltpu.sync_copy(avec_hbm, avecv)
    plsc.subcore_barrier()
    A = avecv[...]

    def chunk_body(i, carry):
      c1 = pltpu.async_copy(xs_hbm.at[sidx.at[i]], rows, sem)
      c2 = pltpu.async_copy(asn_hbm.at[sidx.at[i]], asr, sem)
      c3 = pltpu.async_copy(adn_hbm.at[didx.at[i]], adr, sem)
      pltpu.sync_copy(ae_hbm.at[wid, i], aer)
      c1.wait()
      c2.wait()
      c3.wait()

      def edge_body(j, cc):
        al = asr[j, :] + adr[j, :] + aer[j, :]
        al = jnp.maximum(al, 0.2 * al)
        exr = jnp.exp(al - A)
        for r in range(128 // L):
          rsl = pl.ds(r * L, L)
          rows[j, rsl] = rows[j, rsl] * exr
        return cc

      lax.fori_loop(0, CE, edge_body, 0)
      pltpu.sync_copy(rows, accn.at[didx.at[i]], add=True)
      return carry

    lax.fori_loop(0, chunks, chunk_body, 0)
    plsc.subcore_barrier()
    pltpu.sync_copy(accn.at[pl.ds(s * rps, rps)],
                    outn_hbm.at[c, pl.ds(s * rps, rps)])

  return k


BN = 128


def _tc_pre_body(x_ref, w_ref, degp_ref, y_ref, dinv_ref):
  deg = degp_ref[0, :, 0:1] + degp_ref[1, :, 0:1] + 1.0
  dinv = lax.rsqrt(jnp.maximum(deg, 1.0))
  y_ref[...] = jnp.dot(x_ref[...], w_ref[...],
                       preferred_element_type=jnp.float32) * dinv
  dinv_ref[...] = dinv


def _tc_pre(npad):
  return pl.pallas_call(
      _tc_pre_body,
      grid=(npad // BN,),
      in_specs=[
          pl.BlockSpec((BN, 128), lambda i: (i, 0)),
          pl.BlockSpec((128, 128), lambda i: (0, 0)),
          pl.BlockSpec((2, BN, 16), lambda i: (0, i, 0)),
      ],
      out_specs=[
          pl.BlockSpec((BN, 128), lambda i: (i, 0)),
          pl.BlockSpec((BN, 1), lambda i: (i, 0)),
      ],
      out_shape=[
          jax.ShapeDtypeStruct((npad, 128), jnp.float32),
          jax.ShapeDtypeStruct((npad, 1), jnp.float32),
      ],
  )


def _tc_mid_body(p_ref, y_ref, dinv_ref, w_ref, b_ref, h_ref, y2_ref):
  dinv = dinv_ref[...]
  h = jnp.maximum((p_ref[0] + p_ref[1] + y_ref[...]) * dinv + b_ref[...], 0.0)
  h_ref[...] = h
  y2_ref[...] = jnp.dot(h, w_ref[...],
                        preferred_element_type=jnp.float32) * dinv


def _tc_mid(npad):
  return pl.pallas_call(
      _tc_mid_body,
      grid=(npad // BN,),
      in_specs=[
          pl.BlockSpec((2, BN, 128), lambda i: (0, i, 0)),
          pl.BlockSpec((BN, 128), lambda i: (i, 0)),
          pl.BlockSpec((BN, 1), lambda i: (i, 0)),
          pl.BlockSpec((128, 128), lambda i: (0, 0)),
          pl.BlockSpec((1, 128), lambda i: (0, 0)),
      ],
      out_specs=[
          pl.BlockSpec((BN, 128), lambda i: (i, 0)),
          pl.BlockSpec((BN, 128), lambda i: (i, 0)),
      ],
      out_shape=[
          jax.ShapeDtypeStruct((npad, 128), jnp.float32),
          jax.ShapeDtypeStruct((npad, 128), jnp.float32),
      ],
  )


def _tc_gatin_body(p_ref, y_ref, dinv_ref, wg_ref, b_ref, as_ref, ad_ref,
                   h_ref, xs_ref, asn_ref, adn_ref):
  dinv = dinv_ref[...]
  h = jnp.maximum((p_ref[0] + p_ref[1] + y_ref[...]) * dinv + b_ref[...], 0.0)
  xs = jnp.dot(h, wg_ref[...], preferred_element_type=jnp.float32)
  h_ref[...] = h
  xs_ref[...] = xs
  asn_ref[...] = jnp.dot(xs, as_ref[...], preferred_element_type=jnp.float32)
  adn_ref[...] = jnp.dot(xs, ad_ref[...], preferred_element_type=jnp.float32)


def _tc_gatin(npad):
  return pl.pallas_call(
      _tc_gatin_body,
      grid=(npad // BN,),
      in_specs=[
          pl.BlockSpec((2, BN, 128), lambda i: (0, i, 0)),
          pl.BlockSpec((BN, 128), lambda i: (i, 0)),
          pl.BlockSpec((BN, 1), lambda i: (i, 0)),
          pl.BlockSpec((128, 128), lambda i: (0, 0)),
          pl.BlockSpec((1, 128), lambda i: (0, 0)),
          pl.BlockSpec((128, 1), lambda i: (0, 0)),
          pl.BlockSpec((128, 1), lambda i: (0, 0)),
      ],
      out_specs=[
          pl.BlockSpec((BN, 128), lambda i: (i, 0)),
          pl.BlockSpec((BN, 128), lambda i: (i, 0)),
          pl.BlockSpec((BN, 1), lambda i: (i, 0)),
          pl.BlockSpec((BN, 1), lambda i: (i, 0)),
      ],
      out_shape=[
          jax.ShapeDtypeStruct((npad, 128), jnp.float32),
          jax.ShapeDtypeStruct((npad, 128), jnp.float32),
          jax.ShapeDtypeStruct((npad, 1), jnp.float32),
          jax.ShapeDtypeStruct((npad, 1), jnp.float32),
      ],
  )


def _tc_edge_body(ea_ref, we_ref, ate_ref, ae_ref, mx_ref, sm_ref):
  i = pl.program_id(0)
  web = jnp.dot(we_ref[...], ate_ref[...], preferred_element_type=jnp.float32)
  aeb = jnp.dot(ea_ref[...], web, preferred_element_type=jnp.float32)
  ae_ref[...] = aeb

  @pl.when(i == 0)
  def _():
    mx_ref[...] = jnp.full((1, 1), -jnp.inf, jnp.float32)
    sm_ref[...] = jnp.zeros((1, 16), jnp.float32)

  mx_ref[...] = jnp.maximum(mx_ref[...], jnp.max(aeb))
  sm_ref[...] = sm_ref[...] + jnp.sum(ea_ref[...], axis=0, keepdims=True)


def _tc_edge(epad2, eb):
  return pl.pallas_call(
      _tc_edge_body,
      grid=(epad2 // eb,),
      in_specs=[
          pl.BlockSpec((eb, 16), lambda i: (i, 0)),
          pl.BlockSpec((16, 128), lambda i: (0, 0)),
          pl.BlockSpec((128, 1), lambda i: (0, 0)),
      ],
      out_specs=[
          pl.BlockSpec((eb, 1), lambda i: (i, 0)),
          pl.BlockSpec((1, 1), lambda i: (0, 0)),
          pl.BlockSpec((1, 16), lambda i: (0, 0)),
      ],
      out_shape=[
          jax.ShapeDtypeStruct((epad2, 1), jnp.float32),
          jax.ShapeDtypeStruct((1, 1), jnp.float32),
          jax.ShapeDtypeStruct((1, 16), jnp.float32),
      ],
  )


def _make_tc_stats_body(e_real):
  def body(asn_ref, adn_ref, mx_ref, sm_ref, we_ref, ate_ref,
           avec_ref, exself_ref):
    web = jnp.dot(we_ref[...], ate_ref[...],
                  preferred_element_type=jnp.float32)
    aeloop = jnp.dot(sm_ref[...] / e_real, web,
                     preferred_element_type=jnp.float32)
    b = (jnp.max(asn_ref[...]) + jnp.max(adn_ref[...])
         + jnp.maximum(mx_ref[0, 0], aeloop[0, 0]))
    a = jnp.maximum(b, 0.2 * b)
    avec_ref[...] = jnp.full((1, 16), a, jnp.float32)
    al = asn_ref[...] + adn_ref[...] + aeloop
    al = jnp.maximum(al, 0.2 * al)
    exself_ref[...] = jnp.exp(al - a)
  return body


def _tc_stats(npad, e_real):
  return pl.pallas_call(
      _make_tc_stats_body(float(e_real)),
      grid=(1,),
      in_specs=[
          pl.BlockSpec((npad, 1), lambda i: (0, 0)),
          pl.BlockSpec((npad, 1), lambda i: (0, 0)),
          pl.BlockSpec((1, 1), lambda i: (0, 0)),
          pl.BlockSpec((1, 16), lambda i: (0, 0)),
          pl.BlockSpec((16, 128), lambda i: (0, 0)),
          pl.BlockSpec((128, 1), lambda i: (0, 0)),
      ],
      out_specs=[
          pl.BlockSpec((1, 16), lambda i: (0, 0)),
          pl.BlockSpec((npad, 1), lambda i: (0, 0)),
      ],
      out_shape=[
          jax.ShapeDtypeStruct((1, 16), jnp.float32),
          jax.ShapeDtypeStruct((npad, 1), jnp.float32),
      ],
  )


def _tc_final_body(np_ref, dp_ref, xs_ref, exs_ref, bg_ref, g_ref):
  exs = exs_ref[...]
  den = dp_ref[0, :, 0:1] + dp_ref[1, :, 0:1] + exs
  num = np_ref[0] + np_ref[1] + xs_ref[...] * exs
  g_ref[...] = num / den + bg_ref[...]


def _tc_final(npad):
  return pl.pallas_call(
      _tc_final_body,
      grid=(npad // BN,),
      in_specs=[
          pl.BlockSpec((2, BN, 128), lambda i: (0, i, 0)),
          pl.BlockSpec((2, BN, 16), lambda i: (0, i, 0)),
          pl.BlockSpec((BN, 128), lambda i: (i, 0)),
          pl.BlockSpec((BN, 1), lambda i: (i, 0)),
          pl.BlockSpec((1, 128), lambda i: (0, 0)),
      ],
      out_specs=pl.BlockSpec((BN, 128), lambda i: (i, 0)),
      out_shape=jax.ShapeDtypeStruct((npad, 128), jnp.float32),
  )


def kernel(x, edge_index, edge_attr, W1, b1, W2, b2, Wg, bg, We,
           att_src, att_dst, att_edge):
  n = x.shape[0]
  e = edge_index.shape[1]
  src = edge_index[0].astype(jnp.int32)
  dst = edge_index[1].astype(jnp.int32)

  npad = -(-(n + 1) // 128) * 128
  chunks = -(-e // (NW * CE))
  epad = NW * chunks * CE
  srcp = jnp.full((epad,), n, jnp.int32).at[:e].set(src).reshape(NW, chunks, CE)
  dstp = jnp.full((epad,), n, jnp.int32).at[:e].set(dst).reshape(NW, chunks, CE)
  z = jnp.zeros((npad, 128), jnp.float32)
  zd = jnp.zeros((npad, 16), jnp.float32)
  xpad = jnp.concatenate([x, jnp.zeros((npad - n, 128), jnp.float32)], 0)

  degp = _deg_call(npad, chunks)(zd, jnp.ones((CE, 16), jnp.float32), dstp)
  y1, dinv = _tc_pre(npad)(xpad, W1, degp)
  p1 = _seg_sum_call(npad, chunks)(y1, z, srcp, dstp)
  h1, y2 = _tc_mid(npad)(p1, y1, dinv, W2, b1.reshape(1, 128))
  p2 = _seg_sum_call(npad, chunks)(y2, z, srcp, dstp)
  h2, xs, asn, adn = _tc_gatin(npad)(
      p2, y2, dinv, Wg, b2.reshape(1, 128),
      att_src.reshape(128, 1), att_dst.reshape(128, 1))

  eb = 4000
  epad2 = -(-e // eb) * eb
  eap = jnp.concatenate(
      [edge_attr, jnp.zeros((epad2 - e, 16), jnp.float32)], 0)
  ae, aemx, easum = _tc_edge(epad2, eb)(eap, We, att_edge.reshape(128, 1))
  avec2, exself = _tc_stats(npad, e)(asn, adn, aemx, easum, We,
                                     att_edge.reshape(128, 1))

  asn16 = jnp.broadcast_to(asn, (npad, 16))
  adn16 = jnp.broadcast_to(adn, (npad, 16))
  aepf = jnp.zeros((epad,), jnp.float32).at[:e].set(ae[:e, 0])
  ae16 = jnp.broadcast_to(aepf[:, None], (epad, 16)).reshape(NW, chunks, CE, 16)
  avec = avec2.reshape(16)

  dparts = _gat_den_call(npad, chunks)(
      zd, srcp, dstp, ae16, asn16, adn16, avec)
  nparts = _gat_num_call(npad, chunks)(
      xs, z, srcp, dstp, ae16, asn16, adn16, avec)
  g = _tc_final(npad)(nparts, dparts, xs, exself, bg.reshape(1, 128))

  return jnp.stack([h1[:n], h2[:n], g[:n]], axis=0)

# --- scband reference (transcript-rebuilt; emitter-appended) ---
"""Pipeline reference for scband-graph-encoder-62534723829884 (READ-ONLY COPY).

The authoritative reference and input builder live on the scoring server;
editing this copy changes nothing except your own understanding.
"""

import jax, jax.numpy as jnp
import numpy as np

N = 10000
E = 320000
IN_DIM = 128
HID = 128
D_EDGE = 16


def setup_inputs(seed: int = 0) -> dict:
    key = jax.random.key(seed)
    ks = jax.random.split(key, 16)
    x = jax.random.normal(ks[0], (N, IN_DIM), dtype=jnp.float32)
    edge_index = jax.random.randint(ks[1], (2, E), 0, N, dtype=jnp.int64)
    edge_attr = jax.random.normal(ks[2], (E, D_EDGE), dtype=jnp.float32)
    s1 = 1.0 / np.sqrt(IN_DIM)
    s2 = 1.0 / np.sqrt(HID)
    se = 1.0 / np.sqrt(D_EDGE)
    W1 = jax.random.normal(ks[3], (IN_DIM, HID), dtype=jnp.float32) * s1
    b1 = jnp.zeros((HID,), dtype=jnp.float32)
    W2 = jax.random.normal(ks[4], (HID, HID), dtype=jnp.float32) * s2
    b2 = jnp.zeros((HID,), dtype=jnp.float32)
    Wg = jax.random.normal(ks[5], (HID, HID), dtype=jnp.float32) * s2
    bg = jnp.zeros((HID,), dtype=jnp.float32)
    We = jax.random.normal(ks[6], (D_EDGE, HID), dtype=jnp.float32) * se
    att_src = jax.random.normal(ks[7], (HID,), dtype=jnp.float32) * s2
    att_dst = jax.random.normal(ks[8], (HID,), dtype=jnp.float32) * s2
    att_edge = jax.random.normal(ks[9], (HID,), dtype=jnp.float32) * s2
    return {"x": x, "edge_index": edge_index, "edge_attr": edge_attr,
            "W1": W1, "b1": b1, "W2": W2, "b2": b2,
            "Wg": Wg, "bg": bg, "We": We,
            "att_src": att_src, "att_dst": att_dst, "att_edge": att_edge}


def _gcn(x, W, b, src, dst, n):
    xw = x @ W
    deg = jax.ops.segment_sum(jnp.ones((src.shape[0],), dtype=x.dtype), dst, num_segments=n)
    dinv = jax.lax.rsqrt(jnp.maximum(deg, 1.0))
    norm = dinv[src] * dinv[dst]
    out = jax.ops.segment_sum(xw[src] * norm[:, None], dst, num_segments=n)
    return out + b


def _gat(x, Wg, bg, We, a_s, a_d, a_e, src, dst, eattr, n):
    xs = x @ Wg
    ep = eattr @ We
    alpha = xs[src] @ a_s + xs[dst] @ a_d + ep @ a_e
    alpha = jnp.where(alpha > 0, alpha, 0.2 * alpha)
    amax = jax.ops.segment_max(alpha, dst, num_segments=n)
    ex = jnp.exp(alpha - amax[dst])
    denom = jax.ops.segment_sum(ex, dst, num_segments=n)
    coef = ex / denom[dst]
    out = jax.ops.segment_sum(xs[src] * coef[:, None], dst, num_segments=n)
    return out + bg


def reference(x, edge_index, edge_attr, W1, b1, W2, b2, Wg, bg, We, att_src, att_dst, att_edge):
    n = x.shape[0]
    loop = jnp.arange(n, dtype=edge_index.dtype)
    src = jnp.concatenate([edge_index[0], loop])
    dst = jnp.concatenate([edge_index[1], loop])
    mean_ea = jnp.mean(edge_attr, axis=0, keepdims=True)
    eattr_full = jnp.concatenate([edge_attr, jnp.broadcast_to(mean_ea, (n, edge_attr.shape[1]))], axis=0)
    feats = []
    h = jax.nn.relu(_gcn(x, W1, b1, src, dst, n))
    feats.append(h)
    h = jax.nn.relu(_gcn(h, W2, b2, src, dst, n))
    feats.append(h)
    g = _gat(h, Wg, bg, We, att_src, att_dst, att_edge, src, dst, eattr_full, n)
    feats.append(g)
    stacked = jnp.stack(feats, axis=1)  # [N, 3, HID]
    return jnp.transpose(stacked, (1, 0, 2))  # [3, N, HID]

if __name__ == "__main__":
    import jax
    _d = setup_inputs()
    print(jax.jit(kernel)(*tuple(_d.values())))

</pallas_src>

<mosaic_0001>
#map = affine_map<(d0, d1) -> (0, 0)>
#map1 = affine_map<(d0, d1) -> (0, 0, 0)>
module attributes {stable_mosaic.version = 14 : i64} {
  func.func @k(%arg0: i32, %arg1: i32, %arg2: memref<10112x16xf32, #tpu.memory_space<hbm>>, %arg3: memref<128x16xf32, #tpu.memory_space<hbm>>, %arg4: memref<32x79x128xi32, #tpu.memory_space<hbm>>, %arg5: memref<2x10112x16xf32, #tpu.memory_space<hbm>>, %arg6: memref<79x128xi32, #tpu.memory_space<vmem>>, %arg7: memref<128x16xf32, #tpu.memory_space<vmem>>, %arg8: memref<10112x16xf32, #tpu.memory_space<vmem_shared>>) attributes {dimension_semantics = [#tpu.dimension_semantics<core_parallel>, #tpu.dimension_semantics<subcore_parallel>], iteration_bounds = array<i64: 2, 16>, scalar_prefetch = 0 : i64, scratch_operands = 3 : i64, tpu.core_type = #tpu.core_type<sc_vector_subcore>, window_params = [{transform_indices = #map}, {transform_indices = #map}, {transform_indices = #map1}, {transform_indices = #map1}]} {
    %mul3A = arith.constant 2 : i32
    %mul3A_0 = arith.muli %arg1, %mul3A : i32
    %add3A = arith.addi %mul3A_0, %arg0 : i32
    %mul3A_1 = arith.constant 632 : i32
    %mul3A_2 = arith.muli %arg1, %mul3A_1 : i32
    %mul3A_3 = arith.constant 632 : i32
    %mul3A_4 = arith.muli %arg1, %mul3A_3 : i32
    "tpu.region"() ({
      %run_scoped3A = tpu.sem_alloc : memref<!tpu.dma_semaphore, #tpu.memory_space<semaphore_mem>>
      %dma_start3A = arith.constant 0 : i32
      %dma_start3A_15 = tpu.memref_slice %arg8[%mul3A_4, %dma_start3A] : memref<10112x16xf32, #tpu.memory_space<vmem_shared>> -> memref<632x16xf32, #tpu.memory_space<vmem_shared>>
      %dma_start3A_16 = arith.constant 0 : i32
      %dma_start3A_17 = tpu.memref_slice %arg2[%mul3A_2, %dma_start3A_16] : memref<10112x16xf32, #tpu.memory_space<hbm>> -> memref<632x16xf32, #tpu.memory_space<hbm>>
      tpu.enqueue_dma source(%dma_start3A_17 : memref<632x16xf32, #tpu.memory_space<hbm>>) target(%dma_start3A_15 : memref<632x16xf32, #tpu.memory_space<vmem_shared>>) target_semaphore(%run_scoped3A : memref<!tpu.dma_semaphore, #tpu.memory_space<semaphore_mem>>)
      %dma_wait3A = arith.constant 0 : i32
      %dma_wait3A_18 = tpu.memref_slice %arg8[%mul3A_4, %dma_wait3A] : memref<10112x16xf32, #tpu.memory_space<vmem_shared>> -> memref<632x16xf32, #tpu.memory_space<vmem_shared>>
      %dma_wait3A_19 = arith.constant 0 : i32
      %dma_wait3A_20 = tpu.memref_slice %arg2[%mul3A_2, %dma_wait3A_19] : memref<10112x16xf32, #tpu.memory_space<hbm>> -> memref<632x16xf32, #tpu.memory_space<hbm>>
      tpu.wait_dma2 semaphore(%run_scoped3A : memref<!tpu.dma_semaphore, #tpu.memory_space<semaphore_mem>>) src(%dma_wait3A_20 : memref<632x16xf32, #tpu.memory_space<hbm>>) dst(%dma_wait3A_18 : memref<632x16xf32, #tpu.memory_space<vmem_shared>>)
      tpu.yield
    }) : () -> ()
    "tpu.region"() ({
      %run_scoped3A = tpu.sem_alloc : memref<!tpu.dma_semaphore, #tpu.memory_space<semaphore_mem>>
      %dma_start3A = arith.constant 0 : i32
      %dma_start3A_15 = arith.constant 0 : i32
      %dma_start3A_16 = tpu.memref_slice %arg4[%add3A, %dma_start3A, %dma_start3A_15] : memref<32x79x128xi32, #tpu.memory_space<hbm>> -> memref<1x79x128xi32, #tpu.memory_space<hbm>>
      %dma_start3A_17 = tpu.memref_squeeze %dma_start3A_16 : memref<1x79x128xi32, #tpu.memory_space<hbm>> -> memref<79x128xi32, #tpu.memory_space<hbm>>
      %dma_start3A_18 = arith.constant 0 : i32
      %dma_start3A_19 = arith.constant 0 : i32
      %dma_start3A_20 = tpu.memref_slice %arg4[%add3A, %dma_start3A_18, %dma_start3A_19] : memref<32x79x128xi32, #tpu.memory_space<hbm>> -> memref<1x79x128xi32, #tpu.memory_space<hbm>>
      %dma_start3A_21 = tpu.memref_squeeze %dma_start3A_20 : memref<1x79x128xi32, #tpu.memory_space<hbm>> -> memref<79x128xi32, #tpu.memory_space<hbm>>
      tpu.enqueue_dma source(%dma_start3A_21 : memref<79x128xi32, #tpu.memory_space<hbm>>) target(%arg6 : memref<79x128xi32, #tpu.memory_space<vmem>>) target_semaphore(%run_scoped3A : memref<!tpu.dma_semaphore, #tpu.memory_space<semaphore_mem>>)
      %dma_wait3A = arith.constant 0 : i32
      %dma_wait3A_22 = arith.constant 0 : i32
      %dma_wait3A_23 = tpu.memref_slice %arg4[%add3A, %dma_wait3A, %dma_wait3A_22] : memref<32x79x128xi32, #tpu.memory_space<hbm>> -> memref<1x79x128xi32, #tpu.memory_space<hbm>>
      %dma_wait3A_24 = tpu.memref_squeeze %dma_wait3A_23 : memref<1x79x128xi32, #tpu.memory_space<hbm>> -> memref<79x128xi32, #tpu.memory_space<hbm>>
      %dma_wait3A_25 = arith.constant 0 : i32
      %dma_wait3A_26 = arith.constant 0 : i32
      %dma_wait3A_27 = tpu.memref_slice %arg4[%add3A, %dma_wait3A_25, %dma_wait3A_26] : memref<32x79x128xi32, #tpu.memory_space<hbm>> -> memref<1x79x128xi32, #tpu.memory_space<hbm>>
      %dma_wait3A_28 = tpu.memref_squeeze %dma_wait3A_27 : memref<1x79x128xi32, #tpu.memory_space<hbm>> -> memref<79x128xi32, #tpu.memory_space<hbm>>
      tpu.wait_dma2 semaphore(%run_scoped3A : memref<!tpu.dma_semaphore, #tpu.memory_space<semaphore_mem>>) src(%dma_wait3A_28 : memref<79x128xi32, #tpu.memory_space<hbm>>) dst(%arg6 : memref<79x128xi32, #tpu.memory_space<vmem>>)
      tpu.yield
    }) : () -> ()
    "tpu.region"() ({
      %run_scoped3A = tpu.sem_alloc : memref<!tpu.dma_semaphore, #tpu.memory_space<semaphore_mem>>
      tpu.enqueue_dma source(%arg3 : memref<128x16xf32, #tpu.memory_space<hbm>>) target(%arg7 : memref<128x16xf32, #tpu.memory_space<vmem>>) target_semaphore(%run_scoped3A : memref<!tpu.dma_semaphore, #tpu.memory_space<semaphore_mem>>)
      tpu.wait_dma2 semaphore(%run_scoped3A : memref<!tpu.dma_semaphore, #tpu.memory_space<semaphore_mem>>) src(%arg3 : memref<128x16xf32, #tpu.memory_space<hbm>>) dst(%arg7 : memref<128x16xf32, #tpu.memory_space<vmem>>)
      tpu.yield
    }) : () -> ()
    %barrier3A = arith.constant 0 : index
    tpu.barrier barrier_id(%barrier3A)
    %scan3A = arith.constant 0 : i32
    %scan3A_5 = arith.constant 0 : i32
    %scan3A_6 = arith.constant 79 : i32
    %scan3A_7 = arith.addi %scan3A_5, %scan3A_6 : i32
    %scan3A_8 = arith.constant 1 : i32
    scf.for %scan3A_15 = %scan3A_5 to %scan3A_7 step %scan3A_8  : i32 {
      "tpu.region"() ({
        %run_scoped3A = tpu.sem_alloc : memref<!tpu.dma_semaphore, #tpu.memory_space<semaphore_mem>>
        %dma_start3A = arith.constant 0 : i32
        %dma_start3A_16 = tpu.memref_slice %arg6[%scan3A_15, %dma_start3A] : memref<79x128xi32, #tpu.memory_space<vmem>> -> memref<1x128xi32, #tpu.memory_space<vmem>>
        %dma_start3A_17 = tpu.memref_squeeze %dma_start3A_16 : memref<1x128xi32, #tpu.memory_space<vmem>> -> memref<128xi32, #tpu.memory_space<vmem>>
        %dma_start3A_18 = arith.constant 0 : i32
        %dma_start3A_19 = arith.constant 0 : i32
        %dma_start3A_20 = tpu.memref_slice %arg8[%dma_start3A_18, %dma_start3A_19] : memref<10112x16xf32, #tpu.memory_space<vmem_shared>> -> memref<10112x16xf32, #tpu.memory_space<vmem_shared>>
        tpu.enqueue_indirect_dma source(%arg7 : memref<128x16xf32, #tpu.memory_space<vmem>>) target(%dma_start3A_20 : memref<10112x16xf32, #tpu.memory_space<vmem_shared>>) offsets(%dma_start3A_17 : memref<128xi32, #tpu.memory_space<vmem>>) semaphore(%run_scoped3A : memref<!tpu.dma_semaphore, #tpu.memory_space<semaphore_mem>>) {add = true}
        %dma_wait3A = arith.constant 0 : i32
        %dma_wait3A_21 = tpu.memref_slice %arg6[%scan3A_15, %dma_wait3A] : memref<79x128xi32, #tpu.memory_space<vmem>> -> memref<1x128xi32, #tpu.memory_space<vmem>>
        %dma_wait3A_22 = tpu.memref_squeeze %dma_wait3A_21 : memref<1x128xi32, #tpu.memory_space<vmem>> -> memref<128xi32, #tpu.memory_space<vmem>>
        %dma_wait3A_23 = arith.constant 0 : i32
        %dma_wait3A_24 = arith.constant 0 : i32
        %dma_wait3A_25 = tpu.memref_slice %arg8[%dma_wait3A_23, %dma_wait3A_24] : memref<10112x16xf32, #tpu.memory_space<vmem_shared>> -> memref<10112x16xf32, #tpu.memory_space<vmem_shared>>
        tpu.wait_indirect_dma semaphore(%run_scoped3A : memref<!tpu.dma_semaphore, #tpu.memory_space<semaphore_mem>>) src(%arg7 : memref<128x16xf32, #tpu.memory_space<vmem>>) dst(%dma_wait3A_25 : memref<10112x16xf32, #tpu.memory_space<vmem_shared>>)
        tpu.yield
      }) : () -> ()
    }
    %scan3A_9 = arith.constant 79 : i32
    %barrier3A_10 = arith.constant 0 : index
    tpu.barrier barrier_id(%barrier3A_10)
    %mul3A_11 = arith.constant 632 : i32
    %mul3A_12 = arith.muli %arg1, %mul3A_11 : i32
    %mul3A_13 = arith.constant 632 : i32
    %mul3A_14 = arith.muli %arg1, %mul3A_13 : i32
    "tpu.region"() ({
      %run_scoped3A = tpu.sem_alloc : memref<!tpu.dma_semaphore, #tpu.memory_space<semaphore_mem>>
      %dma_start3A = arith.constant 0 : i32
      %dma_start3A_15 = tpu.memref_slice %arg5[%arg0, %mul3A_14, %dma_start3A] : memref<2x10112x16xf32, #tpu.memory_space<hbm>> -> memref<1x632x16xf32, #tpu.memory_space<hbm>>
      %dma_start3A_16 = tpu.memref_squeeze %dma_start3A_15 : memref<1x632x16xf32, #tpu.memory_space<hbm>> -> memref<632x16xf32, #tpu.memory_space<hbm>>
      %dma_start3A_17 = arith.constant 0 : i32
      %dma_start3A_18 = tpu.memref_slice %arg8[%mul3A_12, %dma_start3A_17] : memref<10112x16xf32, #tpu.memory_space<vmem_shared>> -> memref<632x16xf32, #tpu.memory_space<vmem_shared>>
      tpu.enqueue_dma source(%dma_start3A_18 : memref<632x16xf32, #tpu.memory_space<vmem_shared>>) target(%dma_start3A_16 : memref<632x16xf32, #tpu.memory_space<hbm>>) target_semaphore(%run_scoped3A : memref<!tpu.dma_semaphore, #tpu.memory_space<semaphore_mem>>)
      %dma_wait3A = arith.constant 0 : i32
      %dma_wait3A_19 = tpu.memref_slice %arg5[%arg0, %mul3A_14, %dma_wait3A] : memref<2x10112x16xf32, #tpu.memory_space<hbm>> -> memref<1x632x16xf32, #tpu.memory_space<hbm>>
      %dma_wait3A_20 = tpu.memref_squeeze %dma_wait3A_19 : memref<1x632x16xf32, #tpu.memory_space<hbm>> -> memref<632x16xf32, #tpu.memory_space<hbm>>
      %dma_wait3A_21 = arith.constant 0 : i32
      %dma_wait3A_22 = tpu.memref_slice %arg8[%mul3A_12, %dma_wait3A_21] : memref<10112x16xf32, #tpu.memory_space<vmem_shared>> -> memref<632x16xf32, #tpu.memory_space<vmem_shared>>
      tpu.wait_dma2 semaphore(%run_scoped3A : memref<!tpu.dma_semaphore, #tpu.memory_space<semaphore_mem>>) src(%dma_wait3A_22 : memref<632x16xf32, #tpu.memory_space<vmem_shared>>) dst(%dma_wait3A_20 : memref<632x16xf32, #tpu.memory_space<hbm>>)
      tpu.yield
    }) : () -> ()
    return
  }
}

#map = affine_map<(d0, d1) -> (0, 0)>
#map1 = affine_map<(d0, d1) -> (0, 0, 0)>
module attributes {stable_mosaic.version = 14 : i64} {
  func.func @k(%arg0: i32, %arg1: i32, %arg2: memref<10112x128xf32, #tpu.memory_space<hbm>>, %arg3: memref<10112x128xf32, #tpu.memory_space<hbm>>, %arg4: memref<32x79x128xi32, #tpu.memory_space<hbm>>, %arg5: memref<32x79x128xi32, #tpu.memory_space<hbm>>, %arg6: memref<2x10112x128xf32, #tpu.memory_space<hbm>>, %arg7: memref<79x128xi32, #tpu.memory_space<vmem>>, %arg8: memref<79x128xi32, #tpu.memory_space<vmem>>, %arg9: memref<128x128xf32, #tpu.memory_space<vmem>>, %arg10: memref<10112x128xf32, #tpu.memory_space<vmem_shared>>, %arg11: memref<!tpu.dma_semaphore, #tpu.memory_space<semaphore_mem>>) attributes {dimension_semantics = [#tpu.dimension_semantics<core_parallel>, #tpu.dimension_semantics<subcore_parallel>], iteration_bounds = array<i64: 2, 16>, scalar_prefetch = 0 : i64, scratch_operands = 5 : i64, tpu.core_type = #tpu.core_type<sc_vector_subcore>, window_params = [{transform_indices = #map}, {transform_indices = #map}, {transform_indices = #map1}, {transform_indices = #map1}, {transform_indices = #map1}]} {
    %mul3A = arith.constant 2 : i32
    %mul3A_0 = arith.muli %arg1, %mul3A : i32
    %add3A = arith.addi %mul3A_0, %arg0 : i32
    %mul3A_1 = arith.constant 632 : i32
    %mul3A_2 = arith.muli %arg1, %mul3A_1 : i32
    %mul3A_3 = arith.constant 632 : i32
    %mul3A_4 = arith.muli %arg1, %mul3A_3 : i32
    "tpu.region"() ({
      %run_scoped3A = tpu.sem_alloc : memref<!tpu.dma_semaphore, #tpu.memory_space<semaphore_mem>>
      %dma_start3A = arith.constant 0 : i32
      %dma_start3A_15 = tpu.memref_slice %arg10[%mul3A_4, %dma_start3A] : memref<10112x128xf32, #tpu.memory_space<vmem_shared>> -> memref<632x128xf32, #tpu.memory_space<vmem_shared>>
      %dma_start3A_16 = arith.constant 0 : i32
      %dma_start3A_17 = tpu.memref_slice %arg3[%mul3A_2, %dma_start3A_16] : memref<10112x128xf32, #tpu.memory_space<hbm>> -> memref<632x128xf32, #tpu.memory_space<hbm>>
      tpu.enqueue_dma source(%dma_start3A_17 : memref<632x128xf32, #tpu.memory_space<hbm>>) target(%dma_start3A_15 : memref<632x128xf32, #tpu.memory_space<vmem_shared>>) target_semaphore(%run_scoped3A : memref<!tpu.dma_semaphore, #tpu.memory_space<semaphore_mem>>)
      %dma_wait3A = arith.constant 0 : i32
      %dma_wait3A_18 = tpu.memref_slice %arg10[%mul3A_4, %dma_wait3A] : memref<10112x128xf32, #tpu.memory_space<vmem_shared>> -> memref<632x128xf32, #tpu.memory_space<vmem_shared>>
      %dma_wait3A_19 = arith.constant 0 : i32
      %dma_wait3A_20 = tpu.memref_slice %arg3[%mul3A_2, %dma_wait3A_19] : memref<10112x128xf32, #tpu.memory_space<hbm>> -> memref<632x128xf32, #tpu.memory_space<hbm>>
      tpu.wait_dma2 semaphore(%run_scoped3A : memref<!tpu.dma_semaphore, #tpu.memory_space<semaphore_mem>>) src(%dma_wait3A_20 : memref<632x128xf32, #tpu.memory_space<hbm>>) dst(%dma_wait3A_18 : memref<632x128xf32, #tpu.memory_space<vmem_shared>>)
      tpu.yield
    }) : () -> ()
    "tpu.region"() ({
      %run_scoped3A = tpu.sem_alloc : memref<!tpu.dma_semaphore, #tpu.memory_space<semaphore_mem>>
      %dma_start3A = arith.constant 0 : i32
      %dma_start3A_15 = arith.constant 0 : i32
      %dma_start3A_16 = tpu.memref_slice %arg4[%add3A, %dma_start3A, %dma_start3A_15] : memref<32x79x128xi32, #tpu.memory_space<hbm>> -> memref<1x79x128xi32, #tpu.memory_space<hbm>>
      %dma_start3A_17 = tpu.memref_squeeze %dma_start3A_16 : memref<1x79x128xi32, #tpu.memory_space<hbm>> -> memref<79x128xi32, #tpu.memory_space<hbm>>
      %dma_start3A_18 = arith.constant 0 : i32
      %dma_start3A_19 = arith.constant 0 : i32
      %dma_start3A_20 = tpu.memref_slice %arg4[%add3A, %dma_start3A_18, %dma_start3A_19] : memref<32x79x128xi32, #tpu.memory_space<hbm>> -> memref<1x79x128xi32, #tpu.memory_space<hbm>>
      %dma_start3A_21 = tpu.memref_squeeze %dma_start3A_20 : memref<1x79x128xi32, #tpu.memory_space<hbm>> -> memref<79x128xi32, #tpu.memory_space<hbm>>
      tpu.enqueue_dma source(%dma_start3A_21 : memref<79x128xi32, #tpu.memory_space<hbm>>) target(%arg7 : memref<79x128xi32, #tpu.memory_space<vmem>>) target_semaphore(%run_scoped3A : memref<!tpu.dma_semaphore, #tpu.memory_space<semaphore_mem>>)
      %dma_wait3A = arith.constant 0 : i32
      %dma_wait3A_22 = arith.constant 0 : i32
      %dma_wait3A_23 = tpu.memref_slice %arg4[%add3A, %dma_wait3A, %dma_wait3A_22] : memref<32x79x128xi32, #tpu.memory_space<hbm>> -> memref<1x79x128xi32, #tpu.memory_space<hbm>>
      %dma_wait3A_24 = tpu.memref_squeeze %dma_wait3A_23 : memref<1x79x128xi32, #tpu.memory_space<hbm>> -> memref<79x128xi32, #tpu.memory_space<hbm>>
      %dma_wait3A_25 = arith.constant 0 : i32
      %dma_wait3A_26 = arith.constant 0 : i32
      %dma_wait3A_27 = tpu.memref_slice %arg4[%add3A, %dma_wait3A_25, %dma_wait3A_26] : memref<32x79x128xi32, #tpu.memory_space<hbm>> -> memref<1x79x128xi32, #tpu.memory_space<hbm>>
      %dma_wait3A_28 = tpu.memref_squeeze %dma_wait3A_27 : memref<1x79x128xi32, #tpu.memory_space<hbm>> -> memref<79x128xi32, #tpu.memory_space<hbm>>
      tpu.wait_dma2 semaphore(%run_scoped3A : memref<!tpu.dma_semaphore, #tpu.memory_space<semaphore_mem>>) src(%dma_wait3A_28 : memref<79x128xi32, #tpu.memory_space<hbm>>) dst(%arg7 : memref<79x128xi32, #tpu.memory_space<vmem>>)
      tpu.yield
    }) : () -> ()
    "tpu.region"() ({
      %run_scoped3A = tpu.sem_alloc : memref<!tpu.dma_semaphore, #tpu.memory_space<semaphore_mem>>
      %dma_start3A = arith.constant 0 : i32
      %dma_start3A_15 = arith.constant 0 : i32
      %dma_start3A_16 = tpu.memref_slice %arg5[%add3A, %dma_start3A, %dma_start3A_15] : memref<32x79x128xi32, #tpu.memory_space<hbm>> -> memref<1x79x128xi32, #tpu.memory_space<hbm>>
      %dma_start3A_17 = tpu.memref_squeeze %dma_start3A_16 : memref<1x79x128xi32, #tpu.memory_space<hbm>> -> memref<79x128xi32, #tpu.memory_space<hbm>>
      %dma_start3A_18 = arith.constant 0 : i32
      %dma_start3A_19 = arith.constant 0 : i32
      %dma_start3A_20 = tpu.memref_slice %arg5[%add3A, %dma_start3A_18, %dma_start3A_19] : memref<32x79x128xi32, #tpu.memory_space<hbm>> -> memref<1x79x128xi32, #tpu.memory_space<hbm>>
      %dma_start3A_21 = tpu.memref_squeeze %dma_start3A_20 : memref<1x79x128xi32, #tpu.memory_space<hbm>> -> memref<79x128xi32, #tpu.memory_space<hbm>>
      tpu.enqueue_dma source(%dma_start3A_21 : memref<79x128xi32, #tpu.memory_space<hbm>>) target(%arg8 : memref<79x128xi32, #tpu.memory_space<vmem>>) target_semaphore(%run_scoped3A : memref<!tpu.dma_semaphore, #tpu.memory_space<semaphore_mem>>)
      %dma_wait3A = arith.constant 0 : i32
      %dma_wait3A_22 = arith.constant 0 : i32
      %dma_wait3A_23 = tpu.memref_slice %arg5[%add3A, %dma_wait3A, %dma_wait3A_22] : memref<32x79x128xi32, #tpu.memory_space<hbm>> -> memref<1x79x128xi32, #tpu.memory_space<hbm>>
      %dma_wait3A_24 = tpu.memref_squeeze %dma_wait3A_23 : memref<1x79x128xi32, #tpu.memory_space<hbm>> -> memref<79x128xi32, #tpu.memory_space<hbm>>
      %dma_wait3A_25 = arith.constant 0 : i32
      %dma_wait3A_26 = arith.constant 0 : i32
      %dma_wait3A_27 = tpu.memref_slice %arg5[%add3A, %dma_wait3A_25, %dma_wait3A_26] : memref<32x79x128xi32, #tpu.memory_space<hbm>> -> memref<1x79x128xi32, #tpu.memory_space<hbm>>
      %dma_wait3A_28 = tpu.memref_squeeze %dma_wait3A_27 : memref<1x79x128xi32, #tpu.memory_space<hbm>> -> memref<79x128xi32, #tpu.memory_space<hbm>>
      tpu.wait_dma2 semaphore(%run_scoped3A : memref<!tpu.dma_semaphore, #tpu.memory_space<semaphore_mem>>) src(%dma_wait3A_28 : memref<79x128xi32, #tpu.memory_space<hbm>>) dst(%arg8 : memref<79x128xi32, #tpu.memory_space<vmem>>)
      tpu.yield
    }) : () -> ()
    %barrier3A = arith.constant 0 : index
    tpu.barrier barrier_id(%barrier3A)
    %scan3A = arith.constant 0 : i32
    %scan3A_5 = arith.constant 0 : i32
    %scan3A_6 = arith.constant 79 : i32
    %scan3A_7 = arith.addi %scan3A_5, %scan3A_6 : i32
    %scan3A_8 = arith.constant 1 : i32
    scf.for %scan3A_15 = %scan3A_5 to %scan3A_7 step %scan3A_8  : i32 {
      %dma_start3A = arith.constant 0 : i32
      %dma_start3A_16 = tpu.memref_slice %arg7[%scan3A_15, %dma_start3A] : memref<79x128xi32, #tpu.memory_space<vmem>> -> memref<1x128xi32, #tpu.memory_space<vmem>>
      %dma_start3A_17 = tpu.memref_squeeze %dma_start3A_16 : memref<1x128xi32, #tpu.memory_space<vmem>> -> memref<128xi32, #tpu.memory_space<vmem>>
      %dma_start3A_18 = arith.constant 0 : i32
      %dma_start3A_19 = arith.constant 0 : i32
      %dma_start3A_20 = tpu.memref_slice %arg2[%dma_start3A_18, %dma_start3A_19] : memref<10112x128xf32, #tpu.memory_space<hbm>> -> memref<10112x128xf32, #tpu.memory_space<hbm>>
      tpu.enqueue_indirect_dma source(%dma_start3A_20 : memref<10112x128xf32, #tpu.memory_space<hbm>>) target(%arg9 : memref<128x128xf32, #tpu.memory_space<vmem>>) offsets(%dma_start3A_17 : memref<128xi32, #tpu.memory_space<vmem>>) semaphore(%arg11 : memref<!tpu.dma_semaphore, #tpu.memory_space<semaphore_mem>>)
      %dma_wait3A = arith.constant 0 : i32
      %dma_wait3A_21 = tpu.memref_slice %arg7[%scan3A_15, %dma_wait3A] : memref<79x128xi32, #tpu.memory_space<vmem>> -> memref<1x128xi32, #tpu.memory_space<vmem>>
      %dma_wait3A_22 = tpu.memref_squeeze %dma_wait3A_21 : memref<1x128xi32, #tpu.memory_space<vmem>> -> memref<128xi32, #tpu.memory_space<vmem>>
      %dma_wait3A_23 = arith.constant 0 : i32
      %dma_wait3A_24 = arith.constant 0 : i32
      %dma_wait3A_25 = tpu.memref_slice %arg2[%dma_wait3A_23, %dma_wait3A_24] : memref<10112x128xf32, #tpu.memory_space<hbm>> -> memref<10112x128xf32, #tpu.memory_space<hbm>>
      tpu.wait_indirect_dma semaphore(%arg11 : memref<!tpu.dma_semaphore, #tpu.memory_space<semaphore_mem>>) src(%dma_wait3A_25 : memref<10112x128xf32, #tpu.memory_space<hbm>>) dst(%arg9 : memref<128x128xf32, #tpu.memory_space<vmem>>)
      "tpu.region"() ({
        %run_scoped3A = tpu.sem_alloc : memref<!tpu.dma_semaphore, #tpu.memory_space<semaphore_mem>>
        %dma_start3A_26 = arith.constant 0 : i32
        %dma_start3A_27 = tpu.memref_slice %arg8[%scan3A_15, %dma_start3A_26] : memref<79x128xi32, #tpu.memory_space<vmem>> -> memref<1x128xi32, #tpu.memory_space<vmem>>
        %dma_start3A_28 = tpu.memref_squeeze %dma_start3A_27 : memref<1x128xi32, #tpu.memory_space<vmem>> -> memref<128xi32, #tpu.memory_space<vmem>>
        %dma_start3A_29 = arith.constant 0 : i32
        %dma_start3A_30 = arith.constant 0 : i32
        %dma_start3A_31 = tpu.memref_slice %arg10[%dma_start3A_29, %dma_start3A_30] : memref<10112x128xf32, #tpu.memory_space<vmem_shared>> -> memref<10112x128xf32, #tpu.memory_space<vmem_shared>>
        tpu.enqueue_indirect_dma source(%arg9 : memref<128x128xf32, #tpu.memory_space<vmem>>) target(%dma_start3A_31 : memref<10112x128xf32, #tpu.memory_space<vmem_shared>>) offsets(%dma_start3A_28 : memref<128xi32, #tpu.memory_space<vmem>>) semaphore(%run_scoped3A : memref<!tpu.dma_semaphore, #tpu.memory_space<semaphore_mem>>) {add = true}
        %dma_wait3A_32 = arith.constant 0 : i32
        %dma_wait3A_33 = tpu.memref_slice %arg8[%scan3A_15, %dma_wait3A_32] : memref<79x128xi32, #tpu.memory_space<vmem>> -> memref<1x128xi32, #tpu.memory_space<vmem>>
        %dma_wait3A_34 = tpu.memref_squeeze %dma_wait3A_33 : memref<1x128xi32, #tpu.memory_space<vmem>> -> memref<128xi32, #tpu.memory_space<vmem>>
        %dma_wait3A_35 = arith.constant 0 : i32
        %dma_wait3A_36 = arith.constant 0 : i32
        %dma_wait3A_37 = tpu.memref_slice %arg10[%dma_wait3A_35, %dma_wait3A_36] : memref<10112x128xf32, #tpu.memory_space<vmem_shared>> -> memref<10112x128xf32, #tpu.memory_space<vmem_shared>>
        tpu.wait_indirect_dma semaphore(%run_scoped3A : memref<!tpu.dma_semaphore, #tpu.memory_space<semaphore_mem>>) src(%arg9 : memref<128x128xf32, #tpu.memory_space<vmem>>) dst(%dma_wait3A_37 : memref<10112x128xf32, #tpu.memory_space<vmem_shared>>)
        tpu.yield
      }) : () -> ()
    }
    %scan3A_9 = arith.constant 79 : i32
    %barrier3A_10 = arith.constant 0 : index
    tpu.barrier barrier_id(%barrier3A_10)
    %mul3A_11 = arith.constant 632 : i32
    %mul3A_12 = arith.muli %arg1, %mul3A_11 : i32
    %mul3A_13 = arith.constant 632 : i32
    %mul3A_14 = arith.muli %arg1, %mul3A_13 : i32
    "tpu.region"() ({
      %run_scoped3A = tpu.sem_alloc : memref<!tpu.dma_semaphore, #tpu.memory_space<semaphore_mem>>
      %dma_start3A = arith.constant 0 : i32
      %dma_start3A_15 = tpu.memref_slice %arg6[%arg0, %mul3A_14, %dma_start3A] : memref<2x10112x128xf32, #tpu.memory_space<hbm>> -> memref<1x632x128xf32, #tpu.memory_space<hbm>>
      %dma_start3A_16 = tpu.memref_squeeze %dma_start3A_15 : memref<1x632x128xf32, #tpu.memory_space<hbm>> -> memref<632x128xf32, #tpu.memory_space<hbm>>
      %dma_start3A_17 = arith.constant 0 : i32
      %dma_start3A_18 = tpu.memref_slice %arg10[%mul3A_12, %dma_start3A_17] : memref<10112x128xf32, #tpu.memory_space<vmem_shared>> -> memref<632x128xf32, #tpu.memory_space<vmem_shared>>
      tpu.enqueue_dma source(%dma_start3A_18 : memref<632x128xf32, #tpu.memory_space<vmem_shared>>) target(%dma_start3A_16 : memref<632x128xf32, #tpu.memory_space<hbm>>) target_semaphore(%run_scoped3A : memref<!tpu.dma_semaphore, #tpu.memory_space<semaphore_mem>>)
      %dma_wait3A = arith.constant 0 : i32
      %dma_wait3A_19 = tpu.memref_slice %arg6[%arg0, %mul3A_14, %dma_wait3A] : memref<2x10112x128xf32, #tpu.memory_space<hbm>> -> memref<1x632x128xf32, #tpu.memory_space<hbm>>
      %dma_wait3A_20 = tpu.memref_squeeze %dma_wait3A_19 : memref<1x632x128xf32, #tpu.memory_space<hbm>> -> memref<632x128xf32, #tpu.memory_space<hbm>>
      %dma_wait3A_21 = arith.constant 0 : i32
      %dma_wait3A_22 = tpu.memref_slice %arg10[%mul3A_12, %dma_wait3A_21] : memref<10112x128xf32, #tpu.memory_space<vmem_shared>> -> memref<632x128xf32, #tpu.memory_space<vmem_shared>>
      tpu.wait_dma2 semaphore(%run_scoped3A : memref<!tpu.dma_semaphore, #tpu.memory_space<semaphore_mem>>) src(%dma_wait3A_22 : memref<632x128xf32, #tpu.memory_space<vmem_shared>>) dst(%dma_wait3A_20 : memref<632x128xf32, #tpu.memory_space<hbm>>)
      tpu.yield
    }) : () -> ()
    return
  }
}

#map = affine_map<(d0, d1) -> (0, 0)>
#map1 = affine_map<(d0, d1) -> (0, 0, 0)>
#map2 = affine_map<(d0, d1) -> (0, 0, 0, 0)>
#map3 = affine_map<(d0, d1) -> (0)>
module attributes {stable_mosaic.version = 14 : i64} {
  func.func @k(%arg0: i32, %arg1: i32, %arg2: memref<10112x16xf32, #tpu.memory_space<hbm>>, %arg3: memref<32x79x128xi32, #tpu.memory_space<hbm>>, %arg4: memref<32x79x128xi32, #tpu.memory_space<hbm>>, %arg5: memref<32x79x128x16xf32, #tpu.memory_space<hbm>>, %arg6: memref<10112x16xf32, #tpu.memory_space<hbm>>, %arg7: memref<10112x16xf32, #tpu.memory_space<hbm>>, %arg8: memref<16xf32, #tpu.memory_space<hbm>>, %arg9: memref<2x10112x16xf32, #tpu.memory_space<hbm>>, %arg10: memref<79x128xi32, #tpu.memory_space<vmem>>, %arg11: memref<79x128xi32, #tpu.memory_space<vmem>>, %arg12: memref<16xf32, #tpu.memory_space<vmem>>, %arg13: memref<128x16xf32, #tpu.memory_space<vmem>>, %arg14: memref<128x16xf32, #tpu.memory_space<vmem>>, %arg15: memref<128x16xf32, #tpu.memory_space<vmem>>, %arg16: memref<128x16xf32, #tpu.memory_space<vmem>>, %arg17: memref<10112x16xf32, #tpu.memory_space<vmem_shared>>, %arg18: memref<!tpu.dma_semaphore, #tpu.memory_space<semaphore_mem>>) attributes {dimension_semantics = [#tpu.dimension_semantics<core_parallel>, #tpu.dimension_semantics<subcore_parallel>], iteration_bounds = array<i64: 2, 16>, scalar_prefetch = 0 : i64, scratch_operands = 9 : i64, tpu.core_type = #tpu.core_type<sc_vector_subcore>, window_params = [{transform_indices = #map}, {transform_indices = #map1}, {transform_indices = #map1}, {transform_indices = #map2}, {transform_indices = #map}, {transform_indices = #map}, {transform_indices = #map3}, {transform_indices = #map1}]} {
    %mul3A = arith.constant 2 : i32
    %mul3A_0 = arith.muli %arg1, %mul3A : i32
    %add3A = arith.addi %mul3A_0, %arg0 : i32
    %mul3A_1 = arith.constant 632 : i32
    %mul3A_2 = arith.muli %arg1, %mul3A_1 : i32
    %mul3A_3 = arith.constant 632 : i32
    %mul3A_4 = arith.muli %arg1, %mul3A_3 : i32
    "tpu.region"() ({
      %run_scoped3A = tpu.sem_alloc : memref<!tpu.dma_semaphore, #tpu.memory_space<semaphore_mem>>
      %dma_start3A = arith.constant 0 : i32
      %dma_start3A_17 = tpu.memref_slice %arg17[%mul3A_4, %dma_start3A] : memref<10112x16xf32, #tpu.memory_space<vmem_shared>> -> memref<632x16xf32, #tpu.memory_space<vmem_shared>>
      %dma_start3A_18 = arith.constant 0 : i32
      %dma_start3A_19 = tpu.memref_slice %arg2[%mul3A_2, %dma_start3A_18] : memref<10112x16xf32, #tpu.memory_space<hbm>> -> memref<632x16xf32, #tpu.memory_space<hbm>>
      tpu.enqueue_dma source(%dma_start3A_19 : memref<632x16xf32, #tpu.memory_space<hbm>>) target(%dma_start3A_17 : memref<632x16xf32, #tpu.memory_space<vmem_shared>>) target_semaphore(%run_scoped3A : memref<!tpu.dma_semaphore, #tpu.memory_space<semaphore_mem>>)
      %dma_wait3A = arith.constant 0 : i32
      %dma_wait3A_20 = tpu.memref_slice %arg17[%mul3A_4, %dma_wait3A] : memref<10112x16xf32, #tpu.memory_space<vmem_shared>> -> memref<632x16xf32, #tpu.memory_space<vmem_shared>>
      %dma_wait3A_21 = arith.constant 0 : i32
      %dma_wait3A_22 = tpu.memref_slice %arg2[%mul3A_2, %dma_wait3A_21] : memref<10112x16xf32, #tpu.memory_space<hbm>> -> memref<632x16xf32, #tpu.memory_space<hbm>>
      tpu.wait_dma2 semaphore(%run_scoped3A : memref<!tpu.dma_semaphore, #tpu.memory_space<semaphore_mem>>) src(%dma_wait3A_22 : memref<632x16xf32, #tpu.memory_space<hbm>>) dst(%dma_wait3A_20 : memref<632x16xf32, #tpu.memory_space<vmem_shared>>)
      tpu.yield
    }) : () -> ()
    "tpu.region"() ({
      %run_scoped3A = tpu.sem_alloc : memref<!tpu.dma_semaphore, #tpu.memory_space<semaphore_mem>>
      %dma_start3A = arith.constant 0 : i32
      %dma_start3A_17 = arith.constant 0 : i32
      %dma_start3A_18 = tpu.memref_slice %arg3[%add3A, %dma_start3A, %dma_start3A_17] : memref<32x79x128xi32, #tpu.memory_space<hbm>> -> memref<1x79x128xi32, #tpu.memory_space<hbm>>
      %dma_start3A_19 = tpu.memref_squeeze %dma_start3A_18 : memref<1x79x128xi32, #tpu.memory_space<hbm>> -> memref<79x128xi32, #tpu.memory_space<hbm>>
      %dma_start3A_20 = arith.constant 0 : i32
      %dma_start3A_21 = arith.constant 0 : i32
      %dma_start3A_22 = tpu.memref_slice %arg3[%add3A, %dma_start3A_20, %dma_start3A_21] : memref<32x79x128xi32, #tpu.memory_space<hbm>> -> memref<1x79x128xi32, #tpu.memory_space<hbm>>
      %dma_start3A_23 = tpu.memref_squeeze %dma_start3A_22 : memref<1x79x128xi32, #tpu.memory_space<hbm>> -> memref<79x128xi32, #tpu.memory_space<hbm>>
      tpu.enqueue_dma source(%dma_start3A_23 : memref<79x128xi32, #tpu.memory_space<hbm>>) target(%arg10 : memref<79x128xi32, #tpu.memory_space<vmem>>) target_semaphore(%run_scoped3A : memref<!tpu.dma_semaphore, #tpu.memory_space<semaphore_mem>>)
      %dma_wait3A = arith.constant 0 : i32
      %dma_wait3A_24 = arith.constant 0 : i32
      %dma_wait3A_25 = tpu.memref_slice %arg3[%add3A, %dma_wait3A, %dma_wait3A_24] : memref<32x79x128xi32, #tpu.memory_space<hbm>> -> memref<1x79x128xi32, #tpu.memory_space<hbm>>
      %dma_wait3A_26 = tpu.memref_squeeze %dma_wait3A_25 : memref<1x79x128xi32, #tpu.memory_space<hbm>> -> memref<79x128xi32, #tpu.memory_space<hbm>>
      %dma_wait3A_27 = arith.constant 0 : i32
      %dma_wait3A_28 = arith.constant 0 : i32
      %dma_wait3A_29 = tpu.memref_slice %arg3[%add3A, %dma_wait3A_27, %dma_wait3A_28] : memref<32x79x128xi32, #tpu.memory_space<hbm>> -> memref<1x79x128xi32, #tpu.memory_space<hbm>>
      %dma_wait3A_30 = tpu.memref_squeeze %dma_wait3A_29 : memref<1x79x128xi32, #tpu.memory_space<hbm>> -> memref<79x128xi32, #tpu.memory_space<hbm>>
      tpu.wait_dma2 semaphore(%run_scoped3A : memref<!tpu.dma_semaphore, #tpu.memory_space<semaphore_mem>>) src(%dma_wait3A_30 : memref<79x128xi32, #tpu.memory_space<hbm>>) dst(%arg10 : memref<79x128xi32, #tpu.memory_space<vmem>>)
      tpu.yield
    }) : () -> ()
    "tpu.region"() ({
      %run_scoped3A = tpu.sem_alloc : memref<!tpu.dma_semaphore, #tpu.memory_space<semaphore_mem>>
      %dma_start3A = arith.constant 0 : i32
      %dma_start3A_17 = arith.constant 0 : i32
      %dma_start3A_18 = tpu.memref_slice %arg4[%add3A, %dma_start3A, %dma_start3A_17] : memref<32x79x128xi32, #tpu.memory_space<hbm>> -> memref<1x79x128xi32, #tpu.memory_space<hbm>>
      %dma_start3A_19 = tpu.memref_squeeze %dma_start3A_18 : memref<1x79x128xi32, #tpu.memory_space<hbm>> -> memref<79x128xi32, #tpu.memory_space<hbm>>
      %dma_start3A_20 = arith.constant 0 : i32
      %dma_start3A_21 = arith.constant 0 : i32
      %dma_start3A_22 = tpu.memref_slice %arg4[%add3A, %dma_start3A_20, %dma_start3A_21] : memref<32x79x128xi32, #tpu.memory_space<hbm>> -> memref<1x79x128xi32, #tpu.memory_space<hbm>>
      %dma_start3A_23 = tpu.memref_squeeze %dma_start3A_22 : memref<1x79x128xi32, #tpu.memory_space<hbm>> -> memref<79x128xi32, #tpu.memory_space<hbm>>
      tpu.enqueue_dma source(%dma_start3A_23 : memref<79x128xi32, #tpu.memory_space<hbm>>) target(%arg11 : memref<79x128xi32, #tpu.memory_space<vmem>>) target_semaphore(%run_scoped3A : memref<!tpu.dma_semaphore, #tpu.memory_space<semaphore_mem>>)
      %dma_wait3A = arith.constant 0 : i32
      %dma_wait3A_24 = arith.constant 0 : i32
      %dma_wait3A_25 = tpu.memref_slice %arg4[%add3A, %dma_wait3A, %dma_wait3A_24] : memref<32x79x128xi32, #tpu.memory_space<hbm>> -> memref<1x79x128xi32, #tpu.memory_space<hbm>>
      %dma_wait3A_26 = tpu.memref_squeeze %dma_wait3A_25 : memref<1x79x128xi32, #tpu.memory_space<hbm>> -> memref<79x128xi32, #tpu.memory_space<hbm>>
      %dma_wait3A_27 = arith.constant 0 : i32
      %dma_wait3A_28 = arith.constant 0 : i32
      %dma_wait3A_29 = tpu.memref_slice %arg4[%add3A, %dma_wait3A_27, %dma_wait3A_28] : memref<32x79x128xi32, #tpu.memory_space<hbm>> -> memref<1x79x128xi32, #tpu.memory_space<hbm>>
      %dma_wait3A_30 = tpu.memref_squeeze %dma_wait3A_29 : memref<1x79x128xi32, #tpu.memory_space<hbm>> -> memref<79x128xi32, #tpu.memory_space<hbm>>
      tpu.wait_dma2 semaphore(%run_scoped3A : memref<!tpu.dma_semaphore, #tpu.memory_space<semaphore_mem>>) src(%dma_wait3A_30 : memref<79x128xi32, #tpu.memory_space<hbm>>) dst(%arg11 : memref<79x128xi32, #tpu.memory_space<vmem>>)
      tpu.yield
    }) : () -> ()
    "tpu.region"() ({
      %run_scoped3A = tpu.sem_alloc : memref<!tpu.dma_semaphore, #tpu.memory_space<semaphore_mem>>
      tpu.enqueue_dma source(%arg8 : memref<16xf32, #tpu.memory_space<hbm>>) target(%arg12 : memref<16xf32, #tpu.memory_space<vmem>>) target_semaphore(%run_scoped3A : memref<!tpu.dma_semaphore, #tpu.memory_space<semaphore_mem>>)
      tpu.wait_dma2 semaphore(%run_scoped3A : memref<!tpu.dma_semaphore, #tpu.memory_space<semaphore_mem>>) src(%arg8 : memref<16xf32, #tpu.memory_space<hbm>>) dst(%arg12 : memref<16xf32, #tpu.memory_space<vmem>>)
      tpu.yield
    }) : () -> ()
    %barrier3A = arith.constant 0 : index
    tpu.barrier barrier_id(%barrier3A)
    %get3A = arith.constant 0 : index
    %get3A_5 = tpu.vector_load %arg12[%get3A] {strides = array<i32>} : memref<16xf32, #tpu.memory_space<vmem>>, vector<16xf32>,
    %get3A_6 = vector.shape_cast %get3A_5 : vector<16xf32> to vector<16xf32>
    %scan3A = arith.constant 0 : i32
    %scan3A_7 = arith.constant 0 : i32
    %scan3A_8 = arith.constant 79 : i32
    %scan3A_9 = arith.addi %scan3A_7, %scan3A_8 : i32
    %scan3A_10 = arith.constant 1 : i32
    scf.for %scan3A_17 = %scan3A_7 to %scan3A_9 step %scan3A_10  : i32 {
      %dma_start3A = arith.constant 0 : i32
      %dma_start3A_18 = tpu.memref_slice %arg10[%scan3A_17, %dma_start3A] : memref<79x128xi32, #tpu.memory_space<vmem>> -> memref<1x128xi32, #tpu.memory_space<vmem>>
      %dma_start3A_19 = tpu.memref_squeeze %dma_start3A_18 : memref<1x128xi32, #tpu.memory_space<vmem>> -> memref<128xi32, #tpu.memory_space<vmem>>
      %dma_start3A_20 = arith.constant 0 : i32
      %dma_start3A_21 = arith.constant 0 : i32
      %dma_start3A_22 = tpu.memref_slice %arg6[%dma_start3A_20, %dma_start3A_21] : memref<10112x16xf32, #tpu.memory_space<hbm>> -> memref<10112x16xf32, #tpu.memory_space<hbm>>
      tpu.enqueue_indirect_dma source(%dma_start3A_22 : memref<10112x16xf32, #tpu.memory_space<hbm>>) target(%arg13 : memref<128x16xf32, #tpu.memory_space<vmem>>) offsets(%dma_start3A_19 : memref<128xi32, #tpu.memory_space<vmem>>) semaphore(%arg18 : memref<!tpu.dma_semaphore, #tpu.memory_space<semaphore_mem>>)
      %dma_start3A_23 = arith.constant 0 : i32
      %dma_start3A_24 = tpu.memref_slice %arg11[%scan3A_17, %dma_start3A_23] : memref<79x128xi32, #tpu.memory_space<vmem>> -> memref<1x128xi32, #tpu.memory_space<vmem>>
      %dma_start3A_25 = tpu.memref_squeeze %dma_start3A_24 : memref<1x128xi32, #tpu.memory_space<vmem>> -> memref<128xi32, #tpu.memory_space<vmem>>
      %dma_start3A_26 = arith.constant 0 : i32
      %dma_start3A_27 = arith.constant 0 : i32
      %dma_start3A_28 = tpu.memref_slice %arg7[%dma_start3A_26, %dma_start3A_27] : memref<10112x16xf32, #tpu.memory_space<hbm>> -> memref<10112x16xf32, #tpu.memory_space<hbm>>
      tpu.enqueue_indirect_dma source(%dma_start3A_28 : memref<10112x16xf32, #tpu.memory_space<hbm>>) target(%arg14 : memref<128x16xf32, #tpu.memory_space<vmem>>) offsets(%dma_start3A_25 : memref<128xi32, #tpu.memory_space<vmem>>) semaphore(%arg18 : memref<!tpu.dma_semaphore, #tpu.memory_space<semaphore_mem>>)
      "tpu.region"() ({
        %run_scoped3A = tpu.sem_alloc : memref<!tpu.dma_semaphore, #tpu.memory_space<semaphore_mem>>
        %dma_start3A_46 = arith.constant 0 : i32
        %dma_start3A_47 = arith.constant 0 : i32
        %dma_start3A_48 = tpu.memref_slice %arg5[%add3A, %scan3A_17, %dma_start3A_46, %dma_start3A_47] : memref<32x79x128x16xf32, #tpu.memory_space<hbm>> -> memref<1x1x128x16xf32, #tpu.memory_space<hbm>>
        %dma_start3A_49 = tpu.memref_squeeze %dma_start3A_48 : memref<1x1x128x16xf32, #tpu.memory_space<hbm>> -> memref<128x16xf32, #tpu.memory_space<hbm>>
        %dma_start3A_50 = arith.constant 0 : i32
        %dma_start3A_51 = arith.constant 0 : i32
        %dma_start3A_52 = tpu.memref_slice %arg5[%add3A, %scan3A_17, %dma_start3A_50, %dma_start3A_51] : memref<32x79x128x16xf32, #tpu.memory_space<hbm>> -> memref<1x1x128x16xf32, #tpu.memory_space<hbm>>
        %dma_start3A_53 = tpu.memref_squeeze %dma_start3A_52 : memref<1x1x128x16xf32, #tpu.memory_space<hbm>> -> memref<128x16xf32, #tpu.memory_space<hbm>>
        tpu.enqueue_dma source(%dma_start3A_53 : memref<128x16xf32, #tpu.memory_space<hbm>>) target(%arg15 : memref<128x16xf32, #tpu.memory_space<vmem>>) target_semaphore(%run_scoped3A : memref<!tpu.dma_semaphore, #tpu.memory_space<semaphore_mem>>)
        %dma_wait3A_54 = arith.constant 0 : i32
        %dma_wait3A_55 = arith.constant 0 : i32
        %dma_wait3A_56 = tpu.memref_slice %arg5[%add3A, %scan3A_17, %dma_wait3A_54, %dma_wait3A_55] : memref<32x79x128x16xf32, #tpu.memory_space<hbm>> -> memref<1x1x128x16xf32, #tpu.memory_space<hbm>>
        %dma_wait3A_57 = tpu.memref_squeeze %dma_wait3A_56 : memref<1x1x128x16xf32, #tpu.memory_space<hbm>> -> memref<128x16xf32, #tpu.memory_space<hbm>>
        %dma_wait3A_58 = arith.constant 0 : i32
        %dma_wait3A_59 = arith.constant 0 : i32
        %dma_wait3A_60 = tpu.memref_slice %arg5[%add3A, %scan3A_17, %dma_wait3A_58, %dma_wait3A_59] : memref<32x79x128x16xf32, #tpu.memory_space<hbm>> -> memref<1x1x128x16xf32, #tpu.memory_space<hbm>>
        %dma_wait3A_61 = tpu.memref_squeeze %dma_wait3A_60 : memref<1x1x128x16xf32, #tpu.memory_space<hbm>> -> memref<128x16xf32, #tpu.memory_space<hbm>>
        tpu.wait_dma2 semaphore(%run_scoped3A : memref<!tpu.dma_semaphore, #tpu.memory_space<semaphore_mem>>) src(%dma_wait3A_61 : memref<128x16xf32, #tpu.memory_space<hbm>>) dst(%arg15 : memref<128x16xf32, #tpu.memory_space<vmem>>)
        tpu.yield
      }) : () -> ()
      %dma_wait3A = arith.constant 0 : i32
      %dma_wait3A_29 = tpu.memref_slice %arg10[%scan3A_17, %dma_wait3A] : memref<79x128xi32, #tpu.memory_space<vmem>> -> memref<1x128xi32, #tpu.memory_space<vmem>>
      %dma_wait3A_30 = tpu.memref_squeeze %dma_wait3A_29 : memref<1x128xi32, #tpu.memory_space<vmem>> -> memref<128xi32, #tpu.memory_space<vmem>>
      %dma_wait3A_31 = arith.constant 0 : i32
      %dma_wait3A_32 = arith.constant 0 : i32
      %dma_wait3A_33 = tpu.memref_slice %arg6[%dma_wait3A_31, %dma_wait3A_32] : memref<10112x16xf32, #tpu.memory_space<hbm>> -> memref<10112x16xf32, #tpu.memory_space<hbm>>
      tpu.wait_indirect_dma semaphore(%arg18 : memref<!tpu.dma_semaphore, #tpu.memory_space<semaphore_mem>>) src(%dma_wait3A_33 : memref<10112x16xf32, #tpu.memory_space<hbm>>) dst(%arg13 : memref<128x16xf32, #tpu.memory_space<vmem>>)
      %dma_wait3A_34 = arith.constant 0 : i32
      %dma_wait3A_35 = tpu.memref_slice %arg11[%scan3A_17, %dma_wait3A_34] : memref<79x128xi32, #tpu.memory_space<vmem>> -> memref<1x128xi32, #tpu.memory_space<vmem>>
      %dma_wait3A_36 = tpu.memref_squeeze %dma_wait3A_35 : memref<1x128xi32, #tpu.memory_space<vmem>> -> memref<128xi32, #tpu.memory_space<vmem>>
      %dma_wait3A_37 = arith.constant 0 : i32
      %dma_wait3A_38 = arith.constant 0 : i32
      %dma_wait3A_39 = tpu.memref_slice %arg7[%dma_wait3A_37, %dma_wait3A_38] : memref<10112x16xf32, #tpu.memory_space<hbm>> -> memref<10112x16xf32, #tpu.memory_space<hbm>>
      tpu.wait_indirect_dma semaphore(%arg18 : memref<!tpu.dma_semaphore, #tpu.memory_space<semaphore_mem>>) src(%dma_wait3A_39 : memref<10112x16xf32, #tpu.memory_space<hbm>>) dst(%arg14 : memref<128x16xf32, #tpu.memory_space<vmem>>)
      %scan3A_40 = arith.constant 0 : i32
      %scan3A_41 = arith.constant 0 : i32
      %scan3A_42 = arith.constant 128 : i32
      %scan3A_43 = arith.addi %scan3A_41, %scan3A_42 : i32
      %scan3A_44 = arith.constant 1 : i32
      scf.for %scan3A_46 = %scan3A_41 to %scan3A_43 step %scan3A_44  : i32 {
        %get3A_47 = arith.index_cast %scan3A_46 : i32 to index
        %get3A_48 = arith.constant 0 : index
        %get3A_49 = tpu.vector_load %arg13[%get3A_47, %get3A_48] {strides = array<i32>} : memref<128x16xf32, #tpu.memory_space<vmem>>, vector<1x16xf32>,
        %get3A_50 = vector.shape_cast %get3A_49 : vector<1x16xf32> to vector<16xf32>
        %get3A_51 = arith.index_cast %scan3A_46 : i32 to index
        %get3A_52 = arith.constant 0 : index
        %get3A_53 = tpu.vector_load %arg14[%get3A_51, %get3A_52] {strides = array<i32>} : memref<128x16xf32, #tpu.memory_space<vmem>>, vector<1x16xf32>,
        %get3A_54 = vector.shape_cast %get3A_53 : vector<1x16xf32> to vector<16xf32>
        %add3A_55 = arith.addf %get3A_50, %get3A_54 : vector<16xf32>
        %get3A_56 = arith.index_cast %scan3A_46 : i32 to index
        %get3A_57 = arith.constant 0 : index
        %get3A_58 = tpu.vector_load %arg15[%get3A_56, %get3A_57] {strides = array<i32>} : memref<128x16xf32, #tpu.memory_space<vmem>>, vector<1x16xf32>,
        %get3A_59 = vector.shape_cast %get3A_58 : vector<1x16xf32> to vector<16xf32>
        %add3A_60 = arith.addf %add3A_55, %get3A_59 : vector<16xf32>
        %mul3A_61 = arith.constant 2.000000e-01 : f32
        %mul3A_62 = vector.broadcast %mul3A_61 : f32 to vector<16xf32>
        %mul3A_63 = arith.mulf %mul3A_62, %add3A_60 : vector<16xf32>
        %max3A = arith.maximumf %add3A_60, %mul3A_63 : vector<16xf32>
        %sub3A = arith.subf %max3A, %get3A_6 : vector<16xf32>
        %exp3A = math.exp %sub3A : vector<16xf32>
        %swap3A = arith.index_cast %scan3A_46 : i32 to index
        %swap3A_64 = arith.constant 0 : index
        %swap3A_65 = tpu.vector_load %arg16[%swap3A, %swap3A_64] {strides = array<i32>} : memref<128x16xf32, #tpu.memory_space<vmem>>, vector<1x16xf32>,
        %swap3A_66 = vector.shape_cast %swap3A_65 : vector<1x16xf32> to vector<16xf32>
        %swap3A_67 = vector.shape_cast %exp3A : vector<16xf32> to vector<1x16xf32>
        tpu.vector_store %arg16[%swap3A, %swap3A_64], %swap3A_67 {strides = array<i32>} : memref<128x16xf32, #tpu.memory_space<vmem>>, vector<1x16xf32>,
      }
      %scan3A_45 = arith.constant 128 : i32
      "tpu.region"() ({
        %run_scoped3A = tpu.sem_alloc : memref<!tpu.dma_semaphore, #tpu.memory_space<semaphore_mem>>
        %dma_start3A_46 = arith.constant 0 : i32
        %dma_start3A_47 = tpu.memref_slice %arg11[%scan3A_17, %dma_start3A_46] : memref<79x128xi32, #tpu.memory_space<vmem>> -> memref<1x128xi32, #tpu.memory_space<vmem>>
        %dma_start3A_48 = tpu.memref_squeeze %dma_start3A_47 : memref<1x128xi32, #tpu.memory_space<vmem>> -> memref<128xi32, #tpu.memory_space<vmem>>
        %dma_start3A_49 = arith.constant 0 : i32
        %dma_start3A_50 = arith.constant 0 : i32
        %dma_start3A_51 = tpu.memref_slice %arg17[%dma_start3A_49, %dma_start3A_50] : memref<10112x16xf32, #tpu.memory_space<vmem_shared>> -> memref<10112x16xf32, #tpu.memory_space<vmem_shared>>
        tpu.enqueue_indirect_dma source(%arg16 : memref<128x16xf32, #tpu.memory_space<vmem>>) target(%dma_start3A_51 : memref<10112x16xf32, #tpu.memory_space<vmem_shared>>) offsets(%dma_start3A_48 : memref<128xi32, #tpu.memory_space<vmem>>) semaphore(%run_scoped3A : memref<!tpu.dma_semaphore, #tpu.memory_space<semaphore_mem>>) {add = true}
        %dma_wait3A_52 = arith.constant 0 : i32
        %dma_wait3A_53 = tpu.memref_slice %arg11[%scan3A_17, %dma_wait3A_52] : memref<79x128xi32, #tpu.memory_space<vmem>> -> memref<1x128xi32, #tpu.memory_space<vmem>>
        %dma_wait3A_54 = tpu.memref_squeeze %dma_wait3A_53 : memref<1x128xi32, #tpu.memory_space<vmem>> -> memref<128xi32, #tpu.memory_space<vmem>>
        %dma_wait3A_55 = arith.constant 0 : i32
        %dma_wait3A_56 = arith.constant 0 : i32
        %dma_wait3A_57 = tpu.memref_slice %arg17[%dma_wait3A_55, %dma_wait3A_56] : memref<10112x16xf32, #tpu.memory_space<vmem_shared>> -> memref<10112x16xf32, #tpu.memory_space<vmem_shared>>
        tpu.wait_indirect_dma semaphore(%run_scoped3A : memref<!tpu.dma_semaphore, #tpu.memory_space<semaphore_mem>>) src(%arg16 : memref<128x16xf32, #tpu.memory_space<vmem>>) dst(%dma_wait3A_57 : memref<10112x16xf32, #tpu.memory_space<vmem_shared>>)
        tpu.yield
      }) : () -> ()
    }
    %scan3A_11 = arith.constant 79 : i32
    %barrier3A_12 = arith.constant 0 : index
    tpu.barrier barrier_id(%barrier3A_12)
    %mul3A_13 = arith.constant 632 : i32
    %mul3A_14 = arith.muli %arg1, %mul3A_13 : i32
    %mul3A_15 = arith.constant 632 : i32
    %mul3A_16 = arith.muli %arg1, %mul3A_15 : i32
    "tpu.region"() ({
      %run_scoped3A = tpu.sem_alloc : memref<!tpu.dma_semaphore, #tpu.memory_space<semaphore_mem>>
      %dma_start3A = arith.constant 0 : i32
      %dma_start3A_17 = tpu.memref_slice %arg9[%arg0, %mul3A_16, %dma_start3A] : memref<2x10112x16xf32, #tpu.memory_space<hbm>> -> memref<1x632x16xf32, #tpu.memory_space<hbm>>
      %dma_start3A_18 = tpu.memref_squeeze %dma_start3A_17 : memref<1x632x16xf32, #tpu.memory_space<hbm>> -> memref<632x16xf32, #tpu.memory_space<hbm>>
      %dma_start3A_19 = arith.constant 0 : i32
      %dma_start3A_20 = tpu.memref_slice %arg17[%mul3A_14, %dma_start3A_19] : memref<10112x16xf32, #tpu.memory_space<vmem_shared>> -> memref<632x16xf32, #tpu.memory_space<vmem_shared>>
      tpu.enqueue_dma source(%dma_start3A_20 : memref<632x16xf32, #tpu.memory_space<vmem_shared>>) target(%dma_start3A_18 : memref<632x16xf32, #tpu.memory_space<hbm>>) target_semaphore(%run_scoped3A : memref<!tpu.dma_semaphore, #tpu.memory_space<semaphore_mem>>)
      %dma_wait3A = arith.constant 0 : i32
      %dma_wait3A_21 = tpu.memref_slice %arg9[%arg0, %mul3A_16, %dma_wait3A] : memref<2x10112x16xf32, #tpu.memory_space<hbm>> -> memref<1x632x16xf32, #tpu.memory_space<hbm>>
      %dma_wait3A_22 = tpu.memref_squeeze %dma_wait3A_21 : memref<1x632x16xf32, #tpu.memory_space<hbm>> -> memref<632x16xf32, #tpu.memory_space<hbm>>
      %dma_wait3A_23 = arith.constant 0 : i32
      %dma_wait3A_24 = tpu.memref_slice %arg17[%mul3A_14, %dma_wait3A_23] : memref<10112x16xf32, #tpu.memory_space<vmem_shared>> -> memref<632x16xf32, #tpu.memory_space<vmem_shared>>
      tpu.wait_dma2 semaphore(%run_scoped3A : memref<!tpu.dma_semaphore, #tpu.memory_space<semaphore_mem>>) src(%dma_wait3A_24 : memref<632x16xf32, #tpu.memory_space<vmem_shared>>) dst(%dma_wait3A_22 : memref<632x16xf32, #tpu.memory_space<hbm>>)
      tpu.yield
    }) : () -> ()
    return
  }
}

#map = affine_map<(d0, d1) -> (0, 0)>
#map1 = affine_map<(d0, d1) -> (0, 0, 0)>
module attributes {stable_mosaic.version = 14 : i64} {
  func.func @k(%arg0: i32, %arg1: i32, %arg2: memref<10112x128xf32, #tpu.memory_space<hbm>>, %arg3: memref<10112x128xf32, #tpu.memory_space<hbm>>, %arg4: memref<32x79x128xi32, #tpu.memory_space<hbm>>, %arg5: memref<32x79x128xi32, #tpu.memory_space<hbm>>, %arg6: memref<2x10112x128xf32, #tpu.memory_space<hbm>>, %arg7: memref<79x128xi32, #tpu.memory_space<vmem>>, %arg8: memref<79x128xi32, #tpu.memory_space<vmem>>, %arg9: memref<128x128xf32, #tpu.memory_space<vmem>>, %arg10: memref<10112x128xf32, #tpu.memory_space<vmem_shared>>, %arg11: memref<!tpu.dma_semaphore, #tpu.memory_space<semaphore_mem>>) attributes {dimension_semantics = [#tpu.dimension_semantics<core_parallel>, #tpu.dimension_semantics<subcore_parallel>], iteration_bounds = array<i64: 2, 16>, scalar_prefetch = 0 : i64, scratch_operands = 5 : i64, tpu.core_type = #tpu.core_type<sc_vector_subcore>, window_params = [{transform_indices = #map}, {transform_indices = #map}, {transform_indices = #map1}, {transform_indices = #map1}, {transform_indices = #map1}]} {
    %mul3A = arith.constant 2 : i32
    %mul3A_0 = arith.muli %arg1, %mul3A : i32
    %add3A = arith.addi %mul3A_0, %arg0 : i32
    %mul3A_1 = arith.constant 632 : i32
    %mul3A_2 = arith.muli %arg1, %mul3A_1 : i32
    %mul3A_3 = arith.constant 632 : i32
    %mul3A_4 = arith.muli %arg1, %mul3A_3 : i32
    "tpu.region"() ({
      %run_scoped3A = tpu.sem_alloc : memref<!tpu.dma_semaphore, #tpu.memory_space<semaphore_mem>>
      %dma_start3A = arith.constant 0 : i32
      %dma_start3A_15 = tpu.memref_slice %arg10[%mul3A_4, %dma_start3A] : memref<10112x128xf32, #tpu.memory_space<vmem_shared>> -> memref<632x128xf32, #tpu.memory_space<vmem_shared>>
      %dma_start3A_16 = arith.constant 0 : i32
      %dma_start3A_17 = tpu.memref_slice %arg3[%mul3A_2, %dma_start3A_16] : memref<10112x128xf32, #tpu.memory_space<hbm>> -> memref<632x128xf32, #tpu.memory_space<hbm>>
      tpu.enqueue_dma source(%dma_start3A_17 : memref<632x128xf32, #tpu.memory_space<hbm>>) target(%dma_start3A_15 : memref<632x128xf32, #tpu.memory_space<vmem_shared>>) target_semaphore(%run_scoped3A : memref<!tpu.dma_semaphore, #tpu.memory_space<semaphore_mem>>)
      %dma_wait3A = arith.constant 0 : i32
      %dma_wait3A_18 = tpu.memref_slice %arg10[%mul3A_4, %dma_wait3A] : memref<10112x128xf32, #tpu.memory_space<vmem_shared>> -> memref<632x128xf32, #tpu.memory_space<vmem_shared>>
      %dma_wait3A_19 = arith.constant 0 : i32
      %dma_wait3A_20 = tpu.memref_slice %arg3[%mul3A_2, %dma_wait3A_19] : memref<10112x128xf32, #tpu.memory_space<hbm>> -> memref<632x128xf32, #tpu.memory_space<hbm>>
      tpu.wait_dma2 semaphore(%run_scoped3A : memref<!tpu.dma_semaphore, #tpu.memory_space<semaphore_mem>>) src(%dma_wait3A_20 : memref<632x128xf32, #tpu.memory_space<hbm>>) dst(%dma_wait3A_18 : memref<632x128xf32, #tpu.memory_space<vmem_shared>>)
      tpu.yield
    }) : () -> ()
    "tpu.region"() ({
      %run_scoped3A = tpu.sem_alloc : memref<!tpu.dma_semaphore, #tpu.memory_space<semaphore_mem>>
      %dma_start3A = arith.constant 0 : i32
      %dma_start3A_15 = arith.constant 0 : i32
      %dma_start3A_16 = tpu.memref_slice %arg4[%add3A, %dma_start3A, %dma_start3A_15] : memref<32x79x128xi32, #tpu.memory_space<hbm>> -> memref<1x79x128xi32, #tpu.memory_space<hbm>>
      %dma_start3A_17 = tpu.memref_squeeze %dma_start3A_16 : memref<1x79x128xi32, #tpu.memory_space<hbm>> -> memref<79x128xi32, #tpu.memory_space<hbm>>
      %dma_start3A_18 = arith.constant 0 : i32
      %dma_start3A_19 = arith.constant 0 : i32
      %dma_start3A_20 = tpu.memref_slice %arg4[%add3A, %dma_start3A_18, %dma_start3A_19] : memref<32x79x128xi32, #tpu.memory_space<hbm>> -> memref<1x79x128xi32, #tpu.memory_space<hbm>>
      %dma_start3A_21 = tpu.memref_squeeze %dma_start3A_20 : memref<1x79x128xi32, #tpu.memory_space<hbm>> -> memref<79x128xi32, #tpu.memory_space<hbm>>
      tpu.enqueue_dma source(%dma_start3A_21 : memref<79x128xi32, #tpu.memory_space<hbm>>) target(%arg7 : memref<79x128xi32, #tpu.memory_space<vmem>>) target_semaphore(%run_scoped3A : memref<!tpu.dma_semaphore, #tpu.memory_space<semaphore_mem>>)
      %dma_wait3A = arith.constant 0 : i32
      %dma_wait3A_22 = arith.constant 0 : i32
      %dma_wait3A_23 = tpu.memref_slice %arg4[%add3A, %dma_wait3A, %dma_wait3A_22] : memref<32x79x128xi32, #tpu.memory_space<hbm>> -> memref<1x79x128xi32, #tpu.memory_space<hbm>>
      %dma_wait3A_24 = tpu.memref_squeeze %dma_wait3A_23 : memref<1x79x128xi32, #tpu.memory_space<hbm>> -> memref<79x128xi32, #tpu.memory_space<hbm>>
      %dma_wait3A_25 = arith.constant 0 : i32
      %dma_wait3A_26 = arith.constant 0 : i32
      %dma_wait3A_27 = tpu.memref_slice %arg4[%add3A, %dma_wait3A_25, %dma_wait3A_26] : memref<32x79x128xi32, #tpu.memory_space<hbm>> -> memref<1x79x128xi32, #tpu.memory_space<hbm>>
      %dma_wait3A_28 = tpu.memref_squeeze %dma_wait3A_27 : memref<1x79x128xi32, #tpu.memory_space<hbm>> -> memref<79x128xi32, #tpu.memory_space<hbm>>
      tpu.wait_dma2 semaphore(%run_scoped3A : memref<!tpu.dma_semaphore, #tpu.memory_space<semaphore_mem>>) src(%dma_wait3A_28 : memref<79x128xi32, #tpu.memory_space<hbm>>) dst(%arg7 : memref<79x128xi32, #tpu.memory_space<vmem>>)
      tpu.yield
    }) : () -> ()
    "tpu.region"() ({
      %run_scoped3A = tpu.sem_alloc : memref<!tpu.dma_semaphore, #tpu.memory_space<semaphore_mem>>
      %dma_start3A = arith.constant 0 : i32
      %dma_start3A_15 = arith.constant 0 : i32
      %dma_start3A_16 = tpu.memref_slice %arg5[%add3A, %dma_start3A, %dma_start3A_15] : memref<32x79x128xi32, #tpu.memory_space<hbm>> -> memref<1x79x128xi32, #tpu.memory_space<hbm>>
      %dma_start3A_17 = tpu.memref_squeeze %dma_start3A_16 : memref<1x79x128xi32, #tpu.memory_space<hbm>> -> memref<79x128xi32, #tpu.memory_space<hbm>>
      %dma_start3A_18 = arith.constant 0 : i32
      %dma_start3A_19 = arith.constant 0 : i32
      %dma_start3A_20 = tpu.memref_slice %arg5[%add3A, %dma_start3A_18, %dma_start3A_19] : memref<32x79x128xi32, #tpu.memory_space<hbm>> -> memref<1x79x128xi32, #tpu.memory_space<hbm>>
      %dma_start3A_21 = tpu.memref_squeeze %dma_start3A_20 : memref<1x79x128xi32, #tpu.memory_space<hbm>> -> memref<79x128xi32, #tpu.memory_space<hbm>>
      tpu.enqueue_dma source(%dma_start3A_21 : memref<79x128xi32, #tpu.memory_space<hbm>>) target(%arg8 : memref<79x128xi32, #tpu.memory_space<vmem>>) target_semaphore(%run_scoped3A : memref<!tpu.dma_semaphore, #tpu.memory_space<semaphore_mem>>)
      %dma_wait3A = arith.constant 0 : i32
      %dma_wait3A_22 = arith.constant 0 : i32
      %dma_wait3A_23 = tpu.memref_slice %arg5[%add3A, %dma_wait3A, %dma_wait3A_22] : memref<32x79x128xi32, #tpu.memory_space<hbm>> -> memref<1x79x128xi32, #tpu.memory_space<hbm>>
      %dma_wait3A_24 = tpu.memref_squeeze %dma_wait3A_23 : memref<1x79x128xi32, #tpu.memory_space<hbm>> -> memref<79x128xi32, #tpu.memory_space<hbm>>
      %dma_wait3A_25 = arith.constant 0 : i32
      %dma_wait3A_26 = arith.constant 0 : i32
      %dma_wait3A_27 = tpu.memref_slice %arg5[%add3A, %dma_wait3A_25, %dma_wait3A_26] : memref<32x79x128xi32, #tpu.memory_space<hbm>> -> memref<1x79x128xi32, #tpu.memory_space<hbm>>
      %dma_wait3A_28 = tpu.memref_squeeze %dma_wait3A_27 : memref<1x79x128xi32, #tpu.memory_space<hbm>> -> memref<79x128xi32, #tpu.memory_space<hbm>>
      tpu.wait_dma2 semaphore(%run_scoped3A : memref<!tpu.dma_semaphore, #tpu.memory_space<semaphore_mem>>) src(%dma_wait3A_28 : memref<79x128xi32, #tpu.memory_space<hbm>>) dst(%arg8 : memref<79x128xi32, #tpu.memory_space<vmem>>)
      tpu.yield
    }) : () -> ()
    %barrier3A = arith.constant 0 : index
    tpu.barrier barrier_id(%barrier3A)
    %scan3A = arith.constant 0 : i32
    %scan3A_5 = arith.constant 0 : i32
    %scan3A_6 = arith.constant 79 : i32
    %scan3A_7 = arith.addi %scan3A_5, %scan3A_6 : i32
    %scan3A_8 = arith.constant 1 : i32
    scf.for %scan3A_15 = %scan3A_5 to %scan3A_7 step %scan3A_8  : i32 {
      %dma_start3A = arith.constant 0 : i32
      %dma_start3A_16 = tpu.memref_slice %arg7[%scan3A_15, %dma_start3A] : memref<79x128xi32, #tpu.memory_space<vmem>> -> memref<1x128xi32, #tpu.memory_space<vmem>>
      %dma_start3A_17 = tpu.memref_squeeze %dma_start3A_16 : memref<1x128xi32, #tpu.memory_space<vmem>> -> memref<128xi32, #tpu.memory_space<vmem>>
      %dma_start3A_18 = arith.constant 0 : i32
      %dma_start3A_19 = arith.constant 0 : i32
      %dma_start3A_20 = tpu.memref_slice %arg2[%dma_start3A_18, %dma_start3A_19] : memref<10112x128xf32, #tpu.memory_space<hbm>> -> memref<10112x128xf32, #tpu.memory_space<hbm>>
      tpu.enqueue_indirect_dma source(%dma_start3A_20 : memref<10112x128xf32, #tpu.memory_space<hbm>>) target(%arg9 : memref<128x128xf32, #tpu.memory_space<vmem>>) offsets(%dma_start3A_17 : memref<128xi32, #tpu.memory_space<vmem>>) semaphore(%arg11 : memref<!tpu.dma_semaphore, #tpu.memory_space<semaphore_mem>>)
      %dma_wait3A = arith.constant 0 : i32
      %dma_wait3A_21 = tpu.memref_slice %arg7[%scan3A_15, %dma_wait3A] : memref<79x128xi32, #tpu.memory_space<vmem>> -> memref<1x128xi32, #tpu.memory_space<vmem>>
      %dma_wait3A_22 = tpu.memref_squeeze %dma_wait3A_21 : memref<1x128xi32, #tpu.memory_space<vmem>> -> memref<128xi32, #tpu.memory_space<vmem>>
      %dma_wait3A_23 = arith.constant 0 : i32
      %dma_wait3A_24 = arith.constant 0 : i32
      %dma_wait3A_25 = tpu.memref_slice %arg2[%dma_wait3A_23, %dma_wait3A_24] : memref<10112x128xf32, #tpu.memory_space<hbm>> -> memref<10112x128xf32, #tpu.memory_space<hbm>>
      tpu.wait_indirect_dma semaphore(%arg11 : memref<!tpu.dma_semaphore, #tpu.memory_space<semaphore_mem>>) src(%dma_wait3A_25 : memref<10112x128xf32, #tpu.memory_space<hbm>>) dst(%arg9 : memref<128x128xf32, #tpu.memory_space<vmem>>)
      "tpu.region"() ({
        %run_scoped3A = tpu.sem_alloc : memref<!tpu.dma_semaphore, #tpu.memory_space<semaphore_mem>>
        %dma_start3A_26 = arith.constant 0 : i32
        %dma_start3A_27 = tpu.memref_slice %arg8[%scan3A_15, %dma_start3A_26] : memref<79x128xi32, #tpu.memory_space<vmem>> -> memref<1x128xi32, #tpu.memory_space<vmem>>
        %dma_start3A_28 = tpu.memref_squeeze %dma_start3A_27 : memref<1x128xi32, #tpu.memory_space<vmem>> -> memref<128xi32, #tpu.memory_space<vmem>>
        %dma_start3A_29 = arith.constant 0 : i32
        %dma_start3A_30 = arith.constant 0 : i32
        %dma_start3A_31 = tpu.memref_slice %arg10[%dma_start3A_29, %dma_start3A_30] : memref<10112x128xf32, #tpu.memory_space<vmem_shared>> -> memref<10112x128xf32, #tpu.memory_space<vmem_shared>>
        tpu.enqueue_indirect_dma source(%arg9 : memref<128x128xf32, #tpu.memory_space<vmem>>) target(%dma_start3A_31 : memref<10112x128xf32, #tpu.memory_space<vmem_shared>>) offsets(%dma_start3A_28 : memref<128xi32, #tpu.memory_space<vmem>>) semaphore(%run_scoped3A : memref<!tpu.dma_semaphore, #tpu.memory_space<semaphore_mem>>) {add = true}
        %dma_wait3A_32 = arith.constant 0 : i32
        %dma_wait3A_33 = tpu.memref_slice %arg8[%scan3A_15, %dma_wait3A_32] : memref<79x128xi32, #tpu.memory_space<vmem>> -> memref<1x128xi32, #tpu.memory_space<vmem>>
        %dma_wait3A_34 = tpu.memref_squeeze %dma_wait3A_33 : memref<1x128xi32, #tpu.memory_space<vmem>> -> memref<128xi32, #tpu.memory_space<vmem>>
        %dma_wait3A_35 = arith.constant 0 : i32
        %dma_wait3A_36 = arith.constant 0 : i32
        %dma_wait3A_37 = tpu.memref_slice %arg10[%dma_wait3A_35, %dma_wait3A_36] : memref<10112x128xf32, #tpu.memory_space<vmem_shared>> -> memref<10112x128xf32, #tpu.memory_space<vmem_shared>>
        tpu.wait_indirect_dma semaphore(%run_scoped3A : memref<!tpu.dma_semaphore, #tpu.memory_space<semaphore_mem>>) src(%arg9 : memref<128x128xf32, #tpu.memory_space<vmem>>) dst(%dma_wait3A_37 : memref<10112x128xf32, #tpu.memory_space<vmem_shared>>)
        tpu.yield
      }) : () -> ()
    }
    %scan3A_9 = arith.constant 79 : i32
    %barrier3A_10 = arith.constant 0 : index
    tpu.barrier barrier_id(%barrier3A_10)
    %mul3A_11 = arith.constant 632 : i32
    %mul3A_12 = arith.muli %arg1, %mul3A_11 : i32
    %mul3A_13 = arith.constant 632 : i32
    %mul3A_14 = arith.muli %arg1, %mul3A_13 : i32
    "tpu.region"() ({
      %run_scoped3A = tpu.sem_alloc : memref<!tpu.dma_semaphore, #tpu.memory_space<semaphore_mem>>
      %dma_start3A = arith.constant 0 : i32
      %dma_start3A_15 = tpu.memref_slice %arg6[%arg0, %mul3A_14, %dma_start3A] : memref<2x10112x128xf32, #tpu.memory_space<hbm>> -> memref<1x632x128xf32, #tpu.memory_space<hbm>>
      %dma_start3A_16 = tpu.memref_squeeze %dma_start3A_15 : memref<1x632x128xf32, #tpu.memory_space<hbm>> -> memref<632x128xf32, #tpu.memory_space<hbm>>
      %dma_start3A_17 = arith.constant 0 : i32
      %dma_start3A_18 = tpu.memref_slice %arg10[%mul3A_12, %dma_start3A_17] : memref<10112x128xf32, #tpu.memory_space<vmem_shared>> -> memref<632x128xf32, #tpu.memory_space<vmem_shared>>
      tpu.enqueue_dma source(%dma_start3A_18 : memref<632x128xf32, #tpu.memory_space<vmem_shared>>) target(%dma_start3A_16 : memref<632x128xf32, #tpu.memory_space<hbm>>) target_semaphore(%run_scoped3A : memref<!tpu.dma_semaphore, #tpu.memory_space<semaphore_mem>>)
      %dma_wait3A = arith.constant 0 : i32
      %dma_wait3A_19 = tpu.memref_slice %arg6[%arg0, %mul3A_14, %dma_wait3A] : memref<2x10112x128xf32, #tpu.memory_space<hbm>> -> memref<1x632x128xf32, #tpu.memory_space<hbm>>
      %dma_wait3A_20 = tpu.memref_squeeze %dma_wait3A_19 : memref<1x632x128xf32, #tpu.memory_space<hbm>> -> memref<632x128xf32, #tpu.memory_space<hbm>>
      %dma_wait3A_21 = arith.constant 0 : i32
      %dma_wait3A_22 = tpu.memref_slice %arg10[%mul3A_12, %dma_wait3A_21] : memref<10112x128xf32, #tpu.memory_space<vmem_shared>> -> memref<632x128xf32, #tpu.memory_space<vmem_shared>>
      tpu.wait_dma2 semaphore(%run_scoped3A : memref<!tpu.dma_semaphore, #tpu.memory_space<semaphore_mem>>) src(%dma_wait3A_22 : memref<632x128xf32, #tpu.memory_space<vmem_shared>>) dst(%dma_wait3A_20 : memref<632x128xf32, #tpu.memory_space<hbm>>)
      tpu.yield
    }) : () -> ()
    return
  }
}

#map = affine_map<(d0, d1) -> (0, 0)>
#map1 = affine_map<(d0, d1) -> (0, 0, 0)>
#map2 = affine_map<(d0, d1) -> (0, 0, 0, 0)>
#map3 = affine_map<(d0, d1) -> (0)>
module attributes {stable_mosaic.version = 14 : i64} {
  func.func @k(%arg0: i32, %arg1: i32, %arg2: memref<10112x128xf32, #tpu.memory_space<hbm>>, %arg3: memref<10112x128xf32, #tpu.memory_space<hbm>>, %arg4: memref<32x79x128xi32, #tpu.memory_space<hbm>>, %arg5: memref<32x79x128xi32, #tpu.memory_space<hbm>>, %arg6: memref<32x79x128x16xf32, #tpu.memory_space<hbm>>, %arg7: memref<10112x16xf32, #tpu.memory_space<hbm>>, %arg8: memref<10112x16xf32, #tpu.memory_space<hbm>>, %arg9: memref<16xf32, #tpu.memory_space<hbm>>, %arg10: memref<2x10112x128xf32, #tpu.memory_space<hbm>>, %arg11: memref<79x128xi32, #tpu.memory_space<vmem>>, %arg12: memref<79x128xi32, #tpu.memory_space<vmem>>, %arg13: memref<16xf32, #tpu.memory_space<vmem>>, %arg14: memref<128x128xf32, #tpu.memory_space<vmem>>, %arg15: memref<128x16xf32, #tpu.memory_space<vmem>>, %arg16: memref<128x16xf32, #tpu.memory_space<vmem>>, %arg17: memref<128x16xf32, #tpu.memory_space<vmem>>, %arg18: memref<10112x128xf32, #tpu.memory_space<vmem_shared>>, %arg19: memref<!tpu.dma_semaphore, #tpu.memory_space<semaphore_mem>>) attributes {dimension_semantics = [#tpu.dimension_semantics<core_parallel>, #tpu.dimension_semantics<subcore_parallel>], iteration_bounds = array<i64: 2, 16>, scalar_prefetch = 0 : i64, scratch_operands = 9 : i64, tpu.core_type = #tpu.core_type<sc_vector_subcore>, window_params = [{transform_indices = #map}, {transform_indices = #map}, {transform_indices = #map1}, {transform_indices = #map1}, {transform_indices = #map2}, {transform_indices = #map}, {transform_indices = #map}, {transform_indices = #map3}, {transform_indices = #map1}]} {
    %mul3A = arith.constant 2 : i32
    %mul3A_0 = arith.muli %arg1, %mul3A : i32
    %add3A = arith.addi %mul3A_0, %arg0 : i32
    %mul3A_1 = arith.constant 632 : i32
    %mul3A_2 = arith.muli %arg1, %mul3A_1 : i32
    %mul3A_3 = arith.constant 632 : i32
    %mul3A_4 = arith.muli %arg1, %mul3A_3 : i32
    "tpu.region"() ({
      %run_scoped3A = tpu.sem_alloc : memref<!tpu.dma_semaphore, #tpu.memory_space<semaphore_mem>>
      %dma_start3A = arith.constant 0 : i32
      %dma_start3A_17 = tpu.memref_slice %arg18[%mul3A_4, %dma_start3A] : memref<10112x128xf32, #tpu.memory_space<vmem_shared>> -> memref<632x128xf32, #tpu.memory_space<vmem_shared>>
      %dma_start3A_18 = arith.constant 0 : i32
      %dma_start3A_19 = tpu.memref_slice %arg3[%mul3A_2, %dma_start3A_18] : memref<10112x128xf32, #tpu.memory_space<hbm>> -> memref<632x128xf32, #tpu.memory_space<hbm>>
      tpu.enqueue_dma source(%dma_start3A_19 : memref<632x128xf32, #tpu.memory_space<hbm>>) target(%dma_start3A_17 : memref<632x128xf32, #tpu.memory_space<vmem_shared>>) target_semaphore(%run_scoped3A : memref<!tpu.dma_semaphore, #tpu.memory_space<semaphore_mem>>)
      %dma_wait3A = arith.constant 0 : i32
      %dma_wait3A_20 = tpu.memref_slice %arg18[%mul3A_4, %dma_wait3A] : memref<10112x128xf32, #tpu.memory_space<vmem_shared>> -> memref<632x128xf32, #tpu.memory_space<vmem_shared>>
      %dma_wait3A_21 = arith.constant 0 : i32
      %dma_wait3A_22 = tpu.memref_slice %arg3[%mul3A_2, %dma_wait3A_21] : memref<10112x128xf32, #tpu.memory_space<hbm>> -> memref<632x128xf32, #tpu.memory_space<hbm>>
      tpu.wait_dma2 semaphore(%run_scoped3A : memref<!tpu.dma_semaphore, #tpu.memory_space<semaphore_mem>>) src(%dma_wait3A_22 : memref<632x128xf32, #tpu.memory_space<hbm>>) dst(%dma_wait3A_20 : memref<632x128xf32, #tpu.memory_space<vmem_shared>>)
      tpu.yield
    }) : () -> ()
    "tpu.region"() ({
      %run_scoped3A = tpu.sem_alloc : memref<!tpu.dma_semaphore, #tpu.memory_space<semaphore_mem>>
      %dma_start3A = arith.constant 0 : i32
      %dma_start3A_17 = arith.constant 0 : i32
      %dma_start3A_18 = tpu.memref_slice %arg4[%add3A, %dma_start3A, %dma_start3A_17] : memref<32x79x128xi32, #tpu.memory_space<hbm>> -> memref<1x79x128xi32, #tpu.memory_space<hbm>>
      %dma_start3A_19 = tpu.memref_squeeze %dma_start3A_18 : memref<1x79x128xi32, #tpu.memory_space<hbm>> -> memref<79x128xi32, #tpu.memory_space<hbm>>
      %dma_start3A_20 = arith.constant 0 : i32
      %dma_start3A_21 = arith.constant 0 : i32
      %dma_start3A_22 = tpu.memref_slice %arg4[%add3A, %dma_start3A_20, %dma_start3A_21] : memref<32x79x128xi32, #tpu.memory_space<hbm>> -> memref<1x79x128xi32, #tpu.memory_space<hbm>>
      %dma_start3A_23 = tpu.memref_squeeze %dma_start3A_22 : memref<1x79x128xi32, #tpu.memory_space<hbm>> -> memref<79x128xi32, #tpu.memory_space<hbm>>
      tpu.enqueue_dma source(%dma_start3A_23 : memref<79x128xi32, #tpu.memory_space<hbm>>) target(%arg11 : memref<79x128xi32, #tpu.memory_space<vmem>>) target_semaphore(%run_scoped3A : memref<!tpu.dma_semaphore, #tpu.memory_space<semaphore_mem>>)
      %dma_wait3A = arith.constant 0 : i32
      %dma_wait3A_24 = arith.constant 0 : i32
      %dma_wait3A_25 = tpu.memref_slice %arg4[%add3A, %dma_wait3A, %dma_wait3A_24] : memref<32x79x128xi32, #tpu.memory_space<hbm>> -> memref<1x79x128xi32, #tpu.memory_space<hbm>>
      %dma_wait3A_26 = tpu.memref_squeeze %dma_wait3A_25 : memref<1x79x128xi32, #tpu.memory_space<hbm>> -> memref<79x128xi32, #tpu.memory_space<hbm>>
      %dma_wait3A_27 = arith.constant 0 : i32
      %dma_wait3A_28 = arith.constant 0 : i32
      %dma_wait3A_29 = tpu.memref_slice %arg4[%add3A, %dma_wait3A_27, %dma_wait3A_28] : memref<32x79x128xi32, #tpu.memory_space<hbm>> -> memref<1x79x128xi32, #tpu.memory_space<hbm>>
      %dma_wait3A_30 = tpu.memref_squeeze %dma_wait3A_29 : memref<1x79x128xi32, #tpu.memory_space<hbm>> -> memref<79x128xi32, #tpu.memory_space<hbm>>
      tpu.wait_dma2 semaphore(%run_scoped3A : memref<!tpu.dma_semaphore, #tpu.memory_space<semaphore_mem>>) src(%dma_wait3A_30 : memref<79x128xi32, #tpu.memory_space<hbm>>) dst(%arg11 : memref<79x128xi32, #tpu.memory_space<vmem>>)
      tpu.yield
    }) : () -> ()
    "tpu.region"() ({
      %run_scoped3A = tpu.sem_alloc : memref<!tpu.dma_semaphore, #tpu.memory_space<semaphore_mem>>
      %dma_start3A = arith.constant 0 : i32
      %dma_start3A_17 = arith.constant 0 : i32
      %dma_start3A_18 = tpu.memref_slice %arg5[%add3A, %dma_start3A, %dma_start3A_17] : memref<32x79x128xi32, #tpu.memory_space<hbm>> -> memref<1x79x128xi32, #tpu.memory_space<hbm>>
      %dma_start3A_19 = tpu.memref_squeeze %dma_start3A_18 : memref<1x79x128xi32, #tpu.memory_space<hbm>> -> memref<79x128xi32, #tpu.memory_space<hbm>>
      %dma_start3A_20 = arith.constant 0 : i32
      %dma_start3A_21 = arith.constant 0 : i32
      %dma_start3A_22 = tpu.memref_slice %arg5[%add3A, %dma_start3A_20, %dma_start3A_21] : memref<32x79x128xi32, #tpu.memory_space<hbm>> -> memref<1x79x128xi32, #tpu.memory_space<hbm>>
      %dma_start3A_23 = tpu.memref_squeeze %dma_start3A_22 : memref<1x79x128xi32, #tpu.memory_space<hbm>> -> memref<79x128xi32, #tpu.memory_space<hbm>>
      tpu.enqueue_dma source(%dma_start3A_23 : memref<79x128xi32, #tpu.memory_space<hbm>>) target(%arg12 : memref<79x128xi32, #tpu.memory_space<vmem>>) target_semaphore(%run_scoped3A : memref<!tpu.dma_semaphore, #tpu.memory_space<semaphore_mem>>)
      %dma_wait3A = arith.constant 0 : i32
      %dma_wait3A_24 = arith.constant 0 : i32
      %dma_wait3A_25 = tpu.memref_slice %arg5[%add3A, %dma_wait3A, %dma_wait3A_24] : memref<32x79x128xi32, #tpu.memory_space<hbm>> -> memref<1x79x128xi32, #tpu.memory_space<hbm>>
      %dma_wait3A_26 = tpu.memref_squeeze %dma_wait3A_25 : memref<1x79x128xi32, #tpu.memory_space<hbm>> -> memref<79x128xi32, #tpu.memory_space<hbm>>
      %dma_wait3A_27 = arith.constant 0 : i32
      %dma_wait3A_28 = arith.constant 0 : i32
      %dma_wait3A_29 = tpu.memref_slice %arg5[%add3A, %dma_wait3A_27, %dma_wait3A_28] : memref<32x79x128xi32, #tpu.memory_space<hbm>> -> memref<1x79x128xi32, #tpu.memory_space<hbm>>
      %dma_wait3A_30 = tpu.memref_squeeze %dma_wait3A_29 : memref<1x79x128xi32, #tpu.memory_space<hbm>> -> memref<79x128xi32, #tpu.memory_space<hbm>>
      tpu.wait_dma2 semaphore(%run_scoped3A : memref<!tpu.dma_semaphore, #tpu.memory_space<semaphore_mem>>) src(%dma_wait3A_30 : memref<79x128xi32, #tpu.memory_space<hbm>>) dst(%arg12 : memref<79x128xi32, #tpu.memory_space<vmem>>)
      tpu.yield
    }) : () -> ()
    "tpu.region"() ({
      %run_scoped3A = tpu.sem_alloc : memref<!tpu.dma_semaphore, #tpu.memory_space<semaphore_mem>>
      tpu.enqueue_dma source(%arg9 : memref<16xf32, #tpu.memory_space<hbm>>) target(%arg13 : memref<16xf32, #tpu.memory_space<vmem>>) target_semaphore(%run_scoped3A : memref<!tpu.dma_semaphore, #tpu.memory_space<semaphore_mem>>)
      tpu.wait_dma2 semaphore(%run_scoped3A : memref<!tpu.dma_semaphore, #tpu.memory_space<semaphore_mem>>) src(%arg9 : memref<16xf32, #tpu.memory_space<hbm>>) dst(%arg13 : memref<16xf32, #tpu.memory_space<vmem>>)
      tpu.yield
    }) : () -> ()
    %barrier3A = arith.constant 0 : index
    tpu.barrier barrier_id(%barrier3A)
    %get3A = arith.constant 0 : index
    %get3A_5 = tpu.vector_load %arg13[%get3A] {strides = array<i32>} : memref<16xf32, #tpu.memory_space<vmem>>, vector<16xf32>,
    %get3A_6 = vector.shape_cast %get3A_5 : vector<16xf32> to vector<16xf32>
    %scan3A = arith.constant 0 : i32
    %scan3A_7 = arith.constant 0 : i32
    %scan3A_8 = arith.constant 79 : i32
    %scan3A_9 = arith.addi %scan3A_7, %scan3A_8 : i32
    %scan3A_10 = arith.constant 1 : i32
    scf.for %scan3A_17 = %scan3A_7 to %scan3A_9 step %scan3A_10  : i32 {
      %dma_start3A = arith.constant 0 : i32
      %dma_start3A_18 = tpu.memref_slice %arg11[%scan3A_17, %dma_start3A] : memref<79x128xi32, #tpu.memory_space<vmem>> -> memref<1x128xi32, #tpu.memory_space<vmem>>
      %dma_start3A_19 = tpu.memref_squeeze %dma_start3A_18 : memref<1x128xi32, #tpu.memory_space<vmem>> -> memref<128xi32, #tpu.memory_space<vmem>>
      %dma_start3A_20 = arith.constant 0 : i32
      %dma_start3A_21 = arith.constant 0 : i32
      %dma_start3A_22 = tpu.memref_slice %arg2[%dma_start3A_20, %dma_start3A_21] : memref<10112x128xf32, #tpu.memory_space<hbm>> -> memref<10112x128xf32, #tpu.memory_space<hbm>>
      tpu.enqueue_indirect_dma source(%dma_start3A_22 : memref<10112x128xf32, #tpu.memory_space<hbm>>) target(%arg14 : memref<128x128xf32, #tpu.memory_space<vmem>>) offsets(%dma_start3A_19 : memref<128xi32, #tpu.memory_space<vmem>>) semaphore(%arg19 : memref<!tpu.dma_semaphore, #tpu.memory_space<semaphore_mem>>)
      %dma_start3A_23 = arith.constant 0 : i32
      %dma_start3A_24 = tpu.memref_slice %arg11[%scan3A_17, %dma_start3A_23] : memref<79x128xi32, #tpu.memory_space<vmem>> -> memref<1x128xi32, #tpu.memory_space<vmem>>
      %dma_start3A_25 = tpu.memref_squeeze %dma_start3A_24 : memref<1x128xi32, #tpu.memory_space<vmem>> -> memref<128xi32, #tpu.memory_space<vmem>>
      %dma_start3A_26 = arith.constant 0 : i32
      %dma_start3A_27 = arith.constant 0 : i32
      %dma_start3A_28 = tpu.memref_slice %arg7[%dma_start3A_26, %dma_start3A_27] : memref<10112x16xf32, #tpu.memory_space<hbm>> -> memref<10112x16xf32, #tpu.memory_space<hbm>>
      tpu.enqueue_indirect_dma source(%dma_start3A_28 : memref<10112x16xf32, #tpu.memory_space<hbm>>) target(%arg15 : memref<128x16xf32, #tpu.memory_space<vmem>>) offsets(%dma_start3A_25 : memref<128xi32, #tpu.memory_space<vmem>>) semaphore(%arg19 : memref<!tpu.dma_semaphore, #tpu.memory_space<semaphore_mem>>)
      %dma_start3A_29 = arith.constant 0 : i32
      %dma_start3A_30 = tpu.memref_slice %arg12[%scan3A_17, %dma_start3A_29] : memref<79x128xi32, #tpu.memory_space<vmem>> -> memref<1x128xi32, #tpu.memory_space<vmem>>
      %dma_start3A_31 = tpu.memref_squeeze %dma_start3A_30 : memref<1x128xi32, #tpu.memory_space<vmem>> -> memref<128xi32, #tpu.memory_space<vmem>>
      %dma_start3A_32 = arith.constant 0 : i32
      %dma_start3A_33 = arith.constant 0 : i32
      %dma_start3A_34 = tpu.memref_slice %arg8[%dma_start3A_32, %dma_start3A_33] : memref<10112x16xf32, #tpu.memory_space<hbm>> -> memref<10112x16xf32, #tpu.memory_space<hbm>>
      tpu.enqueue_indirect_dma source(%dma_start3A_34 : memref<10112x16xf32, #tpu.memory_space<hbm>>) target(%arg16 : memref<128x16xf32, #tpu.memory_space<vmem>>) offsets(%dma_start3A_31 : memref<128xi32, #tpu.memory_space<vmem>>) semaphore(%arg19 : memref<!tpu.dma_semaphore, #tpu.memory_space<semaphore_mem>>)
      "tpu.region"() ({
        %run_scoped3A = tpu.sem_alloc : memref<!tpu.dma_semaphore, #tpu.memory_space<semaphore_mem>>
        %dma_start3A_58 = arith.constant 0 : i32
        %dma_start3A_59 = arith.constant 0 : i32
        %dma_start3A_60 = tpu.memref_slice %arg6[%add3A, %scan3A_17, %dma_start3A_58, %dma_start3A_59] : memref<32x79x128x16xf32, #tpu.memory_space<hbm>> -> memref<1x1x128x16xf32, #tpu.memory_space<hbm>>
        %dma_start3A_61 = tpu.memref_squeeze %dma_start3A_60 : memref<1x1x128x16xf32, #tpu.memory_space<hbm>> -> memref<128x16xf32, #tpu.memory_space<hbm>>
        %dma_start3A_62 = arith.constant 0 : i32
        %dma_start3A_63 = arith.constant 0 : i32
        %dma_start3A_64 = tpu.memref_slice %arg6[%add3A, %scan3A_17, %dma_start3A_62, %dma_start3A_63] : memref<32x79x128x16xf32, #tpu.memory_space<hbm>> -> memref<1x1x128x16xf32, #tpu.memory_space<hbm>>
        %dma_start3A_65 = tpu.memref_squeeze %dma_start3A_64 : memref<1x1x128x16xf32, #tpu.memory_space<hbm>> -> memref<128x16xf32, #tpu.memory_space<hbm>>
        tpu.enqueue_dma source(%dma_start3A_65 : memref<128x16xf32, #tpu.memory_space<hbm>>) target(%arg17 : memref<128x16xf32, #tpu.memory_space<vmem>>) target_semaphore(%run_scoped3A : memref<!tpu.dma_semaphore, #tpu.memory_space<semaphore_mem>>)
        %dma_wait3A_66 = arith.constant 0 : i32
        %dma_wait3A_67 = arith.constant 0 : i32
        %dma_wait3A_68 = tpu.memref_slice %arg6[%add3A, %scan3A_17, %dma_wait3A_66, %dma_wait3A_67] : memref<32x79x128x16xf32, #tpu.memory_space<hbm>> -> memref<1x1x128x16xf32, #tpu.memory_space<hbm>>
        %dma_wait3A_69 = tpu.memref_squeeze %dma_wait3A_68 : memref<1x1x128x16xf32, #tpu.memory_space<hbm>> -> memref<128x16xf32, #tpu.memory_space<hbm>>
        %dma_wait3A_70 = arith.constant 0 : i32
        %dma_wait3A_71 = arith.constant 0 : i32
        %dma_wait3A_72 = tpu.memref_slice %arg6[%add3A, %scan3A_17, %dma_wait3A_70, %dma_wait3A_71] : memref<32x79x128x16xf32, #tpu.memory_space<hbm>> -> memref<1x1x128x16xf32, #tpu.memory_space<hbm>>
        %dma_wait3A_73 = tpu.memref_squeeze %dma_wait3A_72 : memref<1x1x128x16xf32, #tpu.memory_space<hbm>> -> memref<128x16xf32, #tpu.memory_space<hbm>>
        tpu.wait_dma2 semaphore(%run_scoped3A : memref<!tpu.dma_semaphore, #tpu.memory_space<semaphore_mem>>) src(%dma_wait3A_73 : memref<128x16xf32, #tpu.memory_space<hbm>>) dst(%arg17 : memref<128x16xf32, #tpu.memory_space<vmem>>)
        tpu.yield
      }) : () -> ()
      %dma_wait3A = arith.constant 0 : i32
      %dma_wait3A_35 = tpu.memref_slice %arg11[%scan3A_17, %dma_wait3A] : memref<79x128xi32, #tpu.memory_space<vmem>> -> memref<1x128xi32, #tpu.memory_space<vmem>>
      %dma_wait3A_36 = tpu.memref_squeeze %dma_wait3A_35 : memref<1x128xi32, #tpu.memory_space<vmem>> -> memref<128xi32, #tpu.memory_space<vmem>>
      %dma_wait3A_37 = arith.constant 0 : i32
      %dma_wait3A_38 = arith.constant 0 : i32
      %dma_wait3A_39 = tpu.memref_slice %arg2[%dma_wait3A_37, %dma_wait3A_38] : memref<10112x128xf32, #tpu.memory_space<hbm>> -> memref<10112x128xf32, #tpu.memory_space<hbm>>
      tpu.wait_indirect_dma semaphore(%arg19 : memref<!tpu.dma_semaphore, #tpu.memory_space<semaphore_mem>>) src(%dma_wait3A_39 : memref<10112x128xf32, #tpu.memory_space<hbm>>) dst(%arg14 : memref<128x128xf32, #tpu.memory_space<vmem>>)
      %dma_wait3A_40 = arith.constant 0 : i32
      %dma_wait3A_41 = tpu.memref_slice %arg11[%scan3A_17, %dma_wait3A_40] : memref<79x128xi32, #tpu.memory_space<vmem>> -> memref<1x128xi32, #tpu.memory_space<vmem>>
      %dma_wait3A_42 = tpu.memref_squeeze %dma_wait3A_41 : memref<1x128xi32, #tpu.memory_space<vmem>> -> memref<128xi32, #tpu.memory_space<vmem>>
      %dma_wait3A_43 = arith.constant 0 : i32
      %dma_wait3A_44 = arith.constant 0 : i32
      %dma_wait3A_45 = tpu.memref_slice %arg7[%dma_wait3A_43, %dma_wait3A_44] : memref<10112x16xf32, #tpu.memory_space<hbm>> -> memref<10112x16xf32, #tpu.memory_space<hbm>>
      tpu.wait_indirect_dma semaphore(%arg19 : memref<!tpu.dma_semaphore, #tpu.memory_space<semaphore_mem>>) src(%dma_wait3A_45 : memref<10112x16xf32, #tpu.memory_space<hbm>>) dst(%arg15 : memref<128x16xf32, #tpu.memory_space<vmem>>)
      %dma_wait3A_46 = arith.constant 0 : i32
      %dma_wait3A_47 = tpu.memref_slice %arg12[%scan3A_17, %dma_wait3A_46] : memref<79x128xi32, #tpu.memory_space<vmem>> -> memref<1x128xi32, #tpu.memory_space<vmem>>
      %dma_wait3A_48 = tpu.memref_squeeze %dma_wait3A_47 : memref<1x128xi32, #tpu.memory_space<vmem>> -> memref<128xi32, #tpu.memory_space<vmem>>
      %dma_wait3A_49 = arith.constant 0 : i32
      %dma_wait3A_50 = arith.constant 0 : i32
      %dma_wait3A_51 = tpu.memref_slice %arg8[%dma_wait3A_49, %dma_wait3A_50] : memref<10112x16xf32, #tpu.memory_space<hbm>> -> memref<10112x16xf32, #tpu.memory_space<hbm>>
      tpu.wait_indirect_dma semaphore(%arg19 : memref<!tpu.dma_semaphore, #tpu.memory_space<semaphore_mem>>) src(%dma_wait3A_51 : memref<10112x16xf32, #tpu.memory_space<hbm>>) dst(%arg16 : memref<128x16xf32, #tpu.memory_space<vmem>>)
      %scan3A_52 = arith.constant 0 : i32
      %scan3A_53 = arith.constant 0 : i32
      %scan3A_54 = arith.constant 128 : i32
      %scan3A_55 = arith.addi %scan3A_53, %scan3A_54 : i32
      %scan3A_56 = arith.constant 1 : i32
      scf.for %scan3A_58 = %scan3A_53 to %scan3A_55 step %scan3A_56  : i32 {
        %get3A_59 = arith.index_cast %scan3A_58 : i32 to index
        %get3A_60 = arith.constant 0 : index
        %get3A_61 = tpu.vector_load %arg15[%get3A_59, %get3A_60] {strides = array<i32>} : memref<128x16xf32, #tpu.memory_space<vmem>>, vector<1x16xf32>,
        %get3A_62 = vector.shape_cast %get3A_61 : vector<1x16xf32> to vector<16xf32>
        %get3A_63 = arith.index_cast %scan3A_58 : i32 to index
        %get3A_64 = arith.constant 0 : index
        %get3A_65 = tpu.vector_load %arg16[%get3A_63, %get3A_64] {strides = array<i32>} : memref<128x16xf32, #tpu.memory_space<vmem>>, vector<1x16xf32>,
        %get3A_66 = vector.shape_cast %get3A_65 : vector<1x16xf32> to vector<16xf32>
        %add3A_67 = arith.addf %get3A_62, %get3A_66 : vector<16xf32>
        %get3A_68 = arith.index_cast %scan3A_58 : i32 to index
        %get3A_69 = arith.constant 0 : index
        %get3A_70 = tpu.vector_load %arg17[%get3A_68, %get3A_69] {strides = array<i32>} : memref<128x16xf32, #tpu.memory_space<vmem>>, vector<1x16xf32>,
        %get3A_71 = vector.shape_cast %get3A_70 : vector<1x16xf32> to vector<16xf32>
        %add3A_72 = arith.addf %add3A_67, %get3A_71 : vector<16xf32>
        %mul3A_73 = arith.constant 2.000000e-01 : f32
        %mul3A_74 = vector.broadcast %mul3A_73 : f32 to vector<16xf32>
        %mul3A_75 = arith.mulf %mul3A_74, %add3A_72 : vector<16xf32>
        %max3A = arith.maximumf %add3A_72, %mul3A_75 : vector<16xf32>
        %sub3A = arith.subf %max3A, %get3A_6 : vector<16xf32>
        %exp3A = math.exp %sub3A : vector<16xf32>
        %get3A_76 = arith.index_cast %scan3A_58 : i32 to index
        %get3A_77 = arith.constant 0 : index
        %get3A_78 = tpu.vector_load %arg14[%get3A_76, %get3A_77] {strides = array<i32>} : memref<128x128xf32, #tpu.memory_space<vmem>>, vector<1x16xf32>,
        %get3A_79 = vector.shape_cast %get3A_78 : vector<1x16xf32> to vector<16xf32>
        %mul3A_80 = arith.mulf %get3A_79, %exp3A : vector<16xf32>
        %swap3A = arith.index_cast %scan3A_58 : i32 to index
        %swap3A_81 = arith.constant 0 : index
        %swap3A_82 = tpu.vector_load %arg14[%swap3A, %swap3A_81] {strides = array<i32>} : memref<128x128xf32, #tpu.memory_space<vmem>>, vector<1x16xf32>,
        %swap3A_83 = vector.shape_cast %swap3A_82 : vector<1x16xf32> to vector<16xf32>
        %swap3A_84 = vector.shape_cast %mul3A_80 : vector<16xf32> to vector<1x16xf32>
        tpu.vector_store %arg14[%swap3A, %swap3A_81], %swap3A_84 {strides = array<i32>} : memref<128x128xf32, #tpu.memory_space<vmem>>, vector<1x16xf32>,
        %get3A_85 = arith.index_cast %scan3A_58 : i32 to index
        %get3A_86 = arith.constant 16 : index
        %get3A_87 = tpu.vector_load %arg14[%get3A_85, %get3A_86] {strides = array<i32>} : memref<128x128xf32, #tpu.memory_space<vmem>>, vector<1x16xf32>,
        %get3A_88 = vector.shape_cast %get3A_87 : vector<1x16xf32> to vector<16xf32>
        %mul3A_89 = arith.mulf %get3A_88, %exp3A : vector<16xf32>
        %swap3A_90 = arith.index_cast %scan3A_58 : i32 to index
        %swap3A_91 = arith.constant 16 : index
        %swap3A_92 = tpu.vector_load %arg14[%swap3A_90, %swap3A_91] {strides = array<i32>} : memref<128x128xf32, #tpu.memory_space<vmem>>, vector<1x16xf32>,
        %swap3A_93 = vector.shape_cast %swap3A_92 : vector<1x16xf32> to vector<16xf32>
        %swap3A_94 = vector.shape_cast %mul3A_89 : vector<16xf32> to vector<1x16xf32>
        tpu.vector_store %arg14[%swap3A_90, %swap3A_91], %swap3A_94 {strides = array<i32>} : memref<128x128xf32, #tpu.memory_space<vmem>>, vector<1x16xf32>,
        %get3A_95 = arith.index_cast %scan3A_58 : i32 to index
        %get3A_96 = arith.constant 32 : index
        %get3A_97 = tpu.vector_load %arg14[%get3A_95, %get3A_96] {strides = array<i32>} : memref<128x128xf32, #tpu.memory_space<vmem>>, vector<1x16xf32>,
        %get3A_98 = vector.shape_cast %get3A_97 : vector<1x16xf32> to vector<16xf32>
        %mul3A_99 = arith.mulf %get3A_98, %exp3A : vector<16xf32>
        %swap3A_100 = arith.index_cast %scan3A_58 : i32 to index
        %swap3A_101 = arith.constant 32 : index
        %swap3A_102 = tpu.vector_load %arg14[%swap3A_100, %swap3A_101] {strides = array<i32>} : memref<128x128xf32, #tpu.memory_space<vmem>>, vector<1x16xf32>,
        %swap3A_103 = vector.shape_cast %swap3A_102 : vector<1x16xf32> to vector<16xf32>
        %swap3A_104 = vector.shape_cast %mul3A_99 : vector<16xf32> to vector<1x16xf32>
        tpu.vector_store %arg14[%swap3A_100, %swap3A_101], %swap3A_104 {strides = array<i32>} : memref<128x128xf32, #tpu.memory_space<vmem>>, vector<1x16xf32>,
        %get3A_105 = arith.index_cast %scan3A_58 : i32 to index
        %get3A_106 = arith.constant 48 : index
        %get3A_107 = tpu.vector_load %arg14[%get3A_105, %get3A_106] {strides = array<i32>} : memref<128x128xf32, #tpu.memory_space<vmem>>, vector<1x16xf32>,
        %get3A_108 = vector.shape_cast %get3A_107 : vector<1x16xf32> to vector<16xf32>
        %mul3A_109 = arith.mulf %get3A_108, %exp3A : vector<16xf32>
        %swap3A_110 = arith.index_cast %scan3A_58 : i32 to index
        %swap3A_111 = arith.constant 48 : index
        %swap3A_112 = tpu.vector_load %arg14[%swap3A_110, %swap3A_111] {strides = array<i32>} : memref<128x128xf32, #tpu.memory_space<vmem>>, vector<1x16xf32>,
        %swap3A_113 = vector.shape_cast %swap3A_112 : vector<1x16xf32> to vector<16xf32>
        %swap3A_114 = vector.shape_cast %mul3A_109 : vector<16xf32> to vector<1x16xf32>
        tpu.vector_store %arg14[%swap3A_110, %swap3A_111], %swap3A_114 {strides = array<i32>} : memref<128x128xf32, #tpu.memory_space<vmem>>, vector<1x16xf32>,
        %get3A_115 = arith.index_cast %scan3A_58 : i32 to index
        %get3A_116 = arith.constant 64 : index
        %get3A_117 = tpu.vector_load %arg14[%get3A_115, %get3A_116] {strides = array<i32>} : memref<128x128xf32, #tpu.memory_space<vmem>>, vector<1x16xf32>,
        %get3A_118 = vector.shape_cast %get3A_117 : vector<1x16xf32> to vector<16xf32>
        %mul3A_119 = arith.mulf %get3A_118, %exp3A : vector<16xf32>
        %swap3A_120 = arith.index_cast %scan3A_58 : i32 to index
        %swap3A_121 = arith.constant 64 : index
        %swap3A_122 = tpu.vector_load %arg14[%swap3A_120, %swap3A_121] {strides = array<i32>} : memref<128x128xf32, #tpu.memory_space<vmem>>, vector<1x16xf32>,
        %swap3A_123 = vector.shape_cast %swap3A_122 : vector<1x16xf32> to vector<16xf32>
        %swap3A_124 = vector.shape_cast %mul3A_119 : vector<16xf32> to vector<1x16xf32>
        tpu.vector_store %arg14[%swap3A_120, %swap3A_121], %swap3A_124 {strides = array<i32>} : memref<128x128xf32, #tpu.memory_space<vmem>>, vector<1x16xf32>,
        %get3A_125 = arith.index_cast %scan3A_58 : i32 to index
        %get3A_126 = arith.constant 80 : index
        %get3A_127 = tpu.vector_load %arg14[%get3A_125, %get3A_126] {strides = array<i32>} : memref<128x128xf32, #tpu.memory_space<vmem>>, vector<1x16xf32>,
        %get3A_128 = vector.shape_cast %get3A_127 : vector<1x16xf32> to vector<16xf32>
        %mul3A_129 = arith.mulf %get3A_128, %exp3A : vector<16xf32>
        %swap3A_130 = arith.index_cast %scan3A_58 : i32 to index
        %swap3A_131 = arith.constant 80 : index
        %swap3A_132 = tpu.vector_load %arg14[%swap3A_130, %swap3A_131] {strides = array<i32>} : memref<128x128xf32, #tpu.memory_space<vmem>>, vector<1x16xf32>,
        %swap3A_133 = vector.shape_cast %swap3A_132 : vector<1x16xf32> to vector<16xf32>
        %swap3A_134 = vector.shape_cast %mul3A_129 : vector<16xf32> to vector<1x16xf32>
        tpu.vector_store %arg14[%swap3A_130, %swap3A_131], %swap3A_134 {strides = array<i32>} : memref<128x128xf32, #tpu.memory_space<vmem>>, vector<1x16xf32>,
        %get3A_135 = arith.index_cast %scan3A_58 : i32 to index
        %get3A_136 = arith.constant 96 : index
        %get3A_137 = tpu.vector_load %arg14[%get3A_135, %get3A_136] {strides = array<i32>} : memref<128x128xf32, #tpu.memory_space<vmem>>, vector<1x16xf32>,
        %get3A_138 = vector.shape_cast %get3A_137 : vector<1x16xf32> to vector<16xf32>
        %mul3A_139 = arith.mulf %get3A_138, %exp3A : vector<16xf32>
        %swap3A_140 = arith.index_cast %scan3A_58 : i32 to index
        %swap3A_141 = arith.constant 96 : index
        %swap3A_142 = tpu.vector_load %arg14[%swap3A_140, %swap3A_141] {strides = array<i32>} : memref<128x128xf32, #tpu.memory_space<vmem>>, vector<1x16xf32>,
        %swap3A_143 = vector.shape_cast %swap3A_142 : vector<1x16xf32> to vector<16xf32>
        %swap3A_144 = vector.shape_cast %mul3A_139 : vector<16xf32> to vector<1x16xf32>
        tpu.vector_store %arg14[%swap3A_140, %swap3A_141], %swap3A_144 {strides = array<i32>} : memref<128x128xf32, #tpu.memory_space<vmem>>, vector<1x16xf32>,
        %get3A_145 = arith.index_cast %scan3A_58 : i32 to index
        %get3A_146 = arith.constant 112 : index
        %get3A_147 = tpu.vector_load %arg14[%get3A_145, %get3A_146] {strides = array<i32>} : memref<128x128xf32, #tpu.memory_space<vmem>>, vector<1x16xf32>,
        %get3A_148 = vector.shape_cast %get3A_147 : vector<1x16xf32> to vector<16xf32>
        %mul3A_149 = arith.mulf %get3A_148, %exp3A : vector<16xf32>
        %swap3A_150 = arith.index_cast %scan3A_58 : i32 to index
        %swap3A_151 = arith.constant 112 : index
        %swap3A_152 = tpu.vector_load %arg14[%swap3A_150, %swap3A_151] {strides = array<i32>} : memref<128x128xf32, #tpu.memory_space<vmem>>, vector<1x16xf32>,
        %swap3A_153 = vector.shape_cast %swap3A_152 : vector<1x16xf32> to vector<16xf32>
        %swap3A_154 = vector.shape_cast %mul3A_149 : vector<16xf32> to vector<1x16xf32>
        tpu.vector_store %arg14[%swap3A_150, %swap3A_151], %swap3A_154 {strides = array<i32>} : memref<128x128xf32, #tpu.memory_space<vmem>>, vector<1x16xf32>,
      }
      %scan3A_57 = arith.constant 128 : i32
      "tpu.region"() ({
        %run_scoped3A = tpu.sem_alloc : memref<!tpu.dma_semaphore, #tpu.memory_space<semaphore_mem>>
        %dma_start3A_58 = arith.constant 0 : i32
        %dma_start3A_59 = tpu.memref_slice %arg12[%scan3A_17, %dma_start3A_58] : memref<79x128xi32, #tpu.memory_space<vmem>> -> memref<1x128xi32, #tpu.memory_space<vmem>>
        %dma_start3A_60 = tpu.memref_squeeze %dma_start3A_59 : memref<1x128xi32, #tpu.memory_space<vmem>> -> memref<128xi32, #tpu.memory_space<vmem>>
        %dma_start3A_61 = arith.constant 0 : i32
        %dma_start3A_62 = arith.constant 0 : i32
        %dma_start3A_63 = tpu.memref_slice %arg18[%dma_start3A_61, %dma_start3A_62] : memref<10112x128xf32, #tpu.memory_space<vmem_shared>> -> memref<10112x128xf32, #tpu.memory_space<vmem_shared>>
        tpu.enqueue_indirect_dma source(%arg14 : memref<128x128xf32, #tpu.memory_space<vmem>>) target(%dma_start3A_63 : memref<10112x128xf32, #tpu.memory_space<vmem_shared>>) offsets(%dma_start3A_60 : memref<128xi32, #tpu.memory_space<vmem>>) semaphore(%run_scoped3A : memref<!tpu.dma_semaphore, #tpu.memory_space<semaphore_mem>>) {add = true}
        %dma_wait3A_64 = arith.constant 0 : i32
        %dma_wait3A_65 = tpu.memref_slice %arg12[%scan3A_17, %dma_wait3A_64] : memref<79x128xi32, #tpu.memory_space<vmem>> -> memref<1x128xi32, #tpu.memory_space<vmem>>
        %dma_wait3A_66 = tpu.memref_squeeze %dma_wait3A_65 : memref<1x128xi32, #tpu.memory_space<vmem>> -> memref<128xi32, #tpu.memory_space<vmem>>
        %dma_wait3A_67 = arith.constant 0 : i32
        %dma_wait3A_68 = arith.constant 0 : i32
        %dma_wait3A_69 = tpu.memref_slice %arg18[%dma_wait3A_67, %dma_wait3A_68] : memref<10112x128xf32, #tpu.memory_space<vmem_shared>> -> memref<10112x128xf32, #tpu.memory_space<vmem_shared>>
        tpu.wait_indirect_dma semaphore(%run_scoped3A : memref<!tpu.dma_semaphore, #tpu.memory_space<semaphore_mem>>) src(%arg14 : memref<128x128xf32, #tpu.memory_space<vmem>>) dst(%dma_wait3A_69 : memref<10112x128xf32, #tpu.memory_space<vmem_shared>>)
        tpu.yield
      }) : () -> ()
    }
    %scan3A_11 = arith.constant 79 : i32
    %barrier3A_12 = arith.constant 0 : index
    tpu.barrier barrier_id(%barrier3A_12)
    %mul3A_13 = arith.constant 632 : i32
    %mul3A_14 = arith.muli %arg1, %mul3A_13 : i32
    %mul3A_15 = arith.constant 632 : i32
    %mul3A_16 = arith.muli %arg1, %mul3A_15 : i32
    "tpu.region"() ({
      %run_scoped3A = tpu.sem_alloc : memref<!tpu.dma_semaphore, #tpu.memory_space<semaphore_mem>>
      %dma_start3A = arith.constant 0 : i32
      %dma_start3A_17 = tpu.memref_slice %arg10[%arg0, %mul3A_16, %dma_start3A] : memref<2x10112x128xf32, #tpu.memory_space<hbm>> -> memref<1x632x128xf32, #tpu.memory_space<hbm>>
      %dma_start3A_18 = tpu.memref_squeeze %dma_start3A_17 : memref<1x632x128xf32, #tpu.memory_space<hbm>> -> memref<632x128xf32, #tpu.memory_space<hbm>>
      %dma_start3A_19 = arith.constant 0 : i32
      %dma_start3A_20 = tpu.memref_slice %arg18[%mul3A_14, %dma_start3A_19] : memref<10112x128xf32, #tpu.memory_space<vmem_shared>> -> memref<632x128xf32, #tpu.memory_space<vmem_shared>>
      tpu.enqueue_dma source(%dma_start3A_20 : memref<632x128xf32, #tpu.memory_space<vmem_shared>>) target(%dma_start3A_18 : memref<632x128xf32, #tpu.memory_space<hbm>>) target_semaphore(%run_scoped3A : memref<!tpu.dma_semaphore, #tpu.memory_space<semaphore_mem>>)
      %dma_wait3A = arith.constant 0 : i32
      %dma_wait3A_21 = tpu.memref_slice %arg10[%arg0, %mul3A_16, %dma_wait3A] : memref<2x10112x128xf32, #tpu.memory_space<hbm>> -> memref<1x632x128xf32, #tpu.memory_space<hbm>>
      %dma_wait3A_22 = tpu.memref_squeeze %dma_wait3A_21 : memref<1x632x128xf32, #tpu.memory_space<hbm>> -> memref<632x128xf32, #tpu.memory_space<hbm>>
      %dma_wait3A_23 = arith.constant 0 : i32
      %dma_wait3A_24 = tpu.memref_slice %arg18[%mul3A_14, %dma_wait3A_23] : memref<10112x128xf32, #tpu.memory_space<vmem_shared>> -> memref<632x128xf32, #tpu.memory_space<vmem_shared>>
      tpu.wait_dma2 semaphore(%run_scoped3A : memref<!tpu.dma_semaphore, #tpu.memory_space<semaphore_mem>>) src(%dma_wait3A_24 : memref<632x128xf32, #tpu.memory_space<vmem_shared>>) dst(%dma_wait3A_22 : memref<632x128xf32, #tpu.memory_space<hbm>>)
      tpu.yield
    }) : () -> ()
    return
  }
}

module attributes {stable_mosaic.version = 14 : i64} {
  func.func @_tc_pre_body(%arg0: i32, %arg1: memref<128x128xf32, #tpu.memory_space<vmem>>, %arg2: memref<128x128xf32, #tpu.memory_space<vmem>>, %arg3: memref<2x128x16xf32, #tpu.memory_space<vmem>>, %arg4: memref<128x128xf32, #tpu.memory_space<vmem>>, %arg5: memref<128x1xf32, #tpu.memory_space<vmem>>) attributes {dimension_semantics = [#tpu.dimension_semantics<arbitrary>], iteration_bounds = array<i64: 79>, scalar_prefetch = 0 : i64, scratch_operands = 0 : i64, tpu.core_type = #tpu.core_type<tc>, window_params = [{transform_indices = @transform_0, window_bounds = array<i64: 128, 128>}, {pipeline_mode = #tpu.pipeline_mode<synchronous>, transform_indices = @transform_1, window_bounds = array<i64: 128, 128>}, {transform_indices = @transform_2, window_bounds = array<i64: 2, 128, 16>}, {transform_indices = @transform_3, window_bounds = array<i64: 128, 128>}, {transform_indices = @transform_4, window_bounds = array<i64: 128, 1>}]} {
    %get3A = arith.constant 0 : index
    %get3A_0 = arith.constant 0 : index
    %get3A_1 = arith.constant 0 : index
    %get3A_2 = vector.load %arg3[%get3A, %get3A_0, %get3A_1] : memref<2x128x16xf32, #tpu.memory_space<vmem>>, vector<1x128x1xf32>
    %get3A_3 = vector.shape_cast %get3A_2 : vector<1x128x1xf32> to vector<128x1xf32>
    %get3A_4 = arith.constant 1 : index
    %get3A_5 = arith.constant 0 : index
    %get3A_6 = arith.constant 0 : index
    %get3A_7 = vector.load %arg3[%get3A_4, %get3A_5, %get3A_6] : memref<2x128x16xf32, #tpu.memory_space<vmem>>, vector<1x128x1xf32>
    %get3A_8 = vector.shape_cast %get3A_7 : vector<1x128x1xf32> to vector<128x1xf32>
    %add3A = arith.addf %get3A_3, %get3A_8 : vector<128x1xf32>
    %add3A_9 = arith.constant 1.000000e+00 : f32
    %add3A_10 = vector.broadcast %add3A_9 : f32 to vector<128x1xf32>
    %add3A_11 = arith.addf %add3A, %add3A_10 : vector<128x1xf32>
    %max3A = arith.constant 1.000000e+00 : f32
    %max3A_12 = vector.broadcast %max3A : f32 to vector<128x1xf32>
    %max3A_13 = arith.maximumf %add3A_11, %max3A_12 : vector<128x1xf32>
    %rsqrt3A = math.rsqrt %max3A_13 : vector<128x1xf32>
    %get3A_14 = arith.constant 0 : index
    %get3A_15 = arith.constant 0 : index
    %get3A_16 = vector.load %arg1[%get3A_14, %get3A_15] : memref<128x128xf32, #tpu.memory_space<vmem>>, vector<128x128xf32>
    %get3A_17 = arith.constant 0 : index
    %get3A_18 = arith.constant 0 : index
    %get3A_19 = vector.load %arg2[%get3A_17, %get3A_18] : memref<128x128xf32, #tpu.memory_space<vmem>>, vector<128x128xf32>
    %dot_general3A = arith.constant dense<0.000000e+00> : vector<128x128xf32>
    %dot_general3A_20 = tpu.matmul %get3A_16, %get3A_19, %dot_general3A {dimension_numbers = #tpu.dot_dimension_numbers<[1], [0], [0], [1], [0, 0, 1, 1], [], []>, transpose_lhs_hint = false} : vector<128x128xf32>, vector<128x128xf32>, vector<128x128xf32> -> vector<128x128xf32>
    %mul3A = vector.broadcast %rsqrt3A : vector<128x1xf32> to vector<128x128xf32>
    %mul3A_21 = arith.mulf %dot_general3A_20, %mul3A : vector<128x128xf32>
    %swap3A = arith.constant 0 : index
    %swap3A_22 = arith.constant 0 : index
    %swap3A_23 = vector.load %arg4[%swap3A, %swap3A_22] : memref<128x128xf32, #tpu.memory_space<vmem>>, vector<128x128xf32>
    tpu.vector_store %arg4[%swap3A, %swap3A_22], %mul3A_21 {strides = array<i32>} : memref<128x128xf32, #tpu.memory_space<vmem>>, vector<128x128xf32>,
    %swap3A_24 = arith.constant 0 : index
    %swap3A_25 = arith.constant 0 : index
    %swap3A_26 = vector.load %arg5[%swap3A_24, %swap3A_25] : memref<128x1xf32, #tpu.memory_space<vmem>>, vector<128x1xf32>
    tpu.vector_store %arg5[%swap3A_24, %swap3A_25], %rsqrt3A {strides = array<i32>} : memref<128x1xf32, #tpu.memory_space<vmem>>, vector<128x1xf32>,
    return
  }
  func.func @transform_0(%arg0: i32) -> (i32, i32) {
    %c0_i32 = arith.constant 0 : i32
    %c0_i32_0 = arith.constant 0 : i32
    return %arg0, %c0_i32 : i32, i32
  }
  func.func @transform_1(%arg0: i32) -> (i32, i32) {
    %c0_i32 = arith.constant 0 : i32
    %c0_i32_0 = arith.constant 0 : i32
    %c0_i32_1 = arith.constant 0 : i32
    return %c0_i32, %c0_i32_0 : i32, i32
  }
  func.func @transform_2(%arg0: i32) -> (i32, i32, i32) {
    %c0_i32 = arith.constant 0 : i32
    %c0_i32_0 = arith.constant 0 : i32
    %c0_i32_1 = arith.constant 0 : i32
    return %c0_i32, %arg0, %c0_i32_0 : i32, i32, i32
  }
  func.func @transform_3(%arg0: i32) -> (i32, i32) {
    %c0_i32 = arith.constant 0 : i32
    %c0_i32_0 = arith.constant 0 : i32
    return %arg0, %c0_i32 : i32, i32
  }
  func.func @transform_4(%arg0: i32) -> (i32, i32) {
    %c0_i32 = arith.constant 0 : i32
    %c0_i32_0 = arith.constant 0 : i32
    return %arg0, %c0_i32 : i32, i32
  }
}

module attributes {stable_mosaic.version = 14 : i64} {
  func.func @_tc_mid_body(%arg0: i32, %arg1: memref<2x128x128xf32, #tpu.memory_space<vmem>>, %arg2: memref<128x128xf32, #tpu.memory_space<vmem>>, %arg3: memref<128x1xf32, #tpu.memory_space<vmem>>, %arg4: memref<128x128xf32, #tpu.memory_space<vmem>>, %arg5: memref<1x128xf32, #tpu.memory_space<vmem>>, %arg6: memref<128x128xf32, #tpu.memory_space<vmem>>, %arg7: memref<128x128xf32, #tpu.memory_space<vmem>>) attributes {dimension_semantics = [#tpu.dimension_semantics<arbitrary>], iteration_bounds = array<i64: 79>, scalar_prefetch = 0 : i64, scratch_operands = 0 : i64, tpu.core_type = #tpu.core_type<tc>, window_params = [{transform_indices = @transform_0, window_bounds = array<i64: 2, 128, 128>}, {transform_indices = @transform_1, window_bounds = array<i64: 128, 128>}, {transform_indices = @transform_2, window_bounds = array<i64: 128, 1>}, {pipeline_mode = #tpu.pipeline_mode<synchronous>, transform_indices = @transform_3, window_bounds = array<i64: 128, 128>}, {pipeline_mode = #tpu.pipeline_mode<synchronous>, transform_indices = @transform_4, window_bounds = array<i64: 1, 128>}, {transform_indices = @transform_5, window_bounds = array<i64: 128, 128>}, {transform_indices = @transform_6, window_bounds = array<i64: 128, 128>}]} {
    %get3A = arith.constant 0 : index
    %get3A_0 = arith.constant 0 : index
    %get3A_1 = vector.load %arg3[%get3A, %get3A_0] : memref<128x1xf32, #tpu.memory_space<vmem>>, vector<128x1xf32>
    %get3A_2 = arith.constant 0 : index
    %get3A_3 = arith.constant 0 : index
    %get3A_4 = arith.constant 0 : index
    %get3A_5 = vector.load %arg1[%get3A_2, %get3A_3, %get3A_4] : memref<2x128x128xf32, #tpu.memory_space<vmem>>, vector<1x128x128xf32>
    %get3A_6 = vector.shape_cast %get3A_5 : vector<1x128x128xf32> to vector<128x128xf32>
    %get3A_7 = arith.constant 1 : index
    %get3A_8 = arith.constant 0 : index
    %get3A_9 = arith.constant 0 : index
    %get3A_10 = vector.load %arg1[%get3A_7, %get3A_8, %get3A_9] : memref<2x128x128xf32, #tpu.memory_space<vmem>>, vector<1x128x128xf32>
    %get3A_11 = vector.shape_cast %get3A_10 : vector<1x128x128xf32> to vector<128x128xf32>
    %add3A = arith.addf %get3A_6, %get3A_11 : vector<128x128xf32>
    %get3A_12 = arith.constant 0 : index
    %get3A_13 = arith.constant 0 : index
    %get3A_14 = vector.load %arg2[%get3A_12, %get3A_13] : memref<128x128xf32, #tpu.memory_space<vmem>>, vector<128x128xf32>
    %add3A_15 = arith.addf %add3A, %get3A_14 : vector<128x128xf32>
    %mul3A = vector.broadcast %get3A_1 : vector<128x1xf32> to vector<128x128xf32>
    %mul3A_16 = arith.mulf %add3A_15, %mul3A : vector<128x128xf32>
    %get3A_17 = arith.constant 0 : index
    %get3A_18 = arith.constant 0 : index
    %get3A_19 = vector.load %arg5[%get3A_17, %get3A_18] : memref<1x128xf32, #tpu.memory_space<vmem>>, vector<1x128xf32>
    %add3A_20 = vector.broadcast %get3A_19 : vector<1x128xf32> to vector<128x128xf32>
    %add3A_21 = arith.addf %mul3A_16, %add3A_20 : vector<128x128xf32>
    %max3A = arith.constant 0.000000e+00 : f32
    %max3A_22 = vector.broadcast %max3A : f32 to vector<128x128xf32>
    %max3A_23 = arith.maximumf %add3A_21, %max3A_22 : vector<128x128xf32>
    %swap3A = arith.constant 0 : index
    %swap3A_24 = arith.constant 0 : index
    %swap3A_25 = vector.load %arg6[%swap3A, %swap3A_24] : memref<128x128xf32, #tpu.memory_space<vmem>>, vector<128x128xf32>
    tpu.vector_store %arg6[%swap3A, %swap3A_24], %max3A_23 {strides = array<i32>} : memref<128x128xf32, #tpu.memory_space<vmem>>, vector<128x128xf32>,
    %get3A_26 = arith.constant 0 : index
    %get3A_27 = arith.constant 0 : index
    %get3A_28 = vector.load %arg4[%get3A_26, %get3A_27] : memref<128x128xf32, #tpu.memory_space<vmem>>, vector<128x128xf32>
    %dot_general3A = arith.constant dense<0.000000e+00> : vector<128x128xf32>
    %dot_general3A_29 = tpu.matmul %max3A_23, %get3A_28, %dot_general3A {dimension_numbers = #tpu.dot_dimension_numbers<[1], [0], [0], [1], [0, 0, 1, 1], [], []>, transpose_lhs_hint = false} : vector<128x128xf32>, vector<128x128xf32>, vector<128x128xf32> -> vector<128x128xf32>
    %mul3A_30 = vector.broadcast %get3A_1 : vector<128x1xf32> to vector<128x128xf32>
    %mul3A_31 = arith.mulf %dot_general3A_29, %mul3A_30 : vector<128x128xf32>
    %swap3A_32 = arith.constant 0 : index
    %swap3A_33 = arith.constant 0 : index
    %swap3A_34 = vector.load %arg7[%swap3A_32, %swap3A_33] : memref<128x128xf32, #tpu.memory_space<vmem>>, vector<128x128xf32>
    tpu.vector_store %arg7[%swap3A_32, %swap3A_33], %mul3A_31 {strides = array<i32>} : memref<128x128xf32, #tpu.memory_space<vmem>>, vector<128x128xf32>,
    return
  }
  func.func @transform_0(%arg0: i32) -> (i32, i32, i32) {
    %c0_i32 = arith.constant 0 : i32
    %c0_i32_0 = arith.constant 0 : i32
    %c0_i32_1 = arith.constant 0 : i32
    return %c0_i32, %arg0, %c0_i32_0 : i32, i32, i32
  }
  func.func @transform_1(%arg0: i32) -> (i32, i32) {
    %c0_i32 = arith.constant 0 : i32
    %c0_i32_0 = arith.constant 0 : i32
    return %arg0, %c0_i32 : i32, i32
  }
  func.func @transform_2(%arg0: i32) -> (i32, i32) {
    %c0_i32 = arith.constant 0 : i32
    %c0_i32_0 = arith.constant 0 : i32
    return %arg0, %c0_i32 : i32, i32
  }
  func.func @transform_3(%arg0: i32) -> (i32, i32) {
    %c0_i32 = arith.constant 0 : i32
    %c0_i32_0 = arith.constant 0 : i32
    %c0_i32_1 = arith.constant 0 : i32
    return %c0_i32, %c0_i32_0 : i32, i32
  }
  func.func @transform_4(%arg0: i32) -> (i32, i32) {
    %c0_i32 = arith.constant 0 : i32
    %c0_i32_0 = arith.constant 0 : i32
    %c0_i32_1 = arith.constant 0 : i32
    return %c0_i32, %c0_i32_0 : i32, i32
  }
  func.func @transform_5(%arg0: i32) -> (i32, i32) {
    %c0_i32 = arith.constant 0 : i32
    %c0_i32_0 = arith.constant 0 : i32
    return %arg0, %c0_i32 : i32, i32
  }
  func.func @transform_6(%arg0: i32) -> (i32, i32) {
    %c0_i32 = arith.constant 0 : i32
    %c0_i32_0 = arith.constant 0 : i32
    return %arg0, %c0_i32 : i32, i32
  }
}

module attributes {stable_mosaic.version = 14 : i64} {
  func.func @_tc_edge_body(%arg0: i32, %arg1: memref<4000x16xf32, #tpu.memory_space<vmem>>, %arg2: memref<16x128xf32, #tpu.memory_space<vmem>>, %arg3: memref<128x1xf32, #tpu.memory_space<vmem>>, %arg4: memref<4000x1xf32, #tpu.memory_space<vmem>>, %arg5: memref<1x1xf32, #tpu.memory_space<vmem>>, %arg6: memref<1x16xf32, #tpu.memory_space<vmem>>) attributes {dimension_semantics = [#tpu.dimension_semantics<arbitrary>], iteration_bounds = array<i64: 80>, scalar_prefetch = 0 : i64, scratch_operands = 0 : i64, tpu.core_type = #tpu.core_type<tc>, window_params = [{transform_indices = @transform_0, window_bounds = array<i64: 4000, 16>}, {pipeline_mode = #tpu.pipeline_mode<synchronous>, transform_indices = @transform_1, window_bounds = array<i64: 16, 128>}, {pipeline_mode = #tpu.pipeline_mode<synchronous>, transform_indices = @transform_2, window_bounds = array<i64: 128, 1>}, {transform_indices = @transform_3, window_bounds = array<i64: 4000, 1>}, {pipeline_mode = #tpu.pipeline_mode<synchronous>, transform_indices = @transform_4, window_bounds = array<i64: 1, 1>}, {pipeline_mode = #tpu.pipeline_mode<synchronous>, transform_indices = @transform_5, window_bounds = array<i64: 1, 16>}]} {
    %get3A = arith.constant 0 : index
    %get3A_0 = arith.constant 0 : index
    %get3A_1 = vector.load %arg2[%get3A, %get3A_0] : memref<16x128xf32, #tpu.memory_space<vmem>>, vector<16x128xf32>
    %get3A_2 = arith.constant 0 : index
    %get3A_3 = arith.constant 0 : index
    %get3A_4 = vector.load %arg3[%get3A_2, %get3A_3] : memref<128x1xf32, #tpu.memory_space<vmem>>, vector<128x1xf32>
    %dot_general3A = arith.constant dense<0.000000e+00> : vector<16x1xf32>
    %dot_general3A_5 = tpu.matmul %get3A_1, %get3A_4, %dot_general3A {dimension_numbers = #tpu.dot_dimension_numbers<[1], [0], [0], [1], [0, 0, 1, 1], [], []>, transpose_lhs_hint = false} : vector<16x128xf32>, vector<128x1xf32>, vector<16x1xf32> -> vector<16x1xf32>
    %get3A_6 = arith.constant 0 : index
    %get3A_7 = arith.constant 0 : index
    %get3A_8 = vector.load %arg1[%get3A_6, %get3A_7] : memref<4000x16xf32, #tpu.memory_space<vmem>>, vector<4000x16xf32>
    %dot_general3A_9 = arith.constant dense<0.000000e+00> : vector<4000x1xf32>
    %dot_general3A_10 = tpu.matmul %get3A_8, %dot_general3A_5, %dot_general3A_9 {dimension_numbers = #tpu.dot_dimension_numbers<[1], [0], [0], [1], [0, 0, 1, 1], [], []>, transpose_lhs_hint = false} : vector<4000x16xf32>, vector<16x1xf32>, vector<4000x1xf32> -> vector<4000x1xf32>
    %swap3A = arith.constant 0 : index
    %swap3A_11 = arith.constant 0 : index
    %swap3A_12 = vector.load %arg4[%swap3A, %swap3A_11] : memref<4000x1xf32, #tpu.memory_space<vmem>>, vector<4000x1xf32>
    tpu.vector_store %arg4[%swap3A, %swap3A_11], %dot_general3A_10 {strides = array<i32>} : memref<4000x1xf32, #tpu.memory_space<vmem>>, vector<4000x1xf32>,
    %eq3A = arith.constant 0 : i32
    %eq3A_13 = arith.cmpi eq, %arg0, %eq3A : i32
    %convert_element_type3A = arith.extui %eq3A_13 : i1 to i32
    %cond3A = arith.constant 0 : i32
    %cond3A_14 = arith.cmpi ne, %convert_element_type3A, %cond3A : i32
    scf.if %cond3A_14 {
      %broadcast_in_dim3A_36 = arith.constant 0xFF800000 : f32
      %broadcast_in_dim3A_37 = vector.broadcast %broadcast_in_dim3A_36 : f32 to vector<1x1xf32>
      %swap3A_38 = arith.constant 0 : index
      %swap3A_39 = arith.constant 0 : index
      %swap3A_40 = vector.load %arg5[%swap3A_38, %swap3A_39] : memref<1x1xf32, #tpu.memory_space<vmem>>, vector<1x1xf32>
      tpu.vector_store %arg5[%swap3A_38, %swap3A_39], %broadcast_in_dim3A_37 {strides = array<i32>} : memref<1x1xf32, #tpu.memory_space<vmem>>, vector<1x1xf32>,
      %broadcast_in_dim3A_41 = arith.constant 0.000000e+00 : f32
      %broadcast_in_dim3A_42 = vector.broadcast %broadcast_in_dim3A_41 : f32 to vector<1x16xf32>
      %swap3A_43 = arith.constant 0 : index
      %swap3A_44 = arith.constant 0 : index
      %swap3A_45 = vector.load %arg6[%swap3A_43, %swap3A_44] : memref<1x16xf32, #tpu.memory_space<vmem>>, vector<1x16xf32>
      tpu.vector_store %arg6[%swap3A_43, %swap3A_44], %broadcast_in_dim3A_42 {strides = array<i32>} : memref<1x16xf32, #tpu.memory_space<vmem>>, vector<1x16xf32>,
    } else {
    }
    %get3A_15 = arith.constant 0 : index
    %get3A_16 = arith.constant 0 : index
    %get3A_17 = vector.load %arg5[%get3A_15, %get3A_16] : memref<1x1xf32, #tpu.memory_space<vmem>>, vector<1x1xf32>
    %reduce_max3A = vector.shape_cast %dot_general3A_10 : vector<4000x1xf32> to vector<1x4000x1xf32>
    %reduce_max3A_18 = arith.constant dense<0xFF800000> : vector<1xf32>
    %reduce_max3A_19 = vector.multi_reduction <maximumf>, %reduce_max3A, %reduce_max3A_18 [1, 2] : vector<1x4000x1xf32> to vector<1xf32>
    %reduce_max3A_20 = vector.shape_cast %reduce_max3A_19 : vector<1xf32> to vector<1x1x1xf32>
    %reduce_max3A_21 = vector.extract %reduce_max3A_20[0, 0, 0] : f32 from vector<1x1x1xf32>
    %max3A = vector.broadcast %reduce_max3A_21 : f32 to vector<1x1xf32>
    %max3A_22 = arith.maximumf %get3A_17, %max3A : vector<1x1xf32>
    %swap3A_23 = arith.constant 0 : index
    %swap3A_24 = arith.constant 0 : index
    %swap3A_25 = vector.load %arg5[%swap3A_23, %swap3A_24] : memref<1x1xf32, #tpu.memory_space<vmem>>, vector<1x1xf32>
    tpu.vector_store %arg5[%swap3A_23, %swap3A_24], %max3A_22 {strides = array<i32>} : memref<1x1xf32, #tpu.memory_space<vmem>>, vector<1x1xf32>,
    %get3A_26 = arith.constant 0 : index
    %get3A_27 = arith.constant 0 : index
    %get3A_28 = vector.load %arg6[%get3A_26, %get3A_27] : memref<1x16xf32, #tpu.memory_space<vmem>>, vector<1x16xf32>
    %get3A_29 = arith.constant 0 : index
    %get3A_30 = arith.constant 0 : index
    %get3A_31 = vector.load %arg1[%get3A_29, %get3A_30] : memref<4000x16xf32, #tpu.memory_space<vmem>>, vector<4000x16xf32>
    %reduce_sum3A = arith.constant dense<0.000000e+00> : vector<16xf32>
    %reduce_sum3A_32 = vector.multi_reduction <add>, %get3A_31, %reduce_sum3A [0] : vector<4000x16xf32> to vector<16xf32>
    %broadcast_in_dim3A = vector.shape_cast %reduce_sum3A_32 : vector<16xf32> to vector<1x16xf32>
    %add3A = arith.addf %get3A_28, %broadcast_in_dim3A : vector<1x16xf32>
    %swap3A_33 = arith.constant 0 : index
    %swap3A_34 = arith.constant 0 : index
    %swap3A_35 = vector.load %arg6[%swap3A_33, %swap3A_34] : memref<1x16xf32, #tpu.memory_space<vmem>>, vector<1x16xf32>
    tpu.vector_store %arg6[%swap3A_33, %swap3A_34], %add3A {strides = array<i32>} : memref<1x16xf32, #tpu.memory_space<vmem>>, vector<1x16xf32>,
    return
  }
  func.func @transform_0(%arg0: i32) -> (i32, i32) {
    %c0_i32 = arith.constant 0 : i32
    %c0_i32_0 = arith.constant 0 : i32
    return %arg0, %c0_i32 : i32, i32
  }
  func.func @transform_1(%arg0: i32) -> (i32, i32) {
    %c0_i32 = arith.constant 0 : i32
    %c0_i32_0 = arith.constant 0 : i32
    %c0_i32_1 = arith.constant 0 : i32
    return %c0_i32, %c0_i32_0 : i32, i32
  }
  func.func @transform_2(%arg0: i32) -> (i32, i32) {
    %c0_i32 = arith.constant 0 : i32
    %c0_i32_0 = arith.constant 0 : i32
    %c0_i32_1 = arith.constant 0 : i32
    return %c0_i32, %c0_i32_0 : i32, i32
  }
  func.func @transform_3(%arg0: i32) -> (i32, i32) {
    %c0_i32 = arith.constant 0 : i32
    %c0_i32_0 = arith.constant 0 : i32
    return %arg0, %c0_i32 : i32, i32
  }
  func.func @transform_4(%arg0: i32) -> (i32, i32) {
    %c0_i32 = arith.constant 0 : i32
    %c0_i32_0 = arith.constant 0 : i32
    %c0_i32_1 = arith.constant 0 : i32
    return %c0_i32, %c0_i32_0 : i32, i32
  }
  func.func @transform_5(%arg0: i32) -> (i32, i32) {
    %c0_i32 = arith.constant 0 : i32
    %c0_i32_0 = arith.constant 0 : i32
    %c0_i32_1 = arith.constant 0 : i32
    return %c0_i32, %c0_i32_0 : i32, i32
  }
}

module attributes {stable_mosaic.version = 14 : i64} {
  func.func @_tc_gatin_body(%arg0: i32, %arg1: memref<2x128x128xf32, #tpu.memory_space<vmem>>, %arg2: memref<128x128xf32, #tpu.memory_space<vmem>>, %arg3: memref<128x1xf32, #tpu.memory_space<vmem>>, %arg4: memref<128x128xf32, #tpu.memory_space<vmem>>, %arg5: memref<1x128xf32, #tpu.memory_space<vmem>>, %arg6: memref<128x1xf32, #tpu.memory_space<vmem>>, %arg7: memref<128x1xf32, #tpu.memory_space<vmem>>, %arg8: memref<128x128xf32, #tpu.memory_space<vmem>>, %arg9: memref<128x128xf32, #tpu.memory_space<vmem>>, %arg10: memref<128x1xf32, #tpu.memory_space<vmem>>, %arg11: memref<128x1xf32, #tpu.memory_space<vmem>>) attributes {dimension_semantics = [#tpu.dimension_semantics<arbitrary>], iteration_bounds = array<i64: 79>, scalar_prefetch = 0 : i64, scratch_operands = 0 : i64, tpu.core_type = #tpu.core_type<tc>, window_params = [{transform_indices = @transform_0, window_bounds = array<i64: 2, 128, 128>}, {transform_indices = @transform_1, window_bounds = array<i64: 128, 128>}, {transform_indices = @transform_2, window_bounds = array<i64: 128, 1>}, {pipeline_mode = #tpu.pipeline_mode<synchronous>, transform_indices = @transform_3, window_bounds = array<i64: 128, 128>}, {pipeline_mode = #tpu.pipeline_mode<synchronous>, transform_indices = @transform_4, window_bounds = array<i64: 1, 128>}, {pipeline_mode = #tpu.pipeline_mode<synchronous>, transform_indices = @transform_5, window_bounds = array<i64: 128, 1>}, {pipeline_mode = #tpu.pipeline_mode<synchronous>, transform_indices = @transform_6, window_bounds = array<i64: 128, 1>}, {transform_indices = @transform_7, window_bounds = array<i64: 128, 128>}, {transform_indices = @transform_8, window_bounds = array<i64: 128, 128>}, {transform_indices = @transform_9, window_bounds = array<i64: 128, 1>}, {transform_indices = @transform_10, window_bounds = array<i64: 128, 1>}]} {
    %get3A = arith.constant 0 : index
    %get3A_0 = arith.constant 0 : index
    %get3A_1 = vector.load %arg3[%get3A, %get3A_0] : memref<128x1xf32, #tpu.memory_space<vmem>>, vector<128x1xf32>
    %get3A_2 = arith.constant 0 : index
    %get3A_3 = arith.constant 0 : index
    %get3A_4 = arith.constant 0 : index
    %get3A_5 = vector.load %arg1[%get3A_2, %get3A_3, %get3A_4] : memref<2x128x128xf32, #tpu.memory_space<vmem>>, vector<1x128x128xf32>
    %get3A_6 = vector.shape_cast %get3A_5 : vector<1x128x128xf32> to vector<128x128xf32>
    %get3A_7 = arith.constant 1 : index
    %get3A_8 = arith.constant 0 : index
    %get3A_9 = arith.constant 0 : index
    %get3A_10 = vector.load %arg1[%get3A_7, %get3A_8, %get3A_9] : memref<2x128x128xf32, #tpu.memory_space<vmem>>, vector<1x128x128xf32>
    %get3A_11 = vector.shape_cast %get3A_10 : vector<1x128x128xf32> to vector<128x128xf32>
    %add3A = arith.addf %get3A_6, %get3A_11 : vector<128x128xf32>
    %get3A_12 = arith.constant 0 : index
    %get3A_13 = arith.constant 0 : index
    %get3A_14 = vector.load %arg2[%get3A_12, %get3A_13] : memref<128x128xf32, #tpu.memory_space<vmem>>, vector<128x128xf32>
    %add3A_15 = arith.addf %add3A, %get3A_14 : vector<128x128xf32>
    %mul3A = vector.broadcast %get3A_1 : vector<128x1xf32> to vector<128x128xf32>
    %mul3A_16 = arith.mulf %add3A_15, %mul3A : vector<128x128xf32>
    %get3A_17 = arith.constant 0 : index
    %get3A_18 = arith.constant 0 : index
    %get3A_19 = vector.load %arg5[%get3A_17, %get3A_18] : memref<1x128xf32, #tpu.memory_space<vmem>>, vector<1x128xf32>
    %add3A_20 = vector.broadcast %get3A_19 : vector<1x128xf32> to vector<128x128xf32>
    %add3A_21 = arith.addf %mul3A_16, %add3A_20 : vector<128x128xf32>
    %max3A = arith.constant 0.000000e+00 : f32
    %max3A_22 = vector.broadcast %max3A : f32 to vector<128x128xf32>
    %max3A_23 = arith.maximumf %add3A_21, %max3A_22 : vector<128x128xf32>
    %get3A_24 = arith.constant 0 : index
    %get3A_25 = arith.constant 0 : index
    %get3A_26 = vector.load %arg4[%get3A_24, %get3A_25] : memref<128x128xf32, #tpu.memory_space<vmem>>, vector<128x128xf32>
    %dot_general3A = arith.constant dense<0.000000e+00> : vector<128x128xf32>
    %dot_general3A_27 = tpu.matmul %max3A_23, %get3A_26, %dot_general3A {dimension_numbers = #tpu.dot_dimension_numbers<[1], [0], [0], [1], [0, 0, 1, 1], [], []>, transpose_lhs_hint = false} : vector<128x128xf32>, vector<128x128xf32>, vector<128x128xf32> -> vector<128x128xf32>
    %swap3A = arith.constant 0 : index
    %swap3A_28 = arith.constant 0 : index
    %swap3A_29 = vector.load %arg8[%swap3A, %swap3A_28] : memref<128x128xf32, #tpu.memory_space<vmem>>, vector<128x128xf32>
    tpu.vector_store %arg8[%swap3A, %swap3A_28], %max3A_23 {strides = array<i32>} : memref<128x128xf32, #tpu.memory_space<vmem>>, vector<128x128xf32>,
    %swap3A_30 = arith.constant 0 : index
    %swap3A_31 = arith.constant 0 : index
    %swap3A_32 = vector.load %arg9[%swap3A_30, %swap3A_31] : memref<128x128xf32, #tpu.memory_space<vmem>>, vector<128x128xf32>
    tpu.vector_store %arg9[%swap3A_30, %swap3A_31], %dot_general3A_27 {strides = array<i32>} : memref<128x128xf32, #tpu.memory_space<vmem>>, vector<128x128xf32>,
    %get3A_33 = arith.constant 0 : index
    %get3A_34 = arith.constant 0 : index
    %get3A_35 = vector.load %arg6[%get3A_33, %get3A_34] : memref<128x1xf32, #tpu.memory_space<vmem>>, vector<128x1xf32>
    %dot_general3A_36 = arith.constant dense<0.000000e+00> : vector<128x1xf32>
    %dot_general3A_37 = tpu.matmul %dot_general3A_27, %get3A_35, %dot_general3A_36 {dimension_numbers = #tpu.dot_dimension_numbers<[1], [0], [0], [1], [0, 0, 1, 1], [], []>, transpose_lhs_hint = false} : vector<128x128xf32>, vector<128x1xf32>, vector<128x1xf32> -> vector<128x1xf32>
    %swap3A_38 = arith.constant 0 : index
    %swap3A_39 = arith.constant 0 : index
    %swap3A_40 = vector.load %arg10[%swap3A_38, %swap3A_39] : memref<128x1xf32, #tpu.memory_space<vmem>>, vector<128x1xf32>
    tpu.vector_store %arg10[%swap3A_38, %swap3A_39], %dot_general3A_37 {strides = array<i32>} : memref<128x1xf32, #tpu.memory_space<vmem>>, vector<128x1xf32>,
    %get3A_41 = arith.constant 0 : index
    %get3A_42 = arith.constant 0 : index
    %get3A_43 = vector.load %arg7[%get3A_41, %get3A_42] : memref<128x1xf32, #tpu.memory_space<vmem>>, vector<128x1xf32>
    %dot_general3A_44 = arith.constant dense<0.000000e+00> : vector<128x1xf32>
    %dot_general3A_45 = tpu.matmul %dot_general3A_27, %get3A_43, %dot_general3A_44 {dimension_numbers = #tpu.dot_dimension_numbers<[1], [0], [0], [1], [0, 0, 1, 1], [], []>, transpose_lhs_hint = false} : vector<128x128xf32>, vector<128x1xf32>, vector<128x1xf32> -> vector<128x1xf32>
    %swap3A_46 = arith.constant 0 : index
    %swap3A_47 = arith.constant 0 : index
    %swap3A_48 = vector.load %arg11[%swap3A_46, %swap3A_47] : memref<128x1xf32, #tpu.memory_space<vmem>>, vector<128x1xf32>
    tpu.vector_store %arg11[%swap3A_46, %swap3A_47], %dot_general3A_45 {strides = array<i32>} : memref<128x1xf32, #tpu.memory_space<vmem>>, vector<128x1xf32>,
    return
  }
  func.func @transform_0(%arg0: i32) -> (i32, i32, i32) {
    %c0_i32 = arith.constant 0 : i32
    %c0_i32_0 = arith.constant 0 : i32
    %c0_i32_1 = arith.constant 0 : i32
    return %c0_i32, %arg0, %c0_i32_0 : i32, i32, i32
  }
  func.func @transform_1(%arg0: i32) -> (i32, i32) {
    %c0_i32 = arith.constant 0 : i32
    %c0_i32_0 = arith.constant 0 : i32
    return %arg0, %c0_i32 : i32, i32
  }
  func.func @transform_2(%arg0: i32) -> (i32, i32) {
    %c0_i32 = arith.constant 0 : i32
    %c0_i32_0 = arith.constant 0 : i32
    return %arg0, %c0_i32 : i32, i32
  }
  func.func @transform_3(%arg0: i32) -> (i32, i32) {
    %c0_i32 = arith.constant 0 : i32
    %c0_i32_0 = arith.constant 0 : i32
    %c0_i32_1 = arith.constant 0 : i32
    return %c0_i32, %c0_i32_0 : i32, i32
  }
  func.func @transform_4(%arg0: i32) -> (i32, i32) {
    %c0_i32 = arith.constant 0 : i32
    %c0_i32_0 = arith.constant 0 : i32
    %c0_i32_1 = arith.constant 0 : i32
    return %c0_i32, %c0_i32_0 : i32, i32
  }
  func.func @transform_5(%arg0: i32) -> (i32, i32) {
    %c0_i32 = arith.constant 0 : i32
    %c0_i32_0 = arith.constant 0 : i32
    %c0_i32_1 = arith.constant 0 : i32
    return %c0_i32, %c0_i32_0 : i32, i32
  }
  func.func @transform_6(%arg0: i32) -> (i32, i32) {
    %c0_i32 = arith.constant 0 : i32
    %c0_i32_0 = arith.constant 0 : i32
    %c0_i32_1 = arith.constant 0 : i32
    return %c0_i32, %c0_i32_0 : i32, i32
  }
  func.func @transform_7(%arg0: i32) -> (i32, i32) {
    %c0_i32 = arith.constant 0 : i32
    %c0_i32_0 = arith.constant 0 : i32
    return %arg0, %c0_i32 : i32, i32
  }
  func.func @transform_8(%arg0: i32) -> (i32, i32) {
    %c0_i32 = arith.constant 0 : i32
    %c0_i32_0 = arith.constant 0 : i32
    return %arg0, %c0_i32 : i32, i32
  }
  func.func @transform_9(%arg0: i32) -> (i32, i32) {
    %c0_i32 = arith.constant 0 : i32
    %c0_i32_0 = arith.constant 0 : i32
    return %arg0, %c0_i32 : i32, i32
  }
  func.func @transform_10(%arg0: i32) -> (i32, i32) {
    %c0_i32 = arith.constant 0 : i32
    %c0_i32_0 = arith.constant 0 : i32
    return %arg0, %c0_i32 : i32, i32
  }
}

module attributes {stable_mosaic.version = 14 : i64} {
  func.func @body(%arg0: i32, %arg1: memref<10112x1xf32, #tpu.memory_space<vmem>>, %arg2: memref<10112x1xf32, #tpu.memory_space<vmem>>, %arg3: memref<1x1xf32, #tpu.memory_space<vmem>>, %arg4: memref<1x16xf32, #tpu.memory_space<vmem>>, %arg5: memref<16x128xf32, #tpu.memory_space<vmem>>, %arg6: memref<128x1xf32, #tpu.memory_space<vmem>>, %arg7: memref<1x16xf32, #tpu.memory_space<vmem>>, %arg8: memref<10112x1xf32, #tpu.memory_space<vmem>>) attributes {dimension_semantics = [#tpu.dimension_semantics<arbitrary>], iteration_bounds = array<i64: 1>, scalar_prefetch = 0 : i64, scratch_operands = 0 : i64, tpu.core_type = #tpu.core_type<tc>, window_params = [{pipeline_mode = #tpu.pipeline_mode<synchronous>, transform_indices = @transform_0, window_bounds = array<i64: 10112, 1>}, {pipeline_mode = #tpu.pipeline_mode<synchronous>, transform_indices = @transform_1, window_bounds = array<i64: 10112, 1>}, {pipeline_mode = #tpu.pipeline_mode<synchronous>, transform_indices = @transform_2, window_bounds = array<i64: 1, 1>}, {pipeline_mode = #tpu.pipeline_mode<synchronous>, transform_indices = @transform_3, window_bounds = array<i64: 1, 16>}, {pipeline_mode = #tpu.pipeline_mode<synchronous>, transform_indices = @transform_4, window_bounds = array<i64: 16, 128>}, {pipeline_mode = #tpu.pipeline_mode<synchronous>, transform_indices = @transform_5, window_bounds = array<i64: 128, 1>}, {pipeline_mode = #tpu.pipeline_mode<synchronous>, transform_indices = @transform_6, window_bounds = array<i64: 1, 16>}, {pipeline_mode = #tpu.pipeline_mode<synchronous>, transform_indices = @transform_7, window_bounds = array<i64: 10112, 1>}]} {
    %get3A = arith.constant 0 : index
    %get3A_0 = arith.constant 0 : index
    %get3A_1 = vector.load %arg5[%get3A, %get3A_0] : memref<16x128xf32, #tpu.memory_space<vmem>>, vector<16x128xf32>
    %get3A_2 = arith.constant 0 : index
    %get3A_3 = arith.constant 0 : index
    %get3A_4 = vector.load %arg6[%get3A_2, %get3A_3] : memref<128x1xf32, #tpu.memory_space<vmem>>, vector<128x1xf32>
    %dot_general3A = arith.constant dense<0.000000e+00> : vector<16x1xf32>
    %dot_general3A_5 = tpu.matmul %get3A_1, %get3A_4, %dot_general3A {dimension_numbers = #tpu.dot_dimension_numbers<[1], [0], [0], [1], [0, 0, 1, 1], [], []>, transpose_lhs_hint = false} : vector<16x128xf32>, vector<128x1xf32>, vector<16x1xf32> -> vector<16x1xf32>
    %get3A_6 = arith.constant 0 : index
    %get3A_7 = arith.constant 0 : index
    %get3A_8 = vector.load %arg4[%get3A_6, %get3A_7] : memref<1x16xf32, #tpu.memory_space<vmem>>, vector<1x16xf32>
    %div3A = arith.constant 3.200000e+05 : f32
    %div3A_9 = vector.broadcast %div3A : f32 to vector<1x16xf32>
    %div3A_10 = arith.divf %get3A_8, %div3A_9 : vector<1x16xf32>
    %dot_general3A_11 = arith.constant dense<0.000000e+00> : vector<1x1xf32>
    %dot_general3A_12 = tpu.matmul %div3A_10, %dot_general3A_5, %dot_general3A_11 {dimension_numbers = #tpu.dot_dimension_numbers<[1], [0], [0], [1], [0, 0, 1, 1], [], []>, transpose_lhs_hint = false} : vector<1x16xf32>, vector<16x1xf32>, vector<1x1xf32> -> vector<1x1xf32>
    %get3A_13 = arith.constant 0 : index
    %get3A_14 = arith.constant 0 : index
    %get3A_15 = vector.load %arg1[%get3A_13, %get3A_14] : memref<10112x1xf32, #tpu.memory_space<vmem>>, vector<10112x1xf32>
    %reduce_max3A = vector.shape_cast %get3A_15 : vector<10112x1xf32> to vector<1x10112x1xf32>
    %reduce_max3A_16 = arith.constant dense<0xFF800000> : vector<1xf32>
    %reduce_max3A_17 = vector.multi_reduction <maximumf>, %reduce_max3A, %reduce_max3A_16 [1, 2] : vector<1x10112x1xf32> to vector<1xf32>
    %reduce_max3A_18 = vector.shape_cast %reduce_max3A_17 : vector<1xf32> to vector<1x1x1xf32>
    %reduce_max3A_19 = vector.extract %reduce_max3A_18[0, 0, 0] : f32 from vector<1x1x1xf32>
    %get3A_20 = arith.constant 0 : index
    %get3A_21 = arith.constant 0 : index
    %get3A_22 = vector.load %arg2[%get3A_20, %get3A_21] : memref<10112x1xf32, #tpu.memory_space<vmem>>, vector<10112x1xf32>
    %reduce_max3A_23 = vector.shape_cast %get3A_22 : vector<10112x1xf32> to vector<1x10112x1xf32>
    %reduce_max3A_24 = arith.constant dense<0xFF800000> : vector<1xf32>
    %reduce_max3A_25 = vector.multi_reduction <maximumf>, %reduce_max3A_23, %reduce_max3A_24 [1, 2] : vector<1x10112x1xf32> to vector<1xf32>
    %reduce_max3A_26 = vector.shape_cast %reduce_max3A_25 : vector<1xf32> to vector<1x1x1xf32>
    %reduce_max3A_27 = vector.extract %reduce_max3A_26[0, 0, 0] : f32 from vector<1x1x1xf32>
    %add3A = arith.addf %reduce_max3A_19, %reduce_max3A_27 : f32
    %get3A_28 = arith.constant 0 : index
    %get3A_29 = arith.constant 0 : index
    %get3A_30 = vector.load %arg3[%get3A_28, %get3A_29] : memref<1x1xf32, #tpu.memory_space<vmem>>, vector<1x1xf32>
    %get3A_31 = vector.extract %get3A_30[0, 0] : f32 from vector<1x1xf32>
    %squeeze3A = vector.extract %dot_general3A_12[0, 0] : f32 from vector<1x1xf32>
    %max3A = arith.maximumf %get3A_31, %squeeze3A : f32
    %add3A_32 = arith.addf %add3A, %max3A : f32
    %mul3A = arith.constant 2.000000e-01 : f32
    %mul3A_33 = arith.mulf %mul3A, %add3A_32 : f32
    %max3A_34 = arith.maximumf %add3A_32, %mul3A_33 : f32
    %broadcast_in_dim3A = vector.broadcast %max3A_34 : f32 to vector<1x16xf32>
    %swap3A = arith.constant 0 : index
    %swap3A_35 = arith.constant 0 : index
    %swap3A_36 = vector.load %arg7[%swap3A, %swap3A_35] : memref<1x16xf32, #tpu.memory_space<vmem>>, vector<1x16xf32>
    tpu.vector_store %arg7[%swap3A, %swap3A_35], %broadcast_in_dim3A {strides = array<i32>} : memref<1x16xf32, #tpu.memory_space<vmem>>, vector<1x16xf32>,
    %get3A_37 = arith.constant 0 : index
    %get3A_38 = arith.constant 0 : index
    %get3A_39 = vector.load %arg1[%get3A_37, %get3A_38] : memref<10112x1xf32, #tpu.memory_space<vmem>>, vector<10112x1xf32>
    %get3A_40 = arith.constant 0 : index
    %get3A_41 = arith.constant 0 : index
    %get3A_42 = vector.load %arg2[%get3A_40, %get3A_41] : memref<10112x1xf32, #tpu.memory_space<vmem>>, vector<10112x1xf32>
    %add3A_43 = arith.addf %get3A_39, %get3A_42 : vector<10112x1xf32>
    %add3A_44 = vector.broadcast %dot_general3A_12 : vector<1x1xf32> to vector<10112x1xf32>
    %add3A_45 = arith.addf %add3A_43, %add3A_44 : vector<10112x1xf32>
    %mul3A_46 = arith.constant 2.000000e-01 : f32
    %mul3A_47 = vector.broadcast %mul3A_46 : f32 to vector<10112x1xf32>
    %mul3A_48 = arith.mulf %mul3A_47, %add3A_45 : vector<10112x1xf32>
    %max3A_49 = arith.maximumf %add3A_45, %mul3A_48 : vector<10112x1xf32>
    %sub3A = vector.broadcast %max3A_34 : f32 to vector<10112x1xf32>
    %sub3A_50 = arith.subf %max3A_49, %sub3A : vector<10112x1xf32>
    %exp3A = math.exp %sub3A_50 : vector<10112x1xf32>
    %swap3A_51 = arith.constant 0 : index
    %swap3A_52 = arith.constant 0 : index
    %swap3A_53 = vector.load %arg8[%swap3A_51, %swap3A_52] : memref<10112x1xf32, #tpu.memory_space<vmem>>, vector<10112x1xf32>
    tpu.vector_store %arg8[%swap3A_51, %swap3A_52], %exp3A {strides = array<i32>} : memref<10112x1xf32, #tpu.memory_space<vmem>>, vector<10112x1xf32>,
    return
  }
  func.func @transform_0(%arg0: i32) -> (i32, i32) {
    %c0_i32 = arith.constant 0 : i32
    %c0_i32_0 = arith.constant 0 : i32
    %c0_i32_1 = arith.constant 0 : i32
    return %c0_i32, %c0_i32_0 : i32, i32
  }
  func.func @transform_1(%arg0: i32) -> (i32, i32) {
    %c0_i32 = arith.constant 0 : i32
    %c0_i32_0 = arith.constant 0 : i32
    %c0_i32_1 = arith.constant 0 : i32
    return %c0_i32, %c0_i32_0 : i32, i32
  }
  func.func @transform_2(%arg0: i32) -> (i32, i32) {
    %c0_i32 = arith.constant 0 : i32
    %c0_i32_0 = arith.constant 0 : i32
    %c0_i32_1 = arith.constant 0 : i32
    return %c0_i32, %c0_i32_0 : i32, i32
  }
  func.func @transform_3(%arg0: i32) -> (i32, i32) {
    %c0_i32 = arith.constant 0 : i32
    %c0_i32_0 = arith.constant 0 : i32
    %c0_i32_1 = arith.constant 0 : i32
    return %c0_i32, %c0_i32_0 : i32, i32
  }
  func.func @transform_4(%arg0: i32) -> (i32, i32) {
    %c0_i32 = arith.constant 0 : i32
    %c0_i32_0 = arith.constant 0 : i32
    %c0_i32_1 = arith.constant 0 : i32
    return %c0_i32, %c0_i32_0 : i32, i32
  }
  func.func @transform_5(%arg0: i32) -> (i32, i32) {
    %c0_i32 = arith.constant 0 : i32
    %c0_i32_0 = arith.constant 0 : i32
    %c0_i32_1 = arith.constant 0 : i32
    return %c0_i32, %c0_i32_0 : i32, i32
  }
  func.func @transform_6(%arg0: i32) -> (i32, i32) {
    %c0_i32 = arith.constant 0 : i32
    %c0_i32_0 = arith.constant 0 : i32
    %c0_i32_1 = arith.constant 0 : i32
    return %c0_i32, %c0_i32_0 : i32, i32
  }
  func.func @transform_7(%arg0: i32) -> (i32, i32) {
    %c0_i32 = arith.constant 0 : i32
    %c0_i32_0 = arith.constant 0 : i32
    %c0_i32_1 = arith.constant 0 : i32
    return %c0_i32, %c0_i32_0 : i32, i32
  }
}

module attributes {stable_mosaic.version = 14 : i64} {
  func.func @_tc_final_body(%arg0: i32, %arg1: memref<2x128x128xf32, #tpu.memory_space<vmem>>, %arg2: memref<2x128x16xf32, #tpu.memory_space<vmem>>, %arg3: memref<128x128xf32, #tpu.memory_space<vmem>>, %arg4: memref<128x1xf32, #tpu.memory_space<vmem>>, %arg5: memref<1x128xf32, #tpu.memory_space<vmem>>, %arg6: memref<128x128xf32, #tpu.memory_space<vmem>>) attributes {dimension_semantics = [#tpu.dimension_semantics<arbitrary>], iteration_bounds = array<i64: 79>, scalar_prefetch = 0 : i64, scratch_operands = 0 : i64, tpu.core_type = #tpu.core_type<tc>, window_params = [{transform_indices = @transform_0, window_bounds = array<i64: 2, 128, 128>}, {transform_indices = @transform_1, window_bounds = array<i64: 2, 128, 16>}, {transform_indices = @transform_2, window_bounds = array<i64: 128, 128>}, {transform_indices = @transform_3, window_bounds = array<i64: 128, 1>}, {pipeline_mode = #tpu.pipeline_mode<synchronous>, transform_indices = @transform_4, window_bounds = array<i64: 1, 128>}, {transform_indices = @transform_5, window_bounds = array<i64: 128, 128>}]} {
    %get3A = arith.constant 0 : index
    %get3A_0 = arith.constant 0 : index
    %get3A_1 = vector.load %arg4[%get3A, %get3A_0] : memref<128x1xf32, #tpu.memory_space<vmem>>, vector<128x1xf32>
    %get3A_2 = arith.constant 0 : index
    %get3A_3 = arith.constant 0 : index
    %get3A_4 = arith.constant 0 : index
    %get3A_5 = vector.load %arg2[%get3A_2, %get3A_3, %get3A_4] : memref<2x128x16xf32, #tpu.memory_space<vmem>>, vector<1x128x1xf32>
    %get3A_6 = vector.shape_cast %get3A_5 : vector<1x128x1xf32> to vector<128x1xf32>
    %get3A_7 = arith.constant 1 : index
    %get3A_8 = arith.constant 0 : index
    %get3A_9 = arith.constant 0 : index
    %get3A_10 = vector.load %arg2[%get3A_7, %get3A_8, %get3A_9] : memref<2x128x16xf32, #tpu.memory_space<vmem>>, vector<1x128x1xf32>
    %get3A_11 = vector.shape_cast %get3A_10 : vector<1x128x1xf32> to vector<128x1xf32>
    %add3A = arith.addf %get3A_6, %get3A_11 : vector<128x1xf32>
    %add3A_12 = arith.addf %add3A, %get3A_1 : vector<128x1xf32>
    %get3A_13 = arith.constant 0 : index
    %get3A_14 = arith.constant 0 : index
    %get3A_15 = arith.constant 0 : index
    %get3A_16 = vector.load %arg1[%get3A_13, %get3A_14, %get3A_15] : memref<2x128x128xf32, #tpu.memory_space<vmem>>, vector<1x128x128xf32>
    %get3A_17 = vector.shape_cast %get3A_16 : vector<1x128x128xf32> to vector<128x128xf32>
    %get3A_18 = arith.constant 1 : index
    %get3A_19 = arith.constant 0 : index
    %get3A_20 = arith.constant 0 : index
    %get3A_21 = vector.load %arg1[%get3A_18, %get3A_19, %get3A_20] : memref<2x128x128xf32, #tpu.memory_space<vmem>>, vector<1x128x128xf32>
    %get3A_22 = vector.shape_cast %get3A_21 : vector<1x128x128xf32> to vector<128x128xf32>
    %add3A_23 = arith.addf %get3A_17, %get3A_22 : vector<128x128xf32>
    %get3A_24 = arith.constant 0 : index
    %get3A_25 = arith.constant 0 : index
    %get3A_26 = vector.load %arg3[%get3A_24, %get3A_25] : memref<128x128xf32, #tpu.memory_space<vmem>>, vector<128x128xf32>
    %mul3A = vector.broadcast %get3A_1 : vector<128x1xf32> to vector<128x128xf32>
    %mul3A_27 = arith.mulf %get3A_26, %mul3A : vector<128x128xf32>
    %add3A_28 = arith.addf %add3A_23, %mul3A_27 : vector<128x128xf32>
    %div3A = vector.broadcast %add3A_12 : vector<128x1xf32> to vector<128x128xf32>
    %div3A_29 = arith.divf %add3A_28, %div3A : vector<128x128xf32>
    %get3A_30 = arith.constant 0 : index
    %get3A_31 = arith.constant 0 : index
    %get3A_32 = vector.load %arg5[%get3A_30, %get3A_31] : memref<1x128xf32, #tpu.memory_space<vmem>>, vector<1x128xf32>
    %add3A_33 = vector.broadcast %get3A_32 : vector<1x128xf32> to vector<128x128xf32>
    %add3A_34 = arith.addf %div3A_29, %add3A_33 : vector<128x128xf32>
    %swap3A = arith.constant 0 : index
    %swap3A_35 = arith.constant 0 : index
    %swap3A_36 = vector.load %arg6[%swap3A, %swap3A_35] : memref<128x128xf32, #tpu.memory_space<vmem>>, vector<128x128xf32>
    tpu.vector_store %arg6[%swap3A, %swap3A_35], %add3A_34 {strides = array<i32>} : memref<128x128xf32, #tpu.memory_space<vmem>>, vector<128x128xf32>,
    return
  }
  func.func @transform_0(%arg0: i32) -> (i32, i32, i32) {
    %c0_i32 = arith.constant 0 : i32
    %c0_i32_0 = arith.constant 0 : i32
    %c0_i32_1 = arith.constant 0 : i32
    return %c0_i32, %arg0, %c0_i32_0 : i32, i32, i32
  }
  func.func @transform_1(%arg0: i32) -> (i32, i32, i32) {
    %c0_i32 = arith.constant 0 : i32
    %c0_i32_0 = arith.constant 0 : i32
    %c0_i32_1 = arith.constant 0 : i32
    return %c0_i32, %arg0, %c0_i32_0 : i32, i32, i32
  }
  func.func @transform_2(%arg0: i32) -> (i32, i32) {
    %c0_i32 = arith.constant 0 : i32
    %c0_i32_0 = arith.constant 0 : i32
    return %arg0, %c0_i32 : i32, i32
  }
  func.func @transform_3(%arg0: i32) -> (i32, i32) {
    %c0_i32 = arith.constant 0 : i32
    %c0_i32_0 = arith.constant 0 : i32
    return %arg0, %c0_i32 : i32, i32
  }
  func.func @transform_4(%arg0: i32) -> (i32, i32) {
    %c0_i32 = arith.constant 0 : i32
    %c0_i32_0 = arith.constant 0 : i32
    %c0_i32_1 = arith.constant 0 : i32
    return %c0_i32, %c0_i32_0 : i32, i32
  }
  func.func @transform_5(%arg0: i32) -> (i32, i32) {
    %c0_i32 = arith.constant 0 : i32
    %c0_i32_0 = arith.constant 0 : i32
    return %arg0, %c0_i32 : i32, i32
  }
}

</mosaic_0001>

<sc_bundles>
// kernel: kernel.13.cloned.1.call-start
scs
__scs_entry_jumppad:
0x0: {  	(pc) =	sbr.rel $0x88, $3  }
0x1: {  	(tag) =	ssettag $0x0;
	lr =	simm.s32 $0x1  }
0x2: {  	[smem:$0x3F94] =	sst lr;
	_ =	strace $0xD0000000  }
0x3: {  	_ = 	snop  }
0x4: {  	_ = 	snop  }
0x5: {  	_ = 	snop  }
0x6: {  	_ = 	snop  }
0x7: {  	_ = 	snop  }
__scs_overlays_trampoline_lowered:
0x8: {  	[smem:$0x3FA3] =	sst s0  }
0x9: {  	[smem:$0x3FA4] =	sst s1  }
0xa: {  	[smem:$0x3FA5] =	sst s2  }
0xb: {  	[smem:$0x3FA6] =	sst s3  }
0xc: {  	[smem:$0x3FA7] =	sst s4  }
0xd: {  	[smem:$0x3FA8] =	sst s5  }
0xe: {  	[smem:$0x3FA9] =	sst s6  }
0xf: {  	[smem:$0x3FAA] =	sst s7  }
0x10: {  	[smem:$0x3FAB] =	sst s8  }
0x11: {  	[smem:$0x3FAC] =	sst s9;
	s0 =	simm.s32 @!p0 $0x0  }
0x12: {  	s1 =	sld [smem:$0x3F92];
	s0 =	simm.s32 @p0 $0x1  }
0x13: {  	[smem:$0x3FAD] =	sst s0;
	s0 =	simm.s32 @!p1 $0x0  }
0x14: {  	s2 =	sld [smem:$0x3F91];
	s0 =	simm.s32 @p1 $0x1  }
0x15: {  	[smem:$0x3FAE] =	sst s0;
	s0 =	simm.s32 @!p2 $0x0  }
0x16: {  	s3 =	sld [smem:$0x3FDB];
	s0 =	simm.s32 @p2 $0x1  }
0x17: {  	s4 =	simm.s32 $0x1BF5;
	[smem:$0x3FB0] =	sst s0  }
0x18: {  	s0 =	sld [smem:$0x3F93];
	_ =	swait.ge [sflag:s4], $0x0  }
0x19: {  	s7 =	sld [smem:$0x3F94]  }
0x1a: {  	s8 =	sadd.s32 $0xFFFFE003, lr  }
0x1b: {  	s9 =	sadd.s32 $0xFFFFFEF7, lr;
	s5 =	simm.s32 $0xFFFFFFFF;
	p2 =	slt.u32 s8, $0xFFFFF086  }
0x1c: {  	p1 =	slt.u32 s9, $0xF7A;
	s5 =	simm.s32 @!p2 $0x0  }
0x1d: {  	s5 =	simm.s32 @p1 $0x1;
	p0 =	seq.s32 s7, s2  }
0x1e: {  	s7 =	smul.u32 @!p0 $0xF7A, s2;
	p2 =	seq.s32 @!p0 s5, $0x0  }
0x1f: {  	s9 =	smul.u32 $0xF7A, s1;
	s8 =	simm.s32 @!p0 $0x1BF5;
	p2 =	por !p2, p0  }
0x20: {  	[sflag:s8] =	ssyncset.s32 @!p0 $0xFFFFF086;
	s6 =	sadd.s32 @!p0 s3, s7;
	s7 =	simm.s32 @!p0 $0x108  }
0x21: {  	s3 =	sadd.s32 s3, s9;
	s6 =	sadd.s32 @!p0 $0x88, s6;
	s7 =	simm.s32 @p2 $0x1082  }
0x22: {  	[simem:s7], [sflag:s8] =	dma.local @!p0 [hbm:s6], $0xF7A  }
0x23: {  	s9 =	sor.u32 $0xD0000000, s2;
	s6 =	simm.s32 $0x108;
	_ =	swait.ge @!p0 [sflag:s8], $0x0  }
0x24: {  	s3 =	sadd.s32 $0x88, s3;
	s6 =	simm.s32 @!p1 $0x1082;
	[sflag:s4] =	ssyncset.s32 $0xFFFFF086  }
0x25: {  	[simem:s6], [sflag:s4] =	dma.local [hbm:s3], $0xF7A  }
0x26: {  	[smem:$0x3F94] =	sst s1;
	(tag) =	ssettag s2;
	_ =	strace s9  }
0x27: {  	s1 =	sld [smem:$0x3FA4]  }
0x28: {  	s2 =	sld [smem:$0x3FA5]  }
0x29: {  	s4 =	sld [smem:$0x3FA7]  }
0x2a: {  	p0 =	seq.s32 s5, $0x0;
	s5 =	sld [smem:$0x3FA8]  }
0x2b: {  	s6 =	sld [smem:$0x3FA9]  }
0x2c: {  	s7 =	sld [smem:$0x3FAA]  }
0x2d: {  	s3 =	simm.s32 $0x108;
	s8 =	sld [smem:$0x3FAB]  }
0x2e: {  	s3 =	simm.s32 @!p0 $0x1082;
	s9 =	sld [smem:$0x3FAC]  }
0x2f: {  	lr =	sadd.s32 s0, s3;
	s0 =	sld [smem:$0x3FA3]  }
0x30: {  	s3 =	sld [smem:$0x3FA6]  }
0x31: {  	[smem:$0x3FAF] =	sst s10  }
0x32: {  	s10 =	sld [smem:$0x3FAD];
	_ =	sdelay $0x3  }
0x33: {  	p0 =	seq.s32 s10, $0x1;
	s10 =	sld [smem:$0x3FAF];
	_ =	sdelay $0x3  }
0x34: {  	[smem:$0x3FAF] =	sst s10  }
0x35: {  	s10 =	sld [smem:$0x3FAE];
	_ =	sdelay $0x3  }
0x36: {  	p1 =	seq.s32 s10, $0x1;
	s10 =	sld [smem:$0x3FAF];
	_ =	sdelay $0x3  }
0x37: {  	[smem:$0x3FAF] =	sst s10  }
0x38: {  	s10 =	sld [smem:$0x3FB0]  }
0x39: {  	_ = 	snop;
	(pc) =	sbr.ind lr, $3  }
0x3a: {  	_ = 	snop  }
0x3b: {  	_ = 	snop  }
0x3c: {  	p2 =	seq.s32 s10, $0x1;
	s10 =	sld [smem:$0x3FAF]  }
0x3d: {  	_ =	shalt  }
0x3e: {  	_ =	shalt  }
0x3f: {  	_ =	shalt  }
0x40: {  	_ =	shalt  }
0x41: {  	_ =	shalt  }
0x42: {  	_ =	shalt  }
0x43: {  	_ =	shalt  }
0x44: {  	_ =	shalt  }
0x45: {  	_ =	shalt  }
0x46: {  	_ =	shalt  }
0x47: {  	_ =	shalt  }
0x48: {  	_ =	shalt  }
0x49: {  	_ =	shalt  }
0x4a: {  	_ =	shalt  }
0x4b: {  	_ =	shalt  }
0x4c: {  	_ =	shalt  }
0x4d: {  	_ =	shalt  }
0x4e: {  	_ =	shalt  }
0x4f: {  	_ =	shalt  }
0x50: {  	_ =	shalt  }
0x51: {  	_ =	shalt  }
0x52: {  	_ =	shalt  }
0x53: {  	_ =	shalt  }
0x54: {  	_ =	shalt  }
0x55: {  	_ =	shalt  }
0x56: {  	_ =	shalt  }
0x57: {  	_ =	shalt  }
0x58: {  	_ =	shalt  }
0x59: {  	_ =	shalt  }
0x5a: {  	_ =	shalt  }
0x5b: {  	_ =	shalt  }
0x5c: {  	_ =	shalt  }
0x5d: {  	_ =	shalt  }
0x5e: {  	_ =	shalt  }
0x5f: {  	_ =	shalt  }
0x60: {  	_ =	shalt  }
0x61: {  	_ =	shalt  }
0x62: {  	_ =	shalt  }
0x63: {  	_ =	shalt  }
0x64: {  	_ =	shalt  }
0x65: {  	_ =	shalt  }
0x66: {  	_ =	shalt  }
0x67: {  	_ =	shalt  }
0x68: {  	_ =	shalt  }
0x69: {  	_ =	shalt  }
0x6a: {  	_ =	shalt  }
0x6b: {  	_ =	shalt  }
0x6c: {  	_ =	shalt  }
0x6d: {  	_ =	shalt  }
0x6e: {  	_ =	shalt  }
0x6f: {  	_ =	shalt  }
0x70: {  	_ =	shalt  }
0x71: {  	_ =	shalt  }
0x72: {  	_ =	shalt  }
0x73: {  	_ =	shalt  }
0x74: {  	_ =	shalt  }
0x75: {  	_ =	shalt  }
0x76: {  	_ =	shalt  }
0x77: {  	_ =	shalt  }
0x78: {  	_ =	shalt  }
0x79: {  	_ =	shalt  }
0x7a: {  	_ =	shalt  }
0x7b: {  	_ =	shalt  }
0x7c: {  	_ =	shalt  }
0x7d: {  	_ =	shalt  }
0x7e: {  	_ =	shalt  }
0x7f: {  	_ =	shalt  }
0x80: {  	_ =	shalt  }
0x81: {  	_ =	shalt  }
0x82: {  	_ =	shalt  }
0x83: {  	_ =	shalt  }
0x84: {  	_ =	shalt  }
0x85: {  	_ =	shalt  }
0x86: {  	_ =	shalt  }
0x87: {  	_ =	shalt  }
.Lfunc_end0:
.L_simem_size_0:
called_computation_lowered:
.L_overlay_start_0:
0x88: {  	s2 =	sld [smem:$0x3FD9]  }
0x89: {  	s3 =	sld [smem:$0x3FFE];
	_ =	sdelay $0x1  }
0x8a: {  	s1 =	srdreg.scid  }
0x8b: {  	s0 =	sand.u32 $0x1, s1  }
0x8c: {  	s17 =	sshll.u32 s0, $0xA;
	s2 =	sadd.s32 s3, s2  }
0x8d: {  	s2 =	sadd.s32 s2, s17  }
0x8e: {  	[smem:$0x3FBB] =	sst s2  }
0x8f: {  	_ = 	snop  }
0x90: {  	s2 =	sld [smem:$0x3FD0];
	(tm) =	ssettm $0x1  }
0x91: {  	s18 =	sld [smem:$0x3FFB];
	_ =	sdelay $0x3  }
0x92: {  	_ =	strace s18  }
0x93: {  	s3 =	sld [smem:$0x3FFC];
	_ =	sdelay $0x3  }
0x94: {  	_ =	strace s3  }
0x95: {  	s3 =	sld [smem:$0x3FFD];
	_ =	sdelay $0x3  }
0x96: {  	_ =	strace s3  }
0x97: {  	_ =	strace $0x8FFFFFFF  }
0x98: {  	s19 =	sld [smem:$0x3FDB];
	_ =	sdelay $0x1  }
0x99: {  	s4 =	simm.s32 $_scs_section_size  }
0x9a: {  	s5 =	simm.s32 $_size__tile_overlayer_lowered;
	s6 =	simm.s32 $_tile_overlayer_lowered  }
0x9b: {  	s22 =	simm.s32 $0x1BFF;
	s21 =	sshll.u32 s6, $0x1;
	s3 =	sadd.s32 s4, s19  }
0x9c: {  	s7 =	simm.s32 $0x0;
	s20 =	sshll.u32 s5, $0x1;
	s5 =	sadd.s32 s21, s3  }
0x9d: {  	[timem:s7], [sflag:s22] =	dma.local [hbm:s5], s20  }
0x9e: {  	_ =	swait.ge [sflag:s22], s20  }
0x9f: {  	s4 =	ssub.s32 $0x0, s20;
	[sflag:s22] =	ssyncset.done $0x0  }
0xa0: {  	[sflag:s22] =	ssyncadd.s32 s4;
	_ =	sdelay $0x1  }
0xa1: {  	s23 =	simm.s32 $0x1B8B  }
0xa2: {  	_ =	swait.ge [sflag:s23], $0x1  }
0xa3: {  	[sflag:s23] =	ssyncset.done $0x0  }
0xa4: {  	s25 =	simm.s32 $0x1B8E;
	s24 =	sld [smem:$0x3FFE];
	[sflag:s23] =	ssyncadd.s32 $0xFFFFFFFF  }
0xa5: {  	s26 =	simm.s32 $execute0_lowered;
	[smem:$0x3FD2] =	sst s25  }
0xa6: {  	s5 =	sshll.u32 s26, $0x1;
	_ =	strace $0x80000046;
	[dreg:$0x1] =	wrdreg $0xFFFFFFFF  }
0xa7: {  	s28 =	simm.s32 $_size_execute0_lowered;
	s3 =	sadd.s32 s3, s5;
	[dreg:$0x0] =	wrdreg $0x0  }
0xa8: {  	s5 =	sshll.u32 s28, $0x1;
	[dreg:$0x2] =	wrdreg s3  }
0xa9: {  	[dreg:$0x3] =	wrdreg s5  }
0xaa: {  	[dreg:$0x4] =	wrdreg $0xC0  }
0xab: {  	_ =	task [dreg:s7], $0x5FFFF  }
0xac: {  	[dreg:$0x1] =	wrdreg $0xFFFFFFFF  }
0xad: {  	[dreg:$0x0] =	wrdreg $0x60  }
0xae: {  	[dreg:$0x2] =	wrdreg s24  }
0xaf: {  	[dreg:$0x3] =	wrdreg s2  }
0xb0: {  	[dreg:$0x4] =	wrdreg $0x2F800  }
0xb1: {  	[dreg:$0x5] =	wrdreg $0x9  }
0xb2: {  	_ =	task.clear_ibuf [dreg:s7], $0x6FFFF;
	_ =	strace $0x90000046  }
0xb3: {  	s29 =	simm.s32 $0x9;
	_ =	strace $0x80000048  }
0xb4: {  	_ =	swait.ge [sflag:s29], $0x1  }
0xb5: {  	[sflag:s29] =	ssyncadd.s32 $0xFFFFFFFF  }
0xb6: {  	_ =	strace $0x90000048  }
0xb7: {  	_ =	sfence  }
0xb8: {  	s30 =	sld [smem:$0x0];
	_ =	sdelay $0x2  }
0xb9: {  	s31 =	sshll.u32 s1, $0xD;
	s1 =	sshrl.u32 s1, $0x2  }
0xba: {  	s3 =	sand.u32 $0x4000, s31;
	s1 =	sadd.s32 s1, s30  }
0xbb: {  	s0 =	sor.u32 s3, s0;
	s1 =	sshll.u32 s1, $0x11  }
0xbc: {  	s0 =	sor.u32 s1, s0  }
0xbd: {  	s0 =	sadd.s32 $0x8F2B, s0  }
0xbe: {  	[sflag:s0] =	ssyncadd.remote.s32 $0x1  }
0xbf: {  	_ =	sfence.sel $0xFFFF  }
0xc0: {  	[dreg:$0x0] =	wrdreg $0xFFFFFFFF;
	(pc) =	sbr.abs _section_cstart, $3  }
0xc1: {  	[dreg:$0x1] =	wrdreg $0xFFFFFFFF  }
0xc2: {  	_ =	task.clear_ibuf [dreg:s7], $0x2FFFF;
	_ =	strace $0x9FFFFFFF  }
0xc3: {  	(tm) =	ssettm $0x7FFFFFFF  }
tec
execute0_lowered:
.L_overlay_start_1:
0x0: {  	(tag) =	ssettag $0x1  }
0x1: {  	s5 =	rddreg [dreg:$0x0]  }
0x2: {  	s2 =	rddreg [dreg:$0x1]  }
0x3: {  	s3 =	rddreg [dreg:$0x2]  }
0x4: {  	s0 =	rddreg [dreg:$0x3]  }
0x5: {  	s1 =	stileid.u32;
	s6 =	srdreg.scid  }
0x6: {  	s4 =	simm.s32 $0x0;
	s13 =	simm.s32 $0x80;
	s14 =	simm.s32 $0x0  }
0x7: {  	s7 =	smul.u32 $0x2780, s1;
	s6 =	sand.u32 $0x1, s6;
	[smem:$0x7FF] =	sst s4  }
0x8: {  	s8 =	sshll.u32 s1, $0x1;
	s31 =	sshll.u32 s1, $0x6;
	s9 =	smul.u32 $0x27800, s6  }
0x9: {  	_ =	strace $0x80000047;
	s8 =	sor.u32 s6, s8;
	s6 =	ssub.s32 $0x2, s6  }
0xa: {  	s10 =	sshrl.u32 s7, $0x3;
	s8 =	smul.u32 $0x4F0, s8;
	s11 =	sshrl.u32 s6, $0x1  }
0xb: {  	s12 =	sadd.s32 s7, s3;
	s9 =	sadd.s32 s7, s9;
	s10 =	sadd.s32 s10, s5  }
0xc: {  	s11 =	ssub.s32 s6, s11;
	s6 =	sor.u32 $0x1C01, s31;
	s9 =	sshrl.u32 s9, $0x3  }
0xd: {  	s8 =	sadd.s32 s8, s5;
	s9 =	sadd.s32 s9, s5;
	s5 =	sadd.s32 $0xF000, s10  }
0xe: {  	s7 =	sadd.s32 $0x5200, s8;
	s10 =	sshrl.u32 s12, $0x3;
	s12 =	simm.s32 $0x2780  }
0xf: {  	s8 =	sadd.s32 $0x14000, s9;
	s9 =	smax.u32 s11, $0x1;
	s11 =	simm.s32 $0x1  }
.LBB2_1:
0x10: {  	[spmem:s10], [sflag:s6] =	dma.local [hbm:s5], $0x4F0  }
0x11: {  	_ =	swait.ge [sflag:s11], $0x4F0  }
0x12: {  	[sflag:s11] =	ssyncset.done $0x0  }
0x13: {  	[sflag:s11] =	ssyncadd.s32 $0xFFFFFB10  }
0x14: {  	[tilespmem:s4], [sflag:$0x1] =	stream.linear.gather [hbm4b:s7+s4], $0x2780, $0x38;
	[tilespmem:$0x5700] =	vst v63  }
0x15: {  	_ =	swait.ge [sflag:s11], $0x2780  }
0x16: {  	[sflag:s11] =	ssyncset.done $0x0  }
0x17: {  	[sflag:s11] =	ssyncadd.s32 $0xFFFFD880  }
0x18: {  	[tilespmem:s12], [sflag:$0x1] =	stream.linear.gather [hbm4b:s2+s4], $0x800, $0x38;
	[tilespmem:$0x5700] =	vst v63  }
0x19: {  	_ =	swait.ge [sflag:s11], $0x800  }
0x1a: {  	[sflag:s11] =	ssyncset.done $0x0  }
0x1b: {  	[sflag:s11] =	ssyncadd.s32 $0xFFFFF800  }
0x1c: {  	s15 =	simm.s32 $0x0;
	[bflag:$0x0] =	sbarrier.arrive $0xFFFF  }
0x1d: {  	[spmem:s3] =	stream.indirect.scatter.add.f32 [tilespmem:s12], [sflag:$0x1], $0x10, s15, s13, $0xb8;
	[tilespmem:$0x5700] =	vst v63  }
0x1e: {  	_ =	swait.ge [sflag:s11], $0x800  }
0x1f: {  	s15 =	simm.s32 $0x200;
	[sflag:s11] =	ssyncset.done $0x0  }
.LBB2_2:
0x20: {  	s16 =	sshra.s32 s15, $0x2;
	[sflag:s11] =	ssyncadd.s32 $0xFFFFF800;
	p0 =	sne.s32 s15, $0x9C00  }
0x21: {  	[spmem:s3] =	stream.indirect.scatter.add.f32 [tilespmem:s12], [sflag:$0x1], $0x10, s16, s13, $0xb8;
	[tilespmem:$0x5700] =	vst v63  }
.Ltmp0:
0x22: {  	_ = 	snop;
	(pc) =	sbr.rel @p0 .LBB2_2-.Ltmp0, $4  }
0x23: {  	_ = 	snop  }
0x24: {  	s15 =	sadd.s32 $0x200, s15  }
0x25: {  	_ =	swait.ge [sflag:s11], $0x800  }
0x26: {  	[sflag:s11] =	ssyncset.done $0x0  }
0x27: {  	s14 =	sadd.s32 $0x1, s14  }
0x28: {  	[sflag:s11] =	ssyncadd.s32 $0xFFFFF800;
	p0 =	sne.s32 s14, s9  }
.Ltmp1:
0x29: {  	[bflag:$0x0] =	sbarrier.arrive $0xFFFF;
	(pc) =	sbr.rel @p0 .LBB2_1-.Ltmp1, $4  }
0x2a: {  	[hbm:s8], [sflag:s6] =	dma.local [spmem:s10], $0x4F0  }
0x2b: {  	_ =	swait.ge [sflag:s11], $0x4F0  }
0x2c: {  	[sflag:s11] =	ssyncset.done $0x0  }
0x2d: {  	[sflag:s11] =	ssyncadd.s32 $0xFFFFFB10  }
0x2e: {  	_ =	sfence.sel $0x180000  }
0x2f: {  	[bflag:$0x0] =	sbarrier.arrive $0xFFFF  }
0x30: {  	p0 =	sne.s32 s1, $0x0;
	_ =	strace $0x90000047  }
0x31: {  	s0 =	sadd.s32 @!p0 $0x100000, s0;
	[bflag:$0x2] =	sbarrier.arrive $0xFFFF  }
0x32: {  	[sflag:s0] =	ssyncadd.tile.s32 @!p0 $0x1;
	_ =	shalt  }
.Lfunc_end2:
_tile_overlayer_lowered:
.L_overlay_start_2:
0x33: {  	(tag) =	ssettag $0x2  }
0x34: {  	s0 =	rddreg [dreg:$0x0];
	s2 =	stileid.u32  }
0x35: {  	s1 =	rddreg [dreg:$0x1];
	p0 =	sne.s32 s2, $0x0  }
0x36: {  	s3 =	rddreg [dreg:$0x2];
	[bflag:$0x3] =	sbarrier.arrive $0xFFFF;
	s2 =	simm.s32 @!p0 $0x1C01  }
0x37: {  	[timem:s3], [sflag:s2] =	dma.local @!p0 [hbm:s0], s1  }
0x38: {  	s0 =	simm.s32 @!p0 $0x1  }
0x39: {  	_ =	swait.ge @!p0 [sflag:s0], s1  }
0x3a: {  	s1 =	ssub.s32 @!p0 $0x0, s1;
	[sflag:s0] =	ssyncset.done @!p0 $0x0  }
0x3b: {  	[sflag:s0] =	ssyncadd.s32 @!p0 s1  }
0x3c: {  	[bflag:$0x3] =	sbarrier.arrive $0xFFFF  }
0x3d: {  	_ =	shalt  }

// kernel: kernel.16.cloned.1.call-start
scs
__scs_entry_jumppad:
0x0: {  	(pc) =	sbr.rel $0x88, $3  }
0x1: {  	(tag) =	ssettag $0x0;
	lr =	simm.s32 $0x1  }
0x2: {  	[smem:$0x3F94] =	sst lr;
	_ =	strace $0xD0000000  }
0x3: {  	_ = 	snop  }
0x4: {  	_ = 	snop  }
0x5: {  	_ = 	snop  }
0x6: {  	_ = 	snop  }
0x7: {  	_ = 	snop  }
__scs_overlays_trampoline_lowered:
0x8: {  	[smem:$0x3FA3] =	sst s0  }
0x9: {  	[smem:$0x3FA4] =	sst s1  }
0xa: {  	[smem:$0x3FA5] =	sst s2  }
0xb: {  	[smem:$0x3FA6] =	sst s3  }
0xc: {  	[smem:$0x3FA7] =	sst s4  }
0xd: {  	[smem:$0x3FA8] =	sst s5  }
0xe: {  	[smem:$0x3FA9] =	sst s6  }
0xf: {  	[smem:$0x3FAA] =	sst s7  }
0x10: {  	[smem:$0x3FAB] =	sst s8  }
0x11: {  	[smem:$0x3FAC] =	sst s9;
	s0 =	simm.s32 @!p0 $0x0  }
0x12: {  	s1 =	sld [smem:$0x3F92];
	s0 =	simm.s32 @p0 $0x1  }
0x13: {  	[smem:$0x3FAD] =	sst s0;
	s0 =	simm.s32 @!p1 $0x0  }
0x14: {  	s2 =	sld [smem:$0x3F91];
	s0 =	simm.s32 @p1 $0x1  }
0x15: {  	[smem:$0x3FAE] =	sst s0;
	s0 =	simm.s32 @!p2 $0x0  }
0x16: {  	s3 =	sld [smem:$0x3FDB];
	s0 =	simm.s32 @p2 $0x1  }
0x17: {  	s4 =	simm.s32 $0x1BF5;
	[smem:$0x3FB0] =	sst s0  }
0x18: {  	s0 =	sld [smem:$0x3F93];
	_ =	swait.ge [sflag:s4], $0x0  }
0x19: {  	s7 =	sld [smem:$0x3F94]  }
0x1a: {  	s8 =	sadd.s32 $0xFFFFE003, lr  }
0x1b: {  	s9 =	sadd.s32 $0xFFFFFEF7, lr;
	s5 =	simm.s32 $0xFFFFFFFF;
	p2 =	slt.u32 s8, $0xFFFFF086  }
0x1c: {  	p1 =	slt.u32 s9, $0xF7A;
	s5 =	simm.s32 @!p2 $0x0  }
0x1d: {  	s5 =	simm.s32 @p1 $0x1;
	p0 =	seq.s32 s7, s2  }
0x1e: {  	s7 =	smul.u32 @!p0 $0xF7A, s2;
	p2 =	seq.s32 @!p0 s5, $0x0  }
0x1f: {  	s9 =	smul.u32 $0xF7A, s1;
	s8 =	simm.s32 @!p0 $0x1BF5;
	p2 =	por !p2, p0  }
0x20: {  	[sflag:s8] =	ssyncset.s32 @!p0 $0xFFFFF086;
	s6 =	sadd.s32 @!p0 s3, s7;
	s7 =	simm.s32 @!p0 $0x108  }
0x21: {  	s3 =	sadd.s32 s3, s9;
	s6 =	sadd.s32 @!p0 $0x88, s6;
	s7 =	simm.s32 @p2 $0x1082  }
0x22: {  	[simem:s7], [sflag:s8] =	dma.local @!p0 [hbm:s6], $0xF7A  }
0x23: {  	s9 =	sor.u32 $0xD0000000, s2;
	s6 =	simm.s32 $0x108;
	_ =	swait.ge @!p0 [sflag:s8], $0x0  }
0x24: {  	s3 =	sadd.s32 $0x88, s3;
	s6 =	simm.s32 @!p1 $0x1082;
	[sflag:s4] =	ssyncset.s32 $0xFFFFF086  }
0x25: {  	[simem:s6], [sflag:s4] =	dma.local [hbm:s3], $0xF7A  }
0x26: {  	[smem:$0x3F94] =	sst s1;
	(tag) =	ssettag s2;
	_ =	strace s9  }
0x27: {  	s1 =	sld [smem:$0x3FA4]  }
0x28: {  	s2 =	sld [smem:$0x3FA5]  }
0x29: {  	s4 =	sld [smem:$0x3FA7]  }
0x2a: {  	p0 =	seq.s32 s5, $0x0;
	s5 =	sld [smem:$0x3FA8]  }
0x2b: {  	s6 =	sld [smem:$0x3FA9]  }
0x2c: {  	s7 =	sld [smem:$0x3FAA]  }
0x2d: {  	s3 =	simm.s32 $0x108;
	s8 =	sld [smem:$0x3FAB]  }
0x2e: {  	s3 =	simm.s32 @!p0 $0x1082;
	s9 =	sld [smem:$0x3FAC]  }
0x2f: {  	lr =	sadd.s32 s0, s3;
	s0 =	sld [smem:$0x3FA3]  }
0x30: {  	s3 =	sld [smem:$0x3FA6]  }
0x31: {  	[smem:$0x3FAF] =	sst s10  }
0x32: {  	s10 =	sld [smem:$0x3FAD];
	_ =	sdelay $0x3  }
0x33: {  	p0 =	seq.s32 s10, $0x1;
	s10 =	sld [smem:$0x3FAF];
	_ =	sdelay $0x3  }
0x34: {  	[smem:$0x3FAF] =	sst s10  }
0x35: {  	s10 =	sld [smem:$0x3FAE];
	_ =	sdelay $0x3  }
0x36: {  	p1 =	seq.s32 s10, $0x1;
	s10 =	sld [smem:$0x3FAF];
	_ =	sdelay $0x3  }
0x37: {  	[smem:$0x3FAF] =	sst s10  }
0x38: {  	s10 =	sld [smem:$0x3FB0]  }
0x39: {  	_ = 	snop;
	(pc) =	sbr.ind lr, $3  }
0x3a: {  	_ = 	snop  }
0x3b: {  	_ = 	snop  }
0x3c: {  	p2 =	seq.s32 s10, $0x1;
	s10 =	sld [smem:$0x3FAF]  }
0x3d: {  	_ =	shalt  }
0x3e: {  	_ =	shalt  }
0x3f: {  	_ =	shalt  }
0x40: {  	_ =	shalt  }
0x41: {  	_ =	shalt  }
0x42: {  	_ =	shalt  }
0x43: {  	_ =	shalt  }
0x44: {  	_ =	shalt  }
0x45: {  	_ =	shalt  }
0x46: {  	_ =	shalt  }
0x47: {  	_ =	shalt  }
0x48: {  	_ =	shalt  }
0x49: {  	_ =	shalt  }
0x4a: {  	_ =	shalt  }
0x4b: {  	_ =	shalt  }
0x4c: {  	_ =	shalt  }
0x4d: {  	_ =	shalt  }
0x4e: {  	_ =	shalt  }
0x4f: {  	_ =	shalt  }
0x50: {  	_ =	shalt  }
0x51: {  	_ =	shalt  }
0x52: {  	_ =	shalt  }
0x53: {  	_ =	shalt  }
0x54: {  	_ =	shalt  }
0x55: {  	_ =	shalt  }
0x56: {  	_ =	shalt  }
0x57: {  	_ =	shalt  }
0x58: {  	_ =	shalt  }
0x59: {  	_ =	shalt  }
0x5a: {  	_ =	shalt  }
0x5b: {  	_ =	shalt  }
0x5c: {  	_ =	shalt  }
0x5d: {  	_ =	shalt  }
0x5e: {  	_ =	shalt  }
0x5f: {  	_ =	shalt  }
0x60: {  	_ =	shalt  }
0x61: {  	_ =	shalt  }
0x62: {  	_ =	shalt  }
0x63: {  	_ =	shalt  }
0x64: {  	_ =	shalt  }
0x65: {  	_ =	shalt  }
0x66: {  	_ =	shalt  }
0x67: {  	_ =	shalt  }
0x68: {  	_ =	shalt  }
0x69: {  	_ =	shalt  }
0x6a: {  	_ =	shalt  }
0x6b: {  	_ =	shalt  }
0x6c: {  	_ =	shalt  }
0x6d: {  	_ =	shalt  }
0x6e: {  	_ =	shalt  }
0x6f: {  	_ =	shalt  }
0x70: {  	_ =	shalt  }
0x71: {  	_ =	shalt  }
0x72: {  	_ =	shalt  }
0x73: {  	_ =	shalt  }
0x74: {  	_ =	shalt  }
0x75: {  	_ =	shalt  }
0x76: {  	_ =	shalt  }
0x77: {  	_ =	shalt  }
0x78: {  	_ =	shalt  }
0x79: {  	_ =	shalt  }
0x7a: {  	_ =	shalt  }
0x7b: {  	_ =	shalt  }
0x7c: {  	_ =	shalt  }
0x7d: {  	_ =	shalt  }
0x7e: {  	_ =	shalt  }
0x7f: {  	_ =	shalt  }
0x80: {  	_ =	shalt  }
0x81: {  	_ =	shalt  }
0x82: {  	_ =	shalt  }
0x83: {  	_ =	shalt  }
0x84: {  	_ =	shalt  }
0x85: {  	_ =	shalt  }
0x86: {  	_ =	shalt  }
0x87: {  	_ =	shalt  }
.Lfunc_end0:
.L_simem_size_0:
called_computation.1_lowered:
.L_overlay_start_0:
0x88: {  	s2 =	sld [smem:$0x3FD9]  }
0x89: {  	s3 =	sld [smem:$0x3FFE];
	_ =	sdelay $0x1  }
0x8a: {  	s1 =	srdreg.scid  }
0x8b: {  	s0 =	sand.u32 $0x1, s1  }
0x8c: {  	s17 =	sshll.u32 s0, $0xA;
	s2 =	sadd.s32 s3, s2  }
0x8d: {  	s2 =	sadd.s32 s2, s17  }
0x8e: {  	[smem:$0x3FBB] =	sst s2  }
0x8f: {  	_ = 	snop  }
0x90: {  	s2 =	sld [smem:$0x3FD0];
	(tm) =	ssettm $0x1  }
0x91: {  	s18 =	sld [smem:$0x3FFB];
	_ =	sdelay $0x3  }
0x92: {  	_ =	strace s18  }
0x93: {  	s3 =	sld [smem:$0x3FFC];
	_ =	sdelay $0x3  }
0x94: {  	_ =	strace s3  }
0x95: {  	s3 =	sld [smem:$0x3FFD];
	_ =	sdelay $0x3  }
0x96: {  	_ =	strace s3  }
0x97: {  	_ =	strace $0x8FFFFFFF  }
0x98: {  	s19 =	sld [smem:$0x3FDB];
	_ =	sdelay $0x1  }
0x99: {  	s4 =	simm.s32 $_scs_section_size  }
0x9a: {  	s5 =	simm.s32 $_size__tile_overlayer_lowered;
	s6 =	simm.s32 $_tile_overlayer_lowered  }
0x9b: {  	s22 =	simm.s32 $0x1BFF;
	s21 =	sshll.u32 s6, $0x1;
	s3 =	sadd.s32 s4, s19  }
0x9c: {  	s7 =	simm.s32 $0x0;
	s20 =	sshll.u32 s5, $0x1;
	s5 =	sadd.s32 s21, s3  }
0x9d: {  	[timem:s7], [sflag:s22] =	dma.local [hbm:s5], s20  }
0x9e: {  	_ =	swait.ge [sflag:s22], s20  }
0x9f: {  	s4 =	ssub.s32 $0x0, s20;
	[sflag:s22] =	ssyncset.done $0x0  }
0xa0: {  	[sflag:s22] =	ssyncadd.s32 s4;
	_ =	sdelay $0x1  }
0xa1: {  	s23 =	simm.s32 $0x1B8B  }
0xa2: {  	_ =	swait.ge [sflag:s23], $0x1  }
0xa3: {  	[sflag:s23] =	ssyncset.done $0x0  }
0xa4: {  	s25 =	simm.s32 $0x1B8E;
	s24 =	sld [smem:$0x3FFE];
	[sflag:s23] =	ssyncadd.s32 $0xFFFFFFFF  }
0xa5: {  	s26 =	simm.s32 $execute0_lowered;
	[smem:$0x3FD2] =	sst s25  }
0xa6: {  	s5 =	sshll.u32 s26, $0x1;
	_ =	strace $0x80000049;
	[dreg:$0x1] =	wrdreg $0xFFFFFFFF  }
0xa7: {  	s28 =	simm.s32 $_size_execute0_lowered;
	s3 =	sadd.s32 s3, s5;
	[dreg:$0x0] =	wrdreg $0x0  }
0xa8: {  	s5 =	sshll.u32 s28, $0x1;
	[dreg:$0x2] =	wrdreg s3  }
0xa9: {  	[dreg:$0x3] =	wrdreg s5  }
0xaa: {  	[dreg:$0x4] =	wrdreg $0xC0  }
0xab: {  	_ =	task [dreg:s7], $0x5FFFF  }
0xac: {  	[dreg:$0x1] =	wrdreg $0xFFFFFFFF  }
0xad: {  	[dreg:$0x0] =	wrdreg $0x60  }
0xae: {  	[dreg:$0x2] =	wrdreg s24  }
0xaf: {  	[dreg:$0x3] =	wrdreg s2  }
0xb0: {  	[dreg:$0x4] =	wrdreg $0x90000  }
0xb1: {  	[dreg:$0x5] =	wrdreg $0x9  }
0xb2: {  	_ =	task.clear_ibuf [dreg:s7], $0x6FFFF;
	_ =	strace $0x90000049  }
0xb3: {  	s29 =	simm.s32 $0x9;
	_ =	strace $0x8000004B  }
0xb4: {  	_ =	swait.ge [sflag:s29], $0x1  }
0xb5: {  	[sflag:s29] =	ssyncadd.s32 $0xFFFFFFFF  }
0xb6: {  	_ =	strace $0x9000004B  }
0xb7: {  	_ =	sfence  }
0xb8: {  	s30 =	sld [smem:$0x0];
	_ =	sdelay $0x2  }
0xb9: {  	s31 =	sshll.u32 s1, $0xD;
	s1 =	sshrl.u32 s1, $0x2  }
0xba: {  	s3 =	sand.u32 $0x4000, s31;
	s1 =	sadd.s32 s1, s30  }
0xbb: {  	s0 =	sor.u32 s3, s0;
	s1 =	sshll.u32 s1, $0x11  }
0xbc: {  	s0 =	sor.u32 s1, s0  }
0xbd: {  	s0 =	sadd.s32 $0x8F2B, s0  }
0xbe: {  	[sflag:s0] =	ssyncadd.remote.s32 $0x1  }
0xbf: {  	_ =	sfence.sel $0xFFFF  }
0xc0: {  	[dreg:$0x0] =	wrdreg $0xFFFFFFFF;
	(pc) =	sbr.abs _section_cstart, $3  }
0xc1: {  	[dreg:$0x1] =	wrdreg $0xFFFFFFFF  }
0xc2: {  	_ =	task.clear_ibuf [dreg:s7], $0x2FFFF;
	_ =	strace $0x9FFFFFFF  }
0xc3: {  	(tm) =	ssettm $0x7FFFFFFF  }
tec
execute0_lowered:
.L_overlay_start_1:
0x0: {  	(tag) =	ssettag $0x1  }
0x1: {  	s5 =	rddreg [dreg:$0x0]  }
0x2: {  	s9 =	rddreg [dreg:$0x1]  }
0x3: {  	s2 =	rddreg [dreg:$0x2]  }
0x4: {  	s0 =	rddreg [dreg:$0x3];
	s1 =	stileid.u32  }
0x5: {  	s4 =	srdreg.scid;
	s3 =	simm.s32 $0x0;
	s14 =	simm.s32 $0x80  }
0x6: {  	s15 =	simm.s32 $0x5000;
	s16 =	simm.s32 $0x1;
	s17 =	simm.s32 $0x0  }
0x7: {  	s6 =	sand.u32 $0x1, s4;
	s28 =	sshll.u32 s1, $0x1;
	s7 =	smul.u32 $0x13C00, s1  }
0x8: {  	[smem:$0x7FF] =	sst s3;
	s11 =	smul.u32 $0x4F000, s1;
	s30 =	sshll.u32 s1, $0x6  }
0x9: {  	s4 =	sor.u32 s6, s28;
	_ =	strace $0x8000004A;
	s13 =	smul.u32 $0x13C000, s6  }
0xa: {  	s29 =	ssub.s32 $0x2, s6;
	s6 =	sor.u32 $0x1C02, s30;
	s8 =	smul.u32 $0x500, s4  }
0xb: {  	s4 =	sadd.s32 $0x3BC00, s5;
	s10 =	sshrl.u32 s7, $0x3;
	s12 =	sshrl.u32 s29, $0x1  }
0xc: {  	s11 =	sshrl.u32 s11, $0x2;
	s10 =	sadd.s32 s10, s5;
	s12 =	ssub.s32 s29, s12  }
0xd: {  	s11 =	sadd.s32 s11, s2;
	s31 =	sadd.s32 s7, s13;
	s13 =	simm.s32 $0x2800  }
0xe: {  	s8 =	sadd.s32 s8, s5;
	s5 =	sadd.s32 $0x8AC00, s10;
	s10 =	sshrl.u32 s31, $0x3  }
0xf: {  	s11 =	sshrl.u32 s11, $0x3;
	s7 =	sadd.s32 $0x31C00, s8;
	s8 =	sadd.s32 $0x1DE00, s8  }
0x10: {  	s9 =	sadd.s32 s9, s10;
	s10 =	smax.u32 s12, $0x1;
	s12 =	simm.s32 $0x2  }
.LBB2_1:
0x11: {  	[spmem:s11], [sflag:s6] =	dma.local [hbm:s5], $0x2780  }
0x12: {  	_ =	swait.ge [sflag:s12], $0x2780  }
0x13: {  	[sflag:s12] =	ssyncset.done $0x0  }
0x14: {  	[sflag:s12] =	ssyncadd.s32 $0xFFFFD880  }
0x15: {  	[tilespmem:s3], [sflag:$0x2] =	stream.linear.gather [hbm4b:s7+s3], $0x2780, $0x38;
	[tilespmem:$0x1CC00] =	vst v63  }
0x16: {  	_ =	swait.ge [sflag:s12], $0x2780  }
0x17: {  	[sflag:s12] =	ssyncset.done $0x0  }
0x18: {  	[sflag:s12] =	ssyncadd.s32 $0xFFFFD880  }
0x19: {  	[tilespmem:s13], [sflag:$0x2] =	stream.linear.gather [hbm4b:s8+s3], $0x2780, $0x38;
	[tilespmem:$0x1CC00] =	vst v63  }
0x1a: {  	_ =	swait.ge [sflag:s12], $0x2780  }
0x1b: {  	[sflag:s12] =	ssyncset.done $0x0  }
0x1c: {  	[sflag:s12] =	ssyncadd.s32 $0xFFFFD880  }
0x1d: {  	s18 =	simm.s32 $0x0;
	[bflag:$0x0] =	sbarrier.arrive $0xFFFF  }
0x1e: {  	[tilespmem:s15], [sflag:$0x1] =	stream.indirect.gather [hbm4b:s4+s14], $0x80, s18, s14, $0xb8;
	[tilespmem:$0x1CC00] =	vst v63  }
0x1f: {  	_ =	swait.ge [sflag:s16], $0x4000  }
0x20: {  	[sflag:s16] =	ssyncset.done $0x0  }
0x21: {  	s31 =	simm.s32 $0x2800;
	[sflag:s16] =	ssyncadd.s32 $0xFFFFC000  }
0x22: {  	[spmem:s2] =	stream.indirect.scatter.add.f32 [tilespmem:s15], [sflag:$0x2], $0x80, s31, s14, $0xb8;
	[tilespmem:$0x1CC00] =	vst v63  }
0x23: {  	_ =	swait.ge [sflag:s12], $0x4000  }
0x24: {  	s19 =	simm.s32 $0x400;
	s18 =	simm.s32 $0x200;
	[sflag:s12] =	ssyncset.done $0x0  }
.LBB2_2:
0x25: {  	s20 =	sshra.s32 s18, $0x2  }
0x26: {  	[sflag:s12] =	ssyncadd.s32 $0xFFFFC000;
	s18 =	smov.u32 s19;
	s21 =	sadd.s32 $0x200, s19  }
0x27: {  	[tilespmem:s15], [sflag:$0x1] =	stream.indirect.gather [hbm4b:s4+s14], $0x80, s20, s14, $0xb8;
	[tilespmem:$0x1CC00] =	vst v63  }
0x28: {  	p0 =	sne.s32 s19, $0x9C00;
	_ =	swait.ge [sflag:s16], $0x4000  }
.Ltmp0:
0x29: {  	[sflag:s16] =	ssyncset.done $0x0;
	(pc) =	sbr.rel @p0 .LBB2_2-.Ltmp0, $4  }
0x2a: {  	s19 =	sadd.s32 $0x2800, s20;
	[sflag:s16] =	ssyncadd.s32 $0xFFFFC000  }
0x2b: {  	[spmem:s2] =	stream.indirect.scatter.add.f32 [tilespmem:s15], [sflag:$0x2], $0x80, s19, s14, $0xb8;
	[tilespmem:$0x1CC00] =	vst v63  }
0x2c: {  	_ =	swait.ge [sflag:s12], $0x4000  }
0x2d: {  	s19 =	smov.u32 s21;
	[sflag:s12] =	ssyncset.done $0x0  }
0x2e: {  	s18 =	sshra.s32 s18, $0x2;
	[sflag:s12] =	ssyncadd.s32 $0xFFFFC000  }
0x2f: {  	[tilespmem:s15], [sflag:$0x1] =	stream.indirect.gather [hbm4b:s4+s14], $0x80, s18, s14, $0xb8;
	[tilespmem:$0x1CC00] =	vst v63  }
0x30: {  	_ =	swait.ge [sflag:s16], $0x4000  }
0x31: {  	[sflag:s16] =	ssyncset.done $0x0  }
0x32: {  	s18 =	sadd.s32 $0x2800, s18;
	[sflag:s16] =	ssyncadd.s32 $0xFFFFC000  }
0x33: {  	[spmem:s2] =	stream.indirect.scatter.add.f32 [tilespmem:s15], [sflag:$0x2], $0x80, s18, s14, $0xb8;
	[tilespmem:$0x1CC00] =	vst v63  }
0x34: {  	_ =	swait.ge [sflag:s12], $0x4000  }
0x35: {  	s17 =	sadd.s32 $0x1, s17;
	[sflag:s12] =	ssyncset.done $0x0  }
0x36: {  	p0 =	sne.s32 s17, s10;
	[sflag:s12] =	ssyncadd.s32 $0xFFFFC000  }
.Ltmp1:
0x37: {  	[bflag:$0x0] =	sbarrier.arrive $0xFFFF;
	(pc) =	sbr.rel @p0 .LBB2_1-.Ltmp1, $4  }
0x38: {  	[hbm:s9], [sflag:s6] =	dma.local [spmem:s11], $0x2780  }
0x39: {  	_ =	swait.ge [sflag:s12], $0x2780  }
0x3a: {  	[sflag:s12] =	ssyncset.done $0x0  }
0x3b: {  	[sflag:s12] =	ssyncadd.s32 $0xFFFFD880  }
0x3c: {  	_ =	sfence.sel $0x180000  }
0x3d: {  	[bflag:$0x0] =	sbarrier.arrive $0xFFFF  }
0x3e: {  	p0 =	sne.s32 s1, $0x0;
	_ =	strace $0x9000004A  }
0x3f: {  	s0 =	sadd.s32 @!p0 $0x100000, s0;
	[bflag:$0x2] =	sbarrier.arrive $0xFFFF  }
0x40: {  	[sflag:s0] =	ssyncadd.tile.s32 @!p0 $0x1;
	_ =	shalt  }
.Lfunc_end2:
_tile_overlayer_lowered:
.L_overlay_start_2:
0x41: {  	(tag) =	ssettag $0x2  }
0x42: {  	s0 =	rddreg [dreg:$0x0];
	s2 =	stileid.u32  }
0x43: {  	s1 =	rddreg [dreg:$0x1];
	p0 =	sne.s32 s2, $0x0  }
0x44: {  	s3 =	rddreg [dreg:$0x2];
	[bflag:$0x3] =	sbarrier.arrive $0xFFFF;
	s2 =	simm.s32 @!p0 $0x1C02  }
0x45: {  	[timem:s3], [sflag:s2] =	dma.local @!p0 [hbm:s0], s1  }
0x46: {  	s0 =	simm.s32 @!p0 $0x2  }
0x47: {  	_ =	swait.ge @!p0 [sflag:s0], s1  }
0x48: {  	s1 =	ssub.s32 @!p0 $0x0, s1;
	[sflag:s0] =	ssyncset.done @!p0 $0x0  }
0x49: {  	[sflag:s0] =	ssyncadd.s32 @!p0 s1  }
0x4a: {  	[bflag:$0x3] =	sbarrier.arrive $0xFFFF  }
0x4b: {  	_ =	shalt  }

// kernel: kernel.19.cloned.1.call-start
scs
__scs_entry_jumppad:
0x0: {  	(pc) =	sbr.rel $0x88, $3  }
0x1: {  	(tag) =	ssettag $0x0;
	lr =	simm.s32 $0x1  }
0x2: {  	[smem:$0x3F94] =	sst lr;
	_ =	strace $0xD0000000  }
0x3: {  	_ = 	snop  }
0x4: {  	_ = 	snop  }
0x5: {  	_ = 	snop  }
0x6: {  	_ = 	snop  }
0x7: {  	_ = 	snop  }
__scs_overlays_trampoline_lowered:
0x8: {  	[smem:$0x3FA3] =	sst s0  }
0x9: {  	[smem:$0x3FA4] =	sst s1  }
0xa: {  	[smem:$0x3FA5] =	sst s2  }
0xb: {  	[smem:$0x3FA6] =	sst s3  }
0xc: {  	[smem:$0x3FA7] =	sst s4  }
0xd: {  	[smem:$0x3FA8] =	sst s5  }
0xe: {  	[smem:$0x3FA9] =	sst s6  }
0xf: {  	[smem:$0x3FAA] =	sst s7  }
0x10: {  	[smem:$0x3FAB] =	sst s8  }
0x11: {  	[smem:$0x3FAC] =	sst s9;
	s0 =	simm.s32 @!p0 $0x0  }
0x12: {  	s1 =	sld [smem:$0x3F92];
	s0 =	simm.s32 @p0 $0x1  }
0x13: {  	[smem:$0x3FAD] =	sst s0;
	s0 =	simm.s32 @!p1 $0x0  }
0x14: {  	s2 =	sld [smem:$0x3F91];
	s0 =	simm.s32 @p1 $0x1  }
0x15: {  	[smem:$0x3FAE] =	sst s0;
	s0 =	simm.s32 @!p2 $0x0  }
0x16: {  	s3 =	sld [smem:$0x3FDB];
	s0 =	simm.s32 @p2 $0x1  }
0x17: {  	s4 =	simm.s32 $0x1BF5;
	[smem:$0x3FB0] =	sst s0  }
0x18: {  	s0 =	sld [smem:$0x3F93];
	_ =	swait.ge [sflag:s4], $0x0  }
0x19: {  	s7 =	sld [smem:$0x3F94]  }
0x1a: {  	s8 =	sadd.s32 $0xFFFFE003, lr  }
0x1b: {  	s9 =	sadd.s32 $0xFFFFFEF7, lr;
	s5 =	simm.s32 $0xFFFFFFFF;
	p2 =	slt.u32 s8, $0xFFFFF086  }
0x1c: {  	p1 =	slt.u32 s9, $0xF7A;
	s5 =	simm.s32 @!p2 $0x0  }
0x1d: {  	s5 =	simm.s32 @p1 $0x1;
	p0 =	seq.s32 s7, s2  }
0x1e: {  	s7 =	smul.u32 @!p0 $0xF7A, s2;
	p2 =	seq.s32 @!p0 s5, $0x0  }
0x1f: {  	s9 =	smul.u32 $0xF7A, s1;
	s8 =	simm.s32 @!p0 $0x1BF5;
	p2 =	por !p2, p0  }
0x20: {  	[sflag:s8] =	ssyncset.s32 @!p0 $0xFFFFF086;
	s6 =	sadd.s32 @!p0 s3, s7;
	s7 =	simm.s32 @!p0 $0x108  }
0x21: {  	s3 =	sadd.s32 s3, s9;
	s6 =	sadd.s32 @!p0 $0x88, s6;
	s7 =	simm.s32 @p2 $0x1082  }
0x22: {  	[simem:s7], [sflag:s8] =	dma.local @!p0 [hbm:s6], $0xF7A  }
0x23: {  	s9 =	sor.u32 $0xD0000000, s2;
	s6 =	simm.s32 $0x108;
	_ =	swait.ge @!p0 [sflag:s8], $0x0  }
0x24: {  	s3 =	sadd.s32 $0x88, s3;
	s6 =	simm.s32 @!p1 $0x1082;
	[sflag:s4] =	ssyncset.s32 $0xFFFFF086  }
0x25: {  	[simem:s6], [sflag:s4] =	dma.local [hbm:s3], $0xF7A  }
0x26: {  	[smem:$0x3F94] =	sst s1;
	(tag) =	ssettag s2;
	_ =	strace s9  }
0x27: {  	s1 =	sld [smem:$0x3FA4]  }
0x28: {  	s2 =	sld [smem:$0x3FA5]  }
0x29: {  	s4 =	sld [smem:$0x3FA7]  }
0x2a: {  	p0 =	seq.s32 s5, $0x0;
	s5 =	sld [smem:$0x3FA8]  }
0x2b: {  	s6 =	sld [smem:$0x3FA9]  }
0x2c: {  	s7 =	sld [smem:$0x3FAA]  }
0x2d: {  	s3 =	simm.s32 $0x108;
	s8 =	sld [smem:$0x3FAB]  }
0x2e: {  	s3 =	simm.s32 @!p0 $0x1082;
	s9 =	sld [smem:$0x3FAC]  }
0x2f: {  	lr =	sadd.s32 s0, s3;
	s0 =	sld [smem:$0x3FA3]  }
0x30: {  	s3 =	sld [smem:$0x3FA6]  }
0x31: {  	[smem:$0x3FAF] =	sst s10  }
0x32: {  	s10 =	sld [smem:$0x3FAD];
	_ =	sdelay $0x3  }
0x33: {  	p0 =	seq.s32 s10, $0x1;
	s10 =	sld [smem:$0x3FAF];
	_ =	sdelay $0x3  }
0x34: {  	[smem:$0x3FAF] =	sst s10  }
0x35: {  	s10 =	sld [smem:$0x3FAE];
	_ =	sdelay $0x3  }
0x36: {  	p1 =	seq.s32 s10, $0x1;
	s10 =	sld [smem:$0x3FAF];
	_ =	sdelay $0x3  }
0x37: {  	[smem:$0x3FAF] =	sst s10  }
0x38: {  	s10 =	sld [smem:$0x3FB0]  }
0x39: {  	_ = 	snop;
	(pc) =	sbr.ind lr, $3  }
0x3a: {  	_ = 	snop  }
0x3b: {  	_ = 	snop  }
0x3c: {  	p2 =	seq.s32 s10, $0x1;
	s10 =	sld [smem:$0x3FAF]  }
0x3d: {  	_ =	shalt  }
0x3e: {  	_ =	shalt  }
0x3f: {  	_ =	shalt  }
0x40: {  	_ =	shalt  }
0x41: {  	_ =	shalt  }
0x42: {  	_ =	shalt  }
0x43: {  	_ =	shalt  }
0x44: {  	_ =	shalt  }
0x45: {  	_ =	shalt  }
0x46: {  	_ =	shalt  }
0x47: {  	_ =	shalt  }
0x48: {  	_ =	shalt  }
0x49: {  	_ =	shalt  }
0x4a: {  	_ =	shalt  }
0x4b: {  	_ =	shalt  }
0x4c: {  	_ =	shalt  }
0x4d: {  	_ =	shalt  }
0x4e: {  	_ =	shalt  }
0x4f: {  	_ =	shalt  }
0x50: {  	_ =	shalt  }
0x51: {  	_ =	shalt  }
0x52: {  	_ =	shalt  }
0x53: {  	_ =	shalt  }
0x54: {  	_ =	shalt  }
0x55: {  	_ =	shalt  }
0x56: {  	_ =	shalt  }
0x57: {  	_ =	shalt  }
0x58: {  	_ =	shalt  }
0x59: {  	_ =	shalt  }
0x5a: {  	_ =	shalt  }
0x5b: {  	_ =	shalt  }
0x5c: {  	_ =	shalt  }
0x5d: {  	_ =	shalt  }
0x5e: {  	_ =	shalt  }
0x5f: {  	_ =	shalt  }
0x60: {  	_ =	shalt  }
0x61: {  	_ =	shalt  }
0x62: {  	_ =	shalt  }
0x63: {  	_ =	shalt  }
0x64: {  	_ =	shalt  }
0x65: {  	_ =	shalt  }
0x66: {  	_ =	shalt  }
0x67: {  	_ =	shalt  }
0x68: {  	_ =	shalt  }
0x69: {  	_ =	shalt  }
0x6a: {  	_ =	shalt  }
0x6b: {  	_ =	shalt  }
0x6c: {  	_ =	shalt  }
0x6d: {  	_ =	shalt  }
0x6e: {  	_ =	shalt  }
0x6f: {  	_ =	shalt  }
0x70: {  	_ =	shalt  }
0x71: {  	_ =	shalt  }
0x72: {  	_ =	shalt  }
0x73: {  	_ =	shalt  }
0x74: {  	_ =	shalt  }
0x75: {  	_ =	shalt  }
0x76: {  	_ =	shalt  }
0x77: {  	_ =	shalt  }
0x78: {  	_ =	shalt  }
0x79: {  	_ =	shalt  }
0x7a: {  	_ =	shalt  }
0x7b: {  	_ =	shalt  }
0x7c: {  	_ =	shalt  }
0x7d: {  	_ =	shalt  }
0x7e: {  	_ =	shalt  }
0x7f: {  	_ =	shalt  }
0x80: {  	_ =	shalt  }
0x81: {  	_ =	shalt  }
0x82: {  	_ =	shalt  }
0x83: {  	_ =	shalt  }
0x84: {  	_ =	shalt  }
0x85: {  	_ =	shalt  }
0x86: {  	_ =	shalt  }
0x87: {  	_ =	shalt  }
.Lfunc_end0:
.L_simem_size_0:
called_computation.2_lowered:
.L_overlay_start_0:
0x88: {  	s2 =	sld [smem:$0x3FD9]  }
0x89: {  	s3 =	sld [smem:$0x3FFE];
	_ =	sdelay $0x1  }
0x8a: {  	s1 =	srdreg.scid  }
0x8b: {  	s0 =	sand.u32 $0x1, s1  }
0x8c: {  	s17 =	sshll.u32 s0, $0xA;
	s2 =	sadd.s32 s3, s2  }
0x8d: {  	s2 =	sadd.s32 s2, s17  }
0x8e: {  	[smem:$0x3FBB] =	sst s2  }
0x8f: {  	_ = 	snop  }
0x90: {  	s2 =	sld [smem:$0x3FD0];
	(tm) =	ssettm $0x1  }
0x91: {  	s18 =	sld [smem:$0x3FFB];
	_ =	sdelay $0x3  }
0x92: {  	_ =	strace s18  }
0x93: {  	s3 =	sld [smem:$0x3FFC];
	_ =	sdelay $0x3  }
0x94: {  	_ =	strace s3  }
0x95: {  	s3 =	sld [smem:$0x3FFD];
	_ =	sdelay $0x3  }
0x96: {  	_ =	strace s3  }
0x97: {  	_ =	strace $0x8FFFFFFF  }
0x98: {  	s19 =	sld [smem:$0x3FDB];
	_ =	sdelay $0x1  }
0x99: {  	s4 =	simm.s32 $_scs_section_size  }
0x9a: {  	s5 =	simm.s32 $_size__tile_overlayer_lowered;
	s6 =	simm.s32 $_tile_overlayer_lowered  }
0x9b: {  	s22 =	simm.s32 $0x1BFF;
	s21 =	sshll.u32 s6, $0x1;
	s3 =	sadd.s32 s4, s19  }
0x9c: {  	s7 =	simm.s32 $0x0;
	s20 =	sshll.u32 s5, $0x1;
	s5 =	sadd.s32 s21, s3  }
0x9d: {  	[timem:s7], [sflag:s22] =	dma.local [hbm:s5], s20  }
0x9e: {  	_ =	swait.ge [sflag:s22], s20  }
0x9f: {  	s4 =	ssub.s32 $0x0, s20;
	[sflag:s22] =	ssyncset.done $0x0  }
0xa0: {  	[sflag:s22] =	ssyncadd.s32 s4;
	_ =	sdelay $0x1  }
0xa1: {  	s23 =	simm.s32 $0x1B8B  }
0xa2: {  	_ =	swait.ge [sflag:s23], $0x1  }
0xa3: {  	[sflag:s23] =	ssyncset.done $0x0  }
0xa4: {  	s25 =	simm.s32 $0x1B8E;
	s24 =	sld [smem:$0x3FFE];
	[sflag:s23] =	ssyncadd.s32 $0xFFFFFFFF  }
0xa5: {  	s26 =	simm.s32 $execute0_lowered;
	[smem:$0x3FD2] =	sst s25  }
0xa6: {  	s5 =	sshll.u32 s26, $0x1;
	_ =	strace $0x8000004C;
	[dreg:$0x1] =	wrdreg $0xFFFFFFFF  }
0xa7: {  	s28 =	simm.s32 $_size_execute0_lowered;
	s3 =	sadd.s32 s3, s5;
	[dreg:$0x0] =	wrdreg $0x0  }
0xa8: {  	s5 =	sshll.u32 s28, $0x1;
	[dreg:$0x2] =	wrdreg s3  }
0xa9: {  	[dreg:$0x3] =	wrdreg s5  }
0xaa: {  	[dreg:$0x4] =	wrdreg $0xC0  }
0xab: {  	_ =	task [dreg:s7], $0x5FFFF  }
0xac: {  	[dreg:$0x1] =	wrdreg $0xFFFFFFFF  }
0xad: {  	[dreg:$0x0] =	wrdreg $0x60  }
0xae: {  	[dreg:$0x2] =	wrdreg s24  }
0xaf: {  	[dreg:$0x3] =	wrdreg s2  }
0xb0: {  	[dreg:$0x4] =	wrdreg $0x90000  }
0xb1: {  	[dreg:$0x5] =	wrdreg $0x9  }
0xb2: {  	_ =	task.clear_ibuf [dreg:s7], $0x6FFFF;
	_ =	strace $0x9000004C  }
0xb3: {  	s29 =	simm.s32 $0x9;
	_ =	strace $0x8000004E  }
0xb4: {  	_ =	swait.ge [sflag:s29], $0x1  }
0xb5: {  	[sflag:s29] =	ssyncadd.s32 $0xFFFFFFFF  }
0xb6: {  	_ =	strace $0x9000004E  }
0xb7: {  	_ =	sfence  }
0xb8: {  	s30 =	sld [smem:$0x0];
	_ =	sdelay $0x2  }
0xb9: {  	s31 =	sshll.u32 s1, $0xD;
	s1 =	sshrl.u32 s1, $0x2  }
0xba: {  	s3 =	sand.u32 $0x4000, s31;
	s1 =	sadd.s32 s1, s30  }
0xbb: {  	s0 =	sor.u32 s3, s0;
	s1 =	sshll.u32 s1, $0x11  }
0xbc: {  	s0 =	sor.u32 s1, s0  }
0xbd: {  	s0 =	sadd.s32 $0x8F2B, s0  }
0xbe: {  	[sflag:s0] =	ssyncadd.remote.s32 $0x1  }
0xbf: {  	_ =	sfence.sel $0xFFFF  }
0xc0: {  	[dreg:$0x0] =	wrdreg $0xFFFFFFFF;
	(pc) =	sbr.abs _section_cstart, $3  }
0xc1: {  	[dreg:$0x1] =	wrdreg $0xFFFFFFFF  }
0xc2: {  	_ =	task.clear_ibuf [dreg:s7], $0x2FFFF;
	_ =	strace $0x9FFFFFFF  }
0xc3: {  	(tm) =	ssettm $0x7FFFFFFF  }
tec
execute0_lowered:
.L_overlay_start_1:
0x0: {  	(tag) =	ssettag $0x1  }
0x1: {  	s5 =	rddreg [dreg:$0x0]  }
0x2: {  	s9 =	rddreg [dreg:$0x1]  }
0x3: {  	s2 =	rddreg [dreg:$0x2]  }
0x4: {  	s0 =	rddreg [dreg:$0x3];
	s1 =	stileid.u32  }
0x5: {  	s4 =	srdreg.scid;
	s3 =	simm.s32 $0x0;
	s14 =	simm.s32 $0x80  }
0x6: {  	s15 =	simm.s32 $0x5000;
	s16 =	simm.s32 $0x1;
	s17 =	simm.s32 $0x0  }
0x7: {  	s6 =	sand.u32 $0x1, s4;
	s28 =	sshll.u32 s1, $0x1;
	s7 =	smul.u32 $0x13C00, s1  }
0x8: {  	[smem:$0x7FF] =	sst s3;
	s11 =	smul.u32 $0x4F000, s1;
	s30 =	sshll.u32 s1, $0x6  }
0x9: {  	s4 =	sor.u32 s6, s28;
	_ =	strace $0x8000004D;
	s13 =	smul.u32 $0x13C000, s6  }
0xa: {  	s29 =	ssub.s32 $0x2, s6;
	s6 =	sor.u32 $0x1C02, s30;
	s8 =	smul.u32 $0x500, s4  }
0xb: {  	s4 =	sadd.s32 $0x3BC00, s5;
	s10 =	sshrl.u32 s7, $0x3;
	s12 =	sshrl.u32 s29, $0x1  }
0xc: {  	s11 =	sshrl.u32 s11, $0x2;
	s10 =	sadd.s32 s10, s5;
	s12 =	ssub.s32 s29, s12  }
0xd: {  	s11 =	sadd.s32 s11, s2;
	s31 =	sadd.s32 s7, s13;
	s13 =	simm.s32 $0x2800  }
0xe: {  	s8 =	sadd.s32 s8, s5;
	s5 =	sadd.s32 $0x8AC00, s10;
	s10 =	sshrl.u32 s31, $0x3  }
0xf: {  	s11 =	sshrl.u32 s11, $0x3;
	s7 =	sadd.s32 $0x31C00, s8;
	s8 =	sadd.s32 $0x1DE00, s8  }
0x10: {  	s9 =	sadd.s32 s9, s10;
	s10 =	smax.u32 s12, $0x1;
	s12 =	simm.s32 $0x2  }
.LBB2_1:
0x11: {  	[spmem:s11], [sflag:s6] =	dma.local [hbm:s5], $0x2780  }
0x12: {  	_ =	swait.ge [sflag:s12], $0x2780  }
0x13: {  	[sflag:s12] =	ssyncset.done $0x0  }
0x14: {  	[sflag:s12] =	ssyncadd.s32 $0xFFFFD880  }
0x15: {  	[tilespmem:s3], [sflag:$0x2] =	stream.linear.gather [hbm4b:s7+s3], $0x2780, $0x38;
	[tilespmem:$0x1CC00] =	vst v63  }
0x16: {  	_ =	swait.ge [sflag:s12], $0x2780  }
0x17: {  	[sflag:s12] =	ssyncset.done $0x0  }
0x18: {  	[sflag:s12] =	ssyncadd.s32 $0xFFFFD880  }
0x19: {  	[tilespmem:s13], [sflag:$0x2] =	stream.linear.gather [hbm4b:s8+s3], $0x2780, $0x38;
	[tilespmem:$0x1CC00] =	vst v63  }
0x1a: {  	_ =	swait.ge [sflag:s12], $0x2780  }
0x1b: {  	[sflag:s12] =	ssyncset.done $0x0  }
0x1c: {  	[sflag:s12] =	ssyncadd.s32 $0xFFFFD880  }
0x1d: {  	s18 =	simm.s32 $0x0;
	[bflag:$0x0] =	sbarrier.arrive $0xFFFF  }
0x1e: {  	[tilespmem:s15], [sflag:$0x1] =	stream.indirect.gather [hbm4b:s4+s14], $0x80, s18, s14, $0xb8;
	[tilespmem:$0x1CC00] =	vst v63  }
0x1f: {  	_ =	swait.ge [sflag:s16], $0x4000  }
0x20: {  	[sflag:s16] =	ssyncset.done $0x0  }
0x21: {  	s31 =	simm.s32 $0x2800;
	[sflag:s16] =	ssyncadd.s32 $0xFFFFC000  }
0x22: {  	[spmem:s2] =	stream.indirect.scatter.add.f32 [tilespmem:s15], [sflag:$0x2], $0x80, s31, s14, $0xb8;
	[tilespmem:$0x1CC00] =	vst v63  }
0x23: {  	_ =	swait.ge [sflag:s12], $0x4000  }
0x24: {  	s19 =	simm.s32 $0x400;
	s18 =	simm.s32 $0x200;
	[sflag:s12] =	ssyncset.done $0x0  }
.LBB2_2:
0x25: {  	s20 =	sshra.s32 s18, $0x2  }
0x26: {  	[sflag:s12] =	ssyncadd.s32 $0xFFFFC000;
	s18 =	smov.u32 s19;
	s21 =	sadd.s32 $0x200, s19  }
0x27: {  	[tilespmem:s15], [sflag:$0x1] =	stream.indirect.gather [hbm4b:s4+s14], $0x80, s20, s14, $0xb8;
	[tilespmem:$0x1CC00] =	vst v63  }
0x28: {  	p0 =	sne.s32 s19, $0x9C00;
	_ =	swait.ge [sflag:s16], $0x4000  }
.Ltmp0:
0x29: {  	[sflag:s16] =	ssyncset.done $0x0;
	(pc) =	sbr.rel @p0 .LBB2_2-.Ltmp0, $4  }
0x2a: {  	s19 =	sadd.s32 $0x2800, s20;
	[sflag:s16] =	ssyncadd.s32 $0xFFFFC000  }
0x2b: {  	[spmem:s2] =	stream.indirect.scatter.add.f32 [tilespmem:s15], [sflag:$0x2], $0x80, s19, s14, $0xb8;
	[tilespmem:$0x1CC00] =	vst v63  }
0x2c: {  	_ =	swait.ge [sflag:s12], $0x4000  }
0x2d: {  	s19 =	smov.u32 s21;
	[sflag:s12] =	ssyncset.done $0x0  }
0x2e: {  	s18 =	sshra.s32 s18, $0x2;
	[sflag:s12] =	ssyncadd.s32 $0xFFFFC000  }
0x2f: {  	[tilespmem:s15], [sflag:$0x1] =	stream.indirect.gather [hbm4b:s4+s14], $0x80, s18, s14, $0xb8;
	[tilespmem:$0x1CC00] =	vst v63  }
0x30: {  	_ =	swait.ge [sflag:s16], $0x4000  }
0x31: {  	[sflag:s16] =	ssyncset.done $0x0  }
0x32: {  	s18 =	sadd.s32 $0x2800, s18;
	[sflag:s16] =	ssyncadd.s32 $0xFFFFC000  }
0x33: {  	[spmem:s2] =	stream.indirect.scatter.add.f32 [tilespmem:s15], [sflag:$0x2], $0x80, s18, s14, $0xb8;
	[tilespmem:$0x1CC00] =	vst v63  }
0x34: {  	_ =	swait.ge [sflag:s12], $0x4000  }
0x35: {  	s17 =	sadd.s32 $0x1, s17;
	[sflag:s12] =	ssyncset.done $0x0  }
0x36: {  	p0 =	sne.s32 s17, s10;
	[sflag:s12] =	ssyncadd.s32 $0xFFFFC000  }
.Ltmp1:
0x37: {  	[bflag:$0x0] =	sbarrier.arrive $0xFFFF;
	(pc) =	sbr.rel @p0 .LBB2_1-.Ltmp1, $4  }
0x38: {  	[hbm:s9], [sflag:s6] =	dma.local [spmem:s11], $0x2780  }
0x39: {  	_ =	swait.ge [sflag:s12], $0x2780  }
0x3a: {  	[sflag:s12] =	ssyncset.done $0x0  }
0x3b: {  	[sflag:s12] =	ssyncadd.s32 $0xFFFFD880  }
0x3c: {  	_ =	sfence.sel $0x180000  }
0x3d: {  	[bflag:$0x0] =	sbarrier.arrive $0xFFFF  }
0x3e: {  	p0 =	sne.s32 s1, $0x0;
	_ =	strace $0x9000004D  }
0x3f: {  	s0 =	sadd.s32 @!p0 $0x100000, s0;
	[bflag:$0x2] =	sbarrier.arrive $0xFFFF  }
0x40: {  	[sflag:s0] =	ssyncadd.tile.s32 @!p0 $0x1;
	_ =	shalt  }
.Lfunc_end2:
_tile_overlayer_lowered:
.L_overlay_start_2:
0x41: {  	(tag) =	ssettag $0x2  }
0x42: {  	s0 =	rddreg [dreg:$0x0];
	s2 =	stileid.u32  }
0x43: {  	s1 =	rddreg [dreg:$0x1];
	p0 =	sne.s32 s2, $0x0  }
0x44: {  	s3 =	rddreg [dreg:$0x2];
	[bflag:$0x3] =	sbarrier.arrive $0xFFFF;
	s2 =	simm.s32 @!p0 $0x1C02  }
0x45: {  	[timem:s3], [sflag:s2] =	dma.local @!p0 [hbm:s0], s1  }
0x46: {  	s0 =	simm.s32 @!p0 $0x2  }
0x47: {  	_ =	swait.ge @!p0 [sflag:s0], s1  }
0x48: {  	s1 =	ssub.s32 @!p0 $0x0, s1;
	[sflag:s0] =	ssyncset.done @!p0 $0x0  }
0x49: {  	[sflag:s0] =	ssyncadd.s32 @!p0 s1  }
0x4a: {  	[bflag:$0x3] =	sbarrier.arrive $0xFFFF  }
0x4b: {  	_ =	shalt  }

// kernel: kernel.22.cloned.1.call-start
scs
__scs_entry_jumppad:
0x0: {  	(pc) =	sbr.rel $0x88, $3  }
0x1: {  	(tag) =	ssettag $0x0;
	lr =	simm.s32 $0x1  }
0x2: {  	[smem:$0x3F94] =	sst lr;
	_ =	strace $0xD0000000  }
0x3: {  	_ = 	snop  }
0x4: {  	_ = 	snop  }
0x5: {  	_ = 	snop  }
0x6: {  	_ = 	snop  }
0x7: {  	_ = 	snop  }
__scs_overlays_trampoline_lowered:
0x8: {  	[smem:$0x3FA3] =	sst s0  }
0x9: {  	[smem:$0x3FA4] =	sst s1  }
0xa: {  	[smem:$0x3FA5] =	sst s2  }
0xb: {  	[smem:$0x3FA6] =	sst s3  }
0xc: {  	[smem:$0x3FA7] =	sst s4  }
0xd: {  	[smem:$0x3FA8] =	sst s5  }
0xe: {  	[smem:$0x3FA9] =	sst s6  }
0xf: {  	[smem:$0x3FAA] =	sst s7  }
0x10: {  	[smem:$0x3FAB] =	sst s8  }
0x11: {  	[smem:$0x3FAC] =	sst s9;
	s0 =	simm.s32 @!p0 $0x0  }
0x12: {  	s1 =	sld [smem:$0x3F92];
	s0 =	simm.s32 @p0 $0x1  }
0x13: {  	[smem:$0x3FAD] =	sst s0;
	s0 =	simm.s32 @!p1 $0x0  }
0x14: {  	s2 =	sld [smem:$0x3F91];
	s0 =	simm.s32 @p1 $0x1  }
0x15: {  	[smem:$0x3FAE] =	sst s0;
	s0 =	simm.s32 @!p2 $0x0  }
0x16: {  	s3 =	sld [smem:$0x3FDB];
	s0 =	simm.s32 @p2 $0x1  }
0x17: {  	s4 =	simm.s32 $0x1BF5;
	[smem:$0x3FB0] =	sst s0  }
0x18: {  	s0 =	sld [smem:$0x3F93];
	_ =	swait.ge [sflag:s4], $0x0  }
0x19: {  	s7 =	sld [smem:$0x3F94]  }
0x1a: {  	s8 =	sadd.s32 $0xFFFFE003, lr  }
0x1b: {  	s9 =	sadd.s32 $0xFFFFFEF7, lr;
	s5 =	simm.s32 $0xFFFFFFFF;
	p2 =	slt.u32 s8, $0xFFFFF086  }
0x1c: {  	p1 =	slt.u32 s9, $0xF7A;
	s5 =	simm.s32 @!p2 $0x0  }
0x1d: {  	s5 =	simm.s32 @p1 $0x1;
	p0 =	seq.s32 s7, s2  }
0x1e: {  	s7 =	smul.u32 @!p0 $0xF7A, s2;
	p2 =	seq.s32 @!p0 s5, $0x0  }
0x1f: {  	s9 =	smul.u32 $0xF7A, s1;
	s8 =	simm.s32 @!p0 $0x1BF5;
	p2 =	por !p2, p0  }
0x20: {  	[sflag:s8] =	ssyncset.s32 @!p0 $0xFFFFF086;
	s6 =	sadd.s32 @!p0 s3, s7;
	s7 =	simm.s32 @!p0 $0x108  }
0x21: {  	s3 =	sadd.s32 s3, s9;
	s6 =	sadd.s32 @!p0 $0x88, s6;
	s7 =	simm.s32 @p2 $0x1082  }
0x22: {  	[simem:s7], [sflag:s8] =	dma.local @!p0 [hbm:s6], $0xF7A  }
0x23: {  	s9 =	sor.u32 $0xD0000000, s2;
	s6 =	simm.s32 $0x108;
	_ =	swait.ge @!p0 [sflag:s8], $0x0  }
0x24: {  	s3 =	sadd.s32 $0x88, s3;
	s6 =	simm.s32 @!p1 $0x1082;
	[sflag:s4] =	ssyncset.s32 $0xFFFFF086  }
0x25: {  	[simem:s6], [sflag:s4] =	dma.local [hbm:s3], $0xF7A  }
0x26: {  	[smem:$0x3F94] =	sst s1;
	(tag) =	ssettag s2;
	_ =	strace s9  }
0x27: {  	s1 =	sld [smem:$0x3FA4]  }
0x28: {  	s2 =	sld [smem:$0x3FA5]  }
0x29: {  	s4 =	sld [smem:$0x3FA7]  }
0x2a: {  	p0 =	seq.s32 s5, $0x0;
	s5 =	sld [smem:$0x3FA8]  }
0x2b: {  	s6 =	sld [smem:$0x3FA9]  }
0x2c: {  	s7 =	sld [smem:$0x3FAA]  }
0x2d: {  	s3 =	simm.s32 $0x108;
	s8 =	sld [smem:$0x3FAB]  }
0x2e: {  	s3 =	simm.s32 @!p0 $0x1082;
	s9 =	sld [smem:$0x3FAC]  }
0x2f: {  	lr =	sadd.s32 s0, s3;
	s0 =	sld [smem:$0x3FA3]  }
0x30: {  	s3 =	sld [smem:$0x3FA6]  }
0x31: {  	[smem:$0x3FAF] =	sst s10  }
0x32: {  	s10 =	sld [smem:$0x3FAD];
	_ =	sdelay $0x3  }
0x33: {  	p0 =	seq.s32 s10, $0x1;
	s10 =	sld [smem:$0x3FAF];
	_ =	sdelay $0x3  }
0x34: {  	[smem:$0x3FAF] =	sst s10  }
0x35: {  	s10 =	sld [smem:$0x3FAE];
	_ =	sdelay $0x3  }
0x36: {  	p1 =	seq.s32 s10, $0x1;
	s10 =	sld [smem:$0x3FAF];
	_ =	sdelay $0x3  }
0x37: {  	[smem:$0x3FAF] =	sst s10  }
0x38: {  	s10 =	sld [smem:$0x3FB0]  }
0x39: {  	_ = 	snop;
	(pc) =	sbr.ind lr, $3  }
0x3a: {  	_ = 	snop  }
0x3b: {  	_ = 	snop  }
0x3c: {  	p2 =	seq.s32 s10, $0x1;
	s10 =	sld [smem:$0x3FAF]  }
0x3d: {  	_ =	shalt  }
0x3e: {  	_ =	shalt  }
0x3f: {  	_ =	shalt  }
0x40: {  	_ =	shalt  }
0x41: {  	_ =	shalt  }
0x42: {  	_ =	shalt  }
0x43: {  	_ =	shalt  }
0x44: {  	_ =	shalt  }
0x45: {  	_ =	shalt  }
0x46: {  	_ =	shalt  }
0x47: {  	_ =	shalt  }
0x48: {  	_ =	shalt  }
0x49: {  	_ =	shalt  }
0x4a: {  	_ =	shalt  }
0x4b: {  	_ =	shalt  }
0x4c: {  	_ =	shalt  }
0x4d: {  	_ =	shalt  }
0x4e: {  	_ =	shalt  }
0x4f: {  	_ =	shalt  }
0x50: {  	_ =	shalt  }
0x51: {  	_ =	shalt  }
0x52: {  	_ =	shalt  }
0x53: {  	_ =	shalt  }
0x54: {  	_ =	shalt  }
0x55: {  	_ =	shalt  }
0x56: {  	_ =	shalt  }
0x57: {  	_ =	shalt  }
0x58: {  	_ =	shalt  }
0x59: {  	_ =	shalt  }
0x5a: {  	_ =	shalt  }
0x5b: {  	_ =	shalt  }
0x5c: {  	_ =	shalt  }
0x5d: {  	_ =	shalt  }
0x5e: {  	_ =	shalt  }
0x5f: {  	_ =	shalt  }
0x60: {  	_ =	shalt  }
0x61: {  	_ =	shalt  }
0x62: {  	_ =	shalt  }
0x63: {  	_ =	shalt  }
0x64: {  	_ =	shalt  }
0x65: {  	_ =	shalt  }
0x66: {  	_ =	shalt  }
0x67: {  	_ =	shalt  }
0x68: {  	_ =	shalt  }
0x69: {  	_ =	shalt  }
0x6a: {  	_ =	shalt  }
0x6b: {  	_ =	shalt  }
0x6c: {  	_ =	shalt  }
0x6d: {  	_ =	shalt  }
0x6e: {  	_ =	shalt  }
0x6f: {  	_ =	shalt  }
0x70: {  	_ =	shalt  }
0x71: {  	_ =	shalt  }
0x72: {  	_ =	shalt  }
0x73: {  	_ =	shalt  }
0x74: {  	_ =	shalt  }
0x75: {  	_ =	shalt  }
0x76: {  	_ =	shalt  }
0x77: {  	_ =	shalt  }
0x78: {  	_ =	shalt  }
0x79: {  	_ =	shalt  }
0x7a: {  	_ =	shalt  }
0x7b: {  	_ =	shalt  }
0x7c: {  	_ =	shalt  }
0x7d: {  	_ =	shalt  }
0x7e: {  	_ =	shalt  }
0x7f: {  	_ =	shalt  }
0x80: {  	_ =	shalt  }
0x81: {  	_ =	shalt  }
0x82: {  	_ =	shalt  }
0x83: {  	_ =	shalt  }
0x84: {  	_ =	shalt  }
0x85: {  	_ =	shalt  }
0x86: {  	_ =	shalt  }
0x87: {  	_ =	shalt  }
.Lfunc_end0:
.L_simem_size_0:
called_computation.3_lowered:
.L_overlay_start_0:
0x88: {  	s2 =	sld [smem:$0x3FD9]  }
0x89: {  	s3 =	sld [smem:$0x3FFE];
	_ =	sdelay $0x1  }
0x8a: {  	s1 =	srdreg.scid  }
0x8b: {  	s0 =	sand.u32 $0x1, s1  }
0x8c: {  	s16 =	sshll.u32 s0, $0xA;
	s2 =	sadd.s32 s3, s2  }
0x8d: {  	s2 =	sadd.s32 s2, s16  }
0x8e: {  	[smem:$0x3FBB] =	sst s2  }
0x8f: {  	_ = 	snop  }
0x90: {  	(tm) =	ssettm $0x1  }
0x91: {  	s17 =	sld [smem:$0x3FFB];
	_ =	sdelay $0x3  }
0x92: {  	_ =	strace s17  }
0x93: {  	s2 =	sld [smem:$0x3FFC];
	_ =	sdelay $0x3  }
0x94: {  	_ =	strace s2  }
0x95: {  	s2 =	sld [smem:$0x3FFD];
	_ =	sdelay $0x3  }
0x96: {  	_ =	strace s2  }
0x97: {  	_ =	strace $0x8FFFFFFF  }
0x98: {  	s18 =	sld [smem:$0x3FDB];
	_ =	sdelay $0x1  }
0x99: {  	s19 =	simm.s32 $_scs_section_size  }
0x9a: {  	s4 =	simm.s32 $_size__tile_overlayer_lowered;
	s5 =	simm.s32 $_tile_overlayer_lowered  }
0x9b: {  	s22 =	simm.s32 $0x1BFF;
	s21 =	sshll.u32 s5, $0x1;
	s2 =	sadd.s32 s19, s18  }
0x9c: {  	s6 =	simm.s32 $0x0;
	s20 =	sshll.u32 s4, $0x1;
	s4 =	sadd.s32 s21, s2  }
0x9d: {  	[timem:s6], [sflag:s22] =	dma.local [hbm:s4], s20  }
0x9e: {  	_ =	swait.ge [sflag:s22], s20  }
0x9f: {  	s3 =	ssub.s32 $0x0, s20;
	[sflag:s22] =	ssyncset.done $0x0  }
0xa0: {  	[sflag:s22] =	ssyncadd.s32 s3;
	_ =	sdelay $0x1  }
0xa1: {  	s23 =	simm.s32 $0x1B8B  }
0xa2: {  	_ =	swait.ge [sflag:s23], $0x1  }
0xa3: {  	[sflag:s23] =	ssyncset.done $0x0  }
0xa4: {  	s25 =	simm.s32 $0x1B8E;
	s24 =	sld [smem:$0x3FFE];
	[sflag:s23] =	ssyncadd.s32 $0xFFFFFFFF  }
0xa5: {  	s26 =	simm.s32 $execute0_lowered;
	[smem:$0x3FD2] =	sst s25  }
0xa6: {  	s4 =	sshll.u32 s26, $0x1;
	_ =	strace $0x8000004F;
	[dreg:$0x1] =	wrdreg $0xFFFFFFFF  }
0xa7: {  	s28 =	simm.s32 $_size_execute0_lowered;
	s2 =	sadd.s32 s2, s4;
	[dreg:$0x0] =	wrdreg $0x0  }
0xa8: {  	s4 =	sshll.u32 s28, $0x1;
	[dreg:$0x2] =	wrdreg s2  }
0xa9: {  	[dreg:$0x3] =	wrdreg s4  }
0xaa: {  	[dreg:$0x4] =	wrdreg $0xC0  }
0xab: {  	_ =	task [dreg:s6], $0x5FFFF  }
0xac: {  	[dreg:$0x1] =	wrdreg $0xFFFFFFFF  }
0xad: {  	[dreg:$0x0] =	wrdreg $0x60  }
0xae: {  	[dreg:$0x2] =	wrdreg s24  }
0xaf: {  	[dreg:$0x3] =	wrdreg $0x6F100  }
0xb0: {  	[dreg:$0x4] =	wrdreg $0x9  }
0xb1: {  	_ =	task.clear_ibuf [dreg:s6], $0x5FFFF;
	_ =	strace $0x9000004F  }
0xb2: {  	s29 =	simm.s32 $0x9;
	_ =	strace $0x80000051  }
0xb3: {  	_ =	swait.ge [sflag:s29], $0x1  }
0xb4: {  	[sflag:s29] =	ssyncadd.s32 $0xFFFFFFFF  }
0xb5: {  	_ =	strace $0x90000051  }
0xb6: {  	_ =	sfence  }
0xb7: {  	s30 =	sld [smem:$0x0];
	_ =	sdelay $0x2  }
0xb8: {  	s31 =	sshll.u32 s1, $0xD;
	s1 =	sshrl.u32 s1, $0x2  }
0xb9: {  	s3 =	sand.u32 $0x4000, s31;
	s1 =	sadd.s32 s1, s30  }
0xba: {  	s0 =	sor.u32 s3, s0;
	s1 =	sshll.u32 s1, $0x11  }
0xbb: {  	s0 =	sor.u32 s1, s0  }
0xbc: {  	s0 =	sadd.s32 $0x8F2B, s0  }
0xbd: {  	[sflag:s0] =	ssyncadd.remote.s32 $0x1  }
0xbe: {  	_ =	sfence.sel $0xFFFF  }
0xbf: {  	[dreg:$0x0] =	wrdreg $0xFFFFFFFF;
	(pc) =	sbr.abs _section_cstart, $3  }
0xc0: {  	[dreg:$0x1] =	wrdreg $0xFFFFFFFF  }
0xc1: {  	_ =	task.clear_ibuf [dreg:s6], $0x2FFFF;
	_ =	strace $0x9FFFFFFF  }
0xc2: {  	(tm) =	ssettm $0x7FFFFFFF  }
0xc3: {  	_ =	shalt  }
tec
execute0_lowered:
.L_overlay_start_1:
0x0: {  	(tag) =	ssettag $0x1  }
0x1: {  	s13 =	stileid.u32  }
0x2: {  	s0 =	srdreg.scid;
	s1 =	rddreg [dreg:$0x0]  }
0x3: {  	s2 =	rddreg [dreg:$0x1];
	s16 =	simm.s32 $0x2;
	s18 =	simm.s32 $0x4F00  }
0x4: {  	s19 =	simm.s32 $0x80;
	s20 =	simm.s32 $0x4F10;
	s21 =	simm.s32 $0x5710  }
0x5: {  	s22 =	simm.s32 $0x5F10;
	s23 =	simm.s32 $0x1;
	s24 =	simm.s32 $0x6710  }
0x6: {  	s25 =	simm.s32 $0x0;
	s0 =	sand.u32 $0x1, s0;
	s3 =	sshll.u32 s13, $0x1  }
0x7: {  	s8 =	smul.u32 $0x2780, s13;
	s31 =	sshll.u32 s13, $0x6;
	s12 =	sor.u32 s0, s3  }
0x8: {  	s3 =	simm.s32 $0x0;
	s6 =	smul.u32 $0x27800, s0;
	s0 =	ssub.s32 $0x2, s0  }
0x9: {  	s4 =	smul.u32 $0x4F0, s12;
	[smem:$0x7FF] =	sst s3;
	s5 =	sshrl.u32 s8, $0x3  }
0xa: {  	s30 =	sshrl.u32 s0, $0x1;
	s15 =	sadd.s32 s8, s2;
	s12 =	smul.u32 $0x27800, s12  }
0xb: {  	_ =	strace $0x80000050;
	s9 =	sadd.s32 s5, s1;
	s5 =	sadd.s32 $0x1AC00, s1  }
0xc: {  	s7 =	sadd.s32 s8, s6;
	s6 =	sadd.s32 $0x15C00, s1;
	s0 =	ssub.s32 s0, s30  }
0xd: {  	s15 =	sshrl.u32 s15, $0x3;
	s11 =	sadd.s32 s4, s1;
	s4 =	sadd.s32 $0x5C9C00, s1  }
0xe: {  	s10 =	sshrl.u32 s7, $0x3;
	s7 =	sadd.s32 $0x14000, s1;
	s8 =	sadd.s32 $0xF000, s9  }
0xf: {  	s9 =	sor.u32 $0x1C02, s31;
	s14 =	smax.u32 s0, $0x1;
	s1 =	sadd.s32 s10, s1  }
0x10: {  	s10 =	sadd.s32 $0x27E00, s11;
	s11 =	sadd.s32 $0x5200, s11;
	s13 =	sadd.s32 $0x59400, s1  }
.LBB2_1:
0x11: {  	[spmem:s15], [sflag:s9] =	dma.local [hbm:s8], $0x4F0  }
0x12: {  	_ =	swait.ge [sflag:s16], $0x4F0  }
0x13: {  	[sflag:s16] =	ssyncset.done $0x0  }
0x14: {  	[sflag:s16] =	ssyncadd.s32 $0xFFFFFB10  }
0x15: {  	[tilespmem:s3], [sflag:$0x2] =	stream.linear.gather [hbm4b:s10+s3], $0x2780, $0x38;
	[tilespmem:$0x9690] =	vst v63  }
0x16: {  	_ =	swait.ge [sflag:s16], $0x2780  }
0x17: {  	[sflag:s16] =	ssyncset.done $0x0  }
0x18: {  	s0 =	simm.s32 $0x2780;
	[sflag:s16] =	ssyncadd.s32 $0xFFFFD880  }
0x19: {  	[tilespmem:s0], [sflag:$0x2] =	stream.linear.gather [hbm4b:s11+s3], $0x2780, $0x38;
	[tilespmem:$0x9690] =	vst v63  }
0x1a: {  	_ =	swait.ge [sflag:s16], $0x2780  }
0x1b: {  	[sflag:s16] =	ssyncset.done $0x0  }
0x1c: {  	[sflag:s16] =	ssyncadd.s32 $0xFFFFD880  }
0x1d: {  	[tilespmem:s18], [sflag:$0x2] =	stream.linear.gather [hbm4b:s7+s3], $0x10, $0x38;
	[tilespmem:$0x9690] =	vst v63  }
0x1e: {  	_ =	swait.ge [sflag:s16], $0x10  }
0x1f: {  	[sflag:s16] =	ssyncset.done $0x0  }
0x20: {  	[sflag:s16] =	ssyncadd.s32 $0xFFFFFFF0  }
0x21: {  	[bflag:$0x0] =	sbarrier.arrive $0xFFFF  }
0x22: {  	v0 =	vld [tilespmem:$0x4F00];
	_ =	sdelay $0x1  }
0x23: {  	s26 =	simm.s32 $0x0  }
.LBB2_2:
0x24: {  	s0 =	sshll.u32 s26, $0x7;
	s17 =	sshll.u32 s26, $0xB  }
0x25: {  	[tilespmem:s20], [sflag:$0x1] =	stream.indirect.gather [hbm4b:s5+s19], $0x10, s0, s19, $0xb8;
	[tilespmem:$0x9690] =	vst v63  }
0x26: {  	s28 =	sadd.s32 $0x2780, s0;
	s0 =	sadd.s32 s12, s17  }
0x27: {  	s0 =	sshrl.u32 s0, $0x3  }
0x28: {  	[tilespmem:s21], [sflag:$0x1] =	stream.indirect.gather [hbm4b:s6+s19], $0x10, s28, s19, $0xb8;
	[tilespmem:$0x9690] =	vst v63  }
0x29: {  	s1 =	simm.s32 $0x0;
	s0 =	sadd.s32 s4, s0  }
0x2a: {  	[tilespmem:s22], [sflag:$0x2] =	stream.linear.gather [hbm4b:s0+s1], $0x800, $0x38;
	[tilespmem:$0x9690] =	vst v63  }
0x2b: {  	_ =	swait.ge [sflag:s16], $0x800  }
0x2c: {  	[sflag:s16] =	ssyncset.done $0x0  }
0x2d: {  	[sflag:s16] =	ssyncadd.s32 $0xFFFFF800  }
0x2e: {  	_ =	swait.ge [sflag:s23], $0x800  }
0x2f: {  	[sflag:s23] =	ssyncset.done $0x0  }
0x30: {  	[sflag:s23] =	ssyncadd.s32 $0xFFFFF800  }
0x31: {  	_ =	swait.ge [sflag:s23], $0x800  }
0x32: {  	[sflag:s23] =	ssyncset.done $0x0  }
0x33: {  	s29 =	simm.s32 $0x0;
	[sflag:s23] =	ssyncadd.s32 $0xFFFFF800  }
0x34: {  	v1 =	vld [tilespmem:s29+$0x4F10]  }
0x35: {  	v2 =	vld [tilespmem:s29+$0x5710]  }
0x36: {  	s30 =	simm.s32 $0x10;
	v3 =	vld [tilespmem:s29+$0x5F10]  }
0x37: {  	v4 =	vld [tilespmem:s30+$0x4F10]  }
0x38: {  	v5 =	vld [tilespmem:s30+$0x5710];
	_ =	sdelay $0x1  }
0x39: {  	v1 =	vadd.f32 v2, v1;
	_ =	sdelay $0x1  }
0x3a: {  	s31 =	simm.s32 $0x20;
	v2 =	vld [tilespmem:s30+$0x5F10];
	v1 =	vadd.f32 v3, v1  }
0x3b: {  	v4 =	vadd.f32 v5, v4;
	v5 =	vld [tilespmem:s31+$0x5710]  }
0x3c: {  	v3 =	vld [tilespmem:s31+$0x4F10];
	v6 =	vmul.f32 $2.000000030e-01, v1;
	_ =	sdelay $0x1  }
0x3d: {  	v1 =	vmax.f32 v1, v6  }
0x3e: {  	v1 =	vsub.f32 v1, v0  }
0x3f: {  	v2 =	vadd.f32 v2, v4;
	v4 =	vld [tilespmem:s31+$0x5F10]  }
0x40: {  	v3 =	vadd.f32 v5, v3;
	v5 =	vmul.f32 $1.442695020e+00, v1  }
0x41: {  	v6 =	vmul.f32 $2.000000030e-01, v2  }
0x42: {  	s1 =	simm.s32 $0x30;
	(erf) = vpow2.f32 v5  }
0x43: {  	v2 =	vmax.f32 v2, v6;
	v1 =	vld [tilespmem:s1+$0x4F10]  }
0x44: {  	v6 =	vsub.f32 v2, v0;
	v2 =	vadd.f32 v4, v3;
	v3 =	vld [tilespmem:s1+$0x5710];
	_ =	sdelay $0x1  }
0x45: {  	v4 =	vld [tilespmem:s1+$0x5F10];
	v5 =	vmul.f32 $1.442695020e+00, v6  }
0x46: {  	s0 =	simm.s32 $0x100;
	v6 =	vmul.f32 $2.000000030e-01, v2  }
.LBB2_3:
0x47: {  	s17 =	sshra.s32 s0, $0x2;
	(erf) = vpow2.f32 v5;
	p0 =	sne.s32 s0, $0x1FC0  }
.Ltmp0:
0x48: {  	s0 =	sadd.s32 $0x40, s0;
	v5 =	vadd.f32 v3, v1;
	v1 =	vld [tilespmem:s17+$0x4F10];
	v2 =	vmax.f32 v2, v6;
	(pc) =	sbr.rel @p0 .LBB2_3-.Ltmp0, $4  }
0x49: {  	v3 =	vld [tilespmem:s17+$0x5710];
	v6 =	vsub.f32 v2, v0  }
0x4a: {  	v2 =	vadd.f32 v4, v5;
	v7 =	vpop (erf)  }
0x4b: {  	v4 =	vld [tilespmem:s17+$0x5F10];
	v5 =	vmul.f32 $1.442695020e+00, v6;
	[tilespmem:s29+$0x6710] =	vst v7;
	s29 =	smov.u32 s30;
	s30 =	smov.u32 s31;
	s31 =	smov.u32 s1  }
0x4c: {  	s1 =	smov.u32 s17;
	v6 =	vmul.f32 $2.000000030e-01, v2  }
0x4d: {  	_ = 	snop  }
0x4e: {  	v1 =	vadd.f32 v3, v1;
	_ =	sdelay $0x1  }
0x4f: {  	v1 =	vadd.f32 v4, v1;
	_ =	sdelay $0x1  }
0x50: {  	v3 =	vmul.f32 $2.000000030e-01, v1  }
0x51: {  	v2 =	vmax.f32 v2, v6  }
0x52: {  	v2 =	vsub.f32 v2, v0;
	v1 =	vmax.f32 v1, v3  }
0x53: {  	v1 =	vsub.f32 v1, v0  }
0x54: {  	v2 =	vmul.f32 $1.442695020e+00, v2  }
0x55: {  	(erf) = vpow2.f32 v5;
	v1 =	vmul.f32 $1.442695020e+00, v1  }
0x56: {  	(erf) = vpow2.f32 v2  }
0x57: {  	(erf) = vpow2.f32 v1;
	_ =	sdelay $0x5  }
0x58: {  	v1 =	vpop (erf)  }
0x59: {  	v2 =	vpop (erf);
	[tilespmem:s29+$0x6710] =	vst v1  }
0x5a: {  	s26 =	sadd.s32 $0x1, s26;
	[tilespmem:s30+$0x6710] =	vst v2;
	v1 =	vpop (erf)  }
0x5b: {  	p0 =	sne.s32 s26, $0x4F;
	[tilespmem:s31+$0x6710] =	vst v1;
	v1 =	vpop (erf)  }
.Ltmp1:
0x5c: {  	[tilespmem:s1+$0x6710] =	vst v1;
	(pc) =	sbr.rel @p0 .LBB2_2-.Ltmp1, $4  }
0x5d: {  	[spmem:s2] =	stream.indirect.scatter.add.f32 [tilespmem:s24], [sflag:$0x2], $0x10, s28, s19, $0xb8;
	[tilespmem:$0x9690] =	vst v63  }
0x5e: {  	_ =	swait.ge [sflag:s16], $0x800  }
0x5f: {  	[sflag:s16] =	ssyncset.done $0x0  }
0x60: {  	[sflag:s16] =	ssyncadd.s32 $0xFFFFF800  }
0x61: {  	s25 =	sadd.s32 $0x1, s25  }
0x62: {  	p0 =	sne.s32 s25, s14  }
.Ltmp2:
0x63: {  	[bflag:$0x0] =	sbarrier.arrive $0xFFFF;
	(pc) =	sbr.rel @p0 .LBB2_1-.Ltmp2, $4  }
0x64: {  	[hbm:s13], [sflag:s9] =	dma.local [spmem:s15], $0x4F0  }
0x65: {  	_ =	swait.ge [sflag:s16], $0x4F0  }
0x66: {  	[sflag:s16] =	ssyncset.done $0x0  }
0x67: {  	[sflag:s16] =	ssyncadd.s32 $0xFFFFFB10  }
0x68: {  	_ =	sfence.sel $0x180000  }
0x69: {  	[bflag:$0x0] =	sbarrier.arrive $0xFFFF  }
0x6a: {  	_ =	strace $0x90000050  }
0x6b: {  	s0 =	stileid.u32;
	[bflag:$0x2] =	sbarrier.arrive $0xFFFF  }
0x6c: {  	p0 =	sne.s32 s0, $0x0;
	s0 =	rddreg [dreg:$0x2]  }
0x6d: {  	s0 =	sadd.s32 @!p0 $0x100000, s0  }
0x6e: {  	[sflag:s0] =	ssyncadd.tile.s32 @!p0 $0x1;
	_ =	shalt  }
.Lfunc_end2:
_tile_overlayer_lowered:
.L_overlay_start_2:
0x6f: {  	(tag) =	ssettag $0x2  }
0x70: {  	s0 =	rddreg [dreg:$0x0];
	s2 =	stileid.u32  }
0x71: {  	s1 =	rddreg [dreg:$0x1];
	p0 =	sne.s32 s2, $0x0  }
0x72: {  	s3 =	rddreg [dreg:$0x2];
	[bflag:$0x3] =	sbarrier.arrive $0xFFFF;
	s2 =	simm.s32 @!p0 $0x1C02  }
0x73: {  	[timem:s3], [sflag:s2] =	dma.local @!p0 [hbm:s0], s1  }
0x74: {  	s0 =	simm.s32 @!p0 $0x2  }
0x75: {  	_ =	swait.ge @!p0 [sflag:s0], s1  }
0x76: {  	s1 =	ssub.s32 @!p0 $0x0, s1;
	[sflag:s0] =	ssyncset.done @!p0 $0x0  }
0x77: {  	[sflag:s0] =	ssyncadd.s32 @!p0 s1  }
0x78: {  	[bflag:$0x3] =	sbarrier.arrive $0xFFFF  }
0x79: {  	_ =	shalt  }

// kernel: kernel.25.cloned.1.call-start
scs
__scs_entry_jumppad:
0x0: {  	(pc) =	sbr.rel $0x88, $3  }
0x1: {  	(tag) =	ssettag $0x0;
	lr =	simm.s32 $0x1  }
0x2: {  	[smem:$0x3F94] =	sst lr;
	_ =	strace $0xD0000000  }
0x3: {  	_ = 	snop  }
0x4: {  	_ = 	snop  }
0x5: {  	_ = 	snop  }
0x6: {  	_ = 	snop  }
0x7: {  	_ = 	snop  }
__scs_overlays_trampoline_lowered:
0x8: {  	[smem:$0x3FA3] =	sst s0  }
0x9: {  	[smem:$0x3FA4] =	sst s1  }
0xa: {  	[smem:$0x3FA5] =	sst s2  }
0xb: {  	[smem:$0x3FA6] =	sst s3  }
0xc: {  	[smem:$0x3FA7] =	sst s4  }
0xd: {  	[smem:$0x3FA8] =	sst s5  }
0xe: {  	[smem:$0x3FA9] =	sst s6  }
0xf: {  	[smem:$0x3FAA] =	sst s7  }
0x10: {  	[smem:$0x3FAB] =	sst s8  }
0x11: {  	[smem:$0x3FAC] =	sst s9;
	s0 =	simm.s32 @!p0 $0x0  }
0x12: {  	s1 =	sld [smem:$0x3F92];
	s0 =	simm.s32 @p0 $0x1  }
0x13: {  	[smem:$0x3FAD] =	sst s0;
	s0 =	simm.s32 @!p1 $0x0  }
0x14: {  	s2 =	sld [smem:$0x3F91];
	s0 =	simm.s32 @p1 $0x1  }
0x15: {  	[smem:$0x3FAE] =	sst s0;
	s0 =	simm.s32 @!p2 $0x0  }
0x16: {  	s3 =	sld [smem:$0x3FDB];
	s0 =	simm.s32 @p2 $0x1  }
0x17: {  	s4 =	simm.s32 $0x1BF5;
	[smem:$0x3FB0] =	sst s0  }
0x18: {  	s0 =	sld [smem:$0x3F93];
	_ =	swait.ge [sflag:s4], $0x0  }
0x19: {  	s7 =	sld [smem:$0x3F94]  }
0x1a: {  	s8 =	sadd.s32 $0xFFFFE003, lr  }
0x1b: {  	s9 =	sadd.s32 $0xFFFFFEF7, lr;
	s5 =	simm.s32 $0xFFFFFFFF;
	p2 =	slt.u32 s8, $0xFFFFF086  }
0x1c: {  	p1 =	slt.u32 s9, $0xF7A;
	s5 =	simm.s32 @!p2 $0x0  }
0x1d: {  	s5 =	simm.s32 @p1 $0x1;
	p0 =	seq.s32 s7, s2  }
0x1e: {  	s7 =	smul.u32 @!p0 $0xF7A, s2;
	p2 =	seq.s32 @!p0 s5, $0x0  }
0x1f: {  	s9 =	smul.u32 $0xF7A, s1;
	s8 =	simm.s32 @!p0 $0x1BF5;
	p2 =	por !p2, p0  }
0x20: {  	[sflag:s8] =	ssyncset.s32 @!p0 $0xFFFFF086;
	s6 =	sadd.s32 @!p0 s3, s7;
	s7 =	simm.s32 @!p0 $0x108  }
0x21: {  	s3 =	sadd.s32 s3, s9;
	s6 =	sadd.s32 @!p0 $0x88, s6;
	s7 =	simm.s32 @p2 $0x1082  }
0x22: {  	[simem:s7], [sflag:s8] =	dma.local @!p0 [hbm:s6], $0xF7A  }
0x23: {  	s9 =	sor.u32 $0xD0000000, s2;
	s6 =	simm.s32 $0x108;
	_ =	swait.ge @!p0 [sflag:s8], $0x0  }
0x24: {  	s3 =	sadd.s32 $0x88, s3;
	s6 =	simm.s32 @!p1 $0x1082;
	[sflag:s4] =	ssyncset.s32 $0xFFFFF086  }
0x25: {  	[simem:s6], [sflag:s4] =	dma.local [hbm:s3], $0xF7A  }
0x26: {  	[smem:$0x3F94] =	sst s1;
	(tag) =	ssettag s2;
	_ =	strace s9  }
0x27: {  	s1 =	sld [smem:$0x3FA4]  }
0x28: {  	s2 =	sld [smem:$0x3FA5]  }
0x29: {  	s4 =	sld [smem:$0x3FA7]  }
0x2a: {  	p0 =	seq.s32 s5, $0x0;
	s5 =	sld [smem:$0x3FA8]  }
0x2b: {  	s6 =	sld [smem:$0x3FA9]  }
0x2c: {  	s7 =	sld [smem:$0x3FAA]  }
0x2d: {  	s3 =	simm.s32 $0x108;
	s8 =	sld [smem:$0x3FAB]  }
0x2e: {  	s3 =	simm.s32 @!p0 $0x1082;
	s9 =	sld [smem:$0x3FAC]  }
0x2f: {  	lr =	sadd.s32 s0, s3;
	s0 =	sld [smem:$0x3FA3]  }
0x30: {  	s3 =	sld [smem:$0x3FA6]  }
0x31: {  	[smem:$0x3FAF] =	sst s10  }
0x32: {  	s10 =	sld [smem:$0x3FAD];
	_ =	sdelay $0x3  }
0x33: {  	p0 =	seq.s32 s10, $0x1;
	s10 =	sld [smem:$0x3FAF];
	_ =	sdelay $0x3  }
0x34: {  	[smem:$0x3FAF] =	sst s10  }
0x35: {  	s10 =	sld [smem:$0x3FAE];
	_ =	sdelay $0x3  }
0x36: {  	p1 =	seq.s32 s10, $0x1;
	s10 =	sld [smem:$0x3FAF];
	_ =	sdelay $0x3  }
0x37: {  	[smem:$0x3FAF] =	sst s10  }
0x38: {  	s10 =	sld [smem:$0x3FB0]  }
0x39: {  	_ = 	snop;
	(pc) =	sbr.ind lr, $3  }
0x3a: {  	_ = 	snop  }
0x3b: {  	_ = 	snop  }
0x3c: {  	p2 =	seq.s32 s10, $0x1;
	s10 =	sld [smem:$0x3FAF]  }
0x3d: {  	_ =	shalt  }
0x3e: {  	_ =	shalt  }
0x3f: {  	_ =	shalt  }
0x40: {  	_ =	shalt  }
0x41: {  	_ =	shalt  }
0x42: {  	_ =	shalt  }
0x43: {  	_ =	shalt  }
0x44: {  	_ =	shalt  }
0x45: {  	_ =	shalt  }
0x46: {  	_ =	shalt  }
0x47: {  	_ =	shalt  }
0x48: {  	_ =	shalt  }
0x49: {  	_ =	shalt  }
0x4a: {  	_ =	shalt  }
0x4b: {  	_ =	shalt  }
0x4c: {  	_ =	shalt  }
0x4d: {  	_ =	shalt  }
0x4e: {  	_ =	shalt  }
0x4f: {  	_ =	shalt  }
0x50: {  	_ =	shalt  }
0x51: {  	_ =	shalt  }
0x52: {  	_ =	shalt  }
0x53: {  	_ =	shalt  }
0x54: {  	_ =	shalt  }
0x55: {  	_ =	shalt  }
0x56: {  	_ =	shalt  }
0x57: {  	_ =	shalt  }
0x58: {  	_ =	shalt  }
0x59: {  	_ =	shalt  }
0x5a: {  	_ =	shalt  }
0x5b: {  	_ =	shalt  }
0x5c: {  	_ =	shalt  }
0x5d: {  	_ =	shalt  }
0x5e: {  	_ =	shalt  }
0x5f: {  	_ =	shalt  }
0x60: {  	_ =	shalt  }
0x61: {  	_ =	shalt  }
0x62: {  	_ =	shalt  }
0x63: {  	_ =	shalt  }
0x64: {  	_ =	shalt  }
0x65: {  	_ =	shalt  }
0x66: {  	_ =	shalt  }
0x67: {  	_ =	shalt  }
0x68: {  	_ =	shalt  }
0x69: {  	_ =	shalt  }
0x6a: {  	_ =	shalt  }
0x6b: {  	_ =	shalt  }
0x6c: {  	_ =	shalt  }
0x6d: {  	_ =	shalt  }
0x6e: {  	_ =	shalt  }
0x6f: {  	_ =	shalt  }
0x70: {  	_ =	shalt  }
0x71: {  	_ =	shalt  }
0x72: {  	_ =	shalt  }
0x73: {  	_ =	shalt  }
0x74: {  	_ =	shalt  }
0x75: {  	_ =	shalt  }
0x76: {  	_ =	shalt  }
0x77: {  	_ =	shalt  }
0x78: {  	_ =	shalt  }
0x79: {  	_ =	shalt  }
0x7a: {  	_ =	shalt  }
0x7b: {  	_ =	shalt  }
0x7c: {  	_ =	shalt  }
0x7d: {  	_ =	shalt  }
0x7e: {  	_ =	shalt  }
0x7f: {  	_ =	shalt  }
0x80: {  	_ =	shalt  }
0x81: {  	_ =	shalt  }
0x82: {  	_ =	shalt  }
0x83: {  	_ =	shalt  }
0x84: {  	_ =	shalt  }
0x85: {  	_ =	shalt  }
0x86: {  	_ =	shalt  }
0x87: {  	_ =	shalt  }
.Lfunc_end0:
.L_simem_size_0:
called_computation.4_lowered:
.L_overlay_start_0:
0x88: {  	s2 =	sld [smem:$0x3FD9]  }
0x89: {  	s3 =	sld [smem:$0x3FFE];
	_ =	sdelay $0x1  }
0x8a: {  	s1 =	srdreg.scid  }
0x8b: {  	s0 =	sand.u32 $0x1, s1  }
0x8c: {  	s17 =	sshll.u32 s0, $0xA;
	s2 =	sadd.s32 s3, s2  }
0x8d: {  	s2 =	sadd.s32 s2, s17  }
0x8e: {  	[smem:$0x3FBB] =	sst s2  }
0x8f: {  	_ = 	snop  }
0x90: {  	(tm) =	ssettm $0x1  }
0x91: {  	s18 =	sld [smem:$0x3FFB];
	_ =	sdelay $0x3  }
0x92: {  	_ =	strace s18  }
0x93: {  	s2 =	sld [smem:$0x3FFC];
	_ =	sdelay $0x3  }
0x94: {  	_ =	strace s2  }
0x95: {  	s2 =	sld [smem:$0x3FFD];
	_ =	sdelay $0x3  }
0x96: {  	_ =	strace s2  }
0x97: {  	_ =	strace $0x8FFFFFFF  }
0x98: {  	s19 =	sld [smem:$0x3FDB];
	_ =	sdelay $0x1  }
0x99: {  	s20 =	simm.s32 $_scs_section_size  }
0x9a: {  	s4 =	simm.s32 $_size__tile_overlayer_lowered;
	s5 =	simm.s32 $_tile_overlayer_lowered  }
0x9b: {  	s6 =	simm.s32 $0x1BFF;
	s21 =	sshll.u32 s5, $0x1;
	s3 =	sadd.s32 s20, s19  }
0x9c: {  	s22 =	simm.s32 $0x0;
	s4 =	sshll.u32 s4, $0x1;
	s5 =	sadd.s32 s21, s3  }
0x9d: {  	[timem:s22], [sflag:s6] =	dma.local [hbm:s5], s4  }
0x9e: {  	_ =	swait.ge [sflag:s6], s4  }
0x9f: {  	s4 =	ssub.s32 $0x0, s4;
	[sflag:s6] =	ssyncset.done $0x0  }
0xa0: {  	[sflag:s6] =	ssyncadd.s32 s4;
	_ =	sdelay $0x1  }
0xa1: {  	s23 =	simm.s32 $0x1B8B  }
0xa2: {  	_ =	swait.ge [sflag:s23], $0x1  }
0xa3: {  	[sflag:s23] =	ssyncset.done $0x0  }
0xa4: {  	[sflag:s23] =	ssyncadd.s32 $0xFFFFFFFF  }
0xa5: {  	s4 =	sld [smem:$0x0]  }
0xa6: {  	s5 =	sand.u32 $0xFFFFFFFE, s1  }
0xa7: {  	p0 =	sne.s32 s1, s5  }
0xa8: {  	s5 =	sshll.u32 @p0 s5, $0xE  }
0xa9: {  	s5 =	sadd.s32 @p0 $0x11B8D, s5;
	s6 =	sshll.u32 @p0 s4, $0x11  }
0xaa: {  	s5 =	sor.u32 @p0 s6, s5  }
0xab: {  	[sflag:s5] =	ssyncadd.remote.s32 @p0 $0x1;
	_ =	sdelay $0x1  }
0xac: {  	s5 =	simm.s32 @p0 $0x1B8D  }
0xad: {  	_ =	swait.eq @p0 [sflag:s5], $0x1  }
0xae: {  	[sflag:s5] =	ssyncadd.s32 @p0 $0xFFFFFFFF  }
0xaf: {  	s6 =	sshll.u32 @!p0 s1, $0xE  }
0xb0: {  	s6 =	sor.u32 @!p0 $0x4000, s6;
	s5 =	simm.s32 @!p0 $0x1B8D  }
0xb1: {  	s4 =	sshll.u32 @!p0 s4, $0x11;
	s6 =	sadd.s32 @!p0 $0x11B8D, s6;
	_ =	swait.eq @!p0 [sflag:s5], $0x1  }
0xb2: {  	s4 =	sor.u32 @!p0 s4, s6;
	[sflag:s5] =	ssyncadd.s32 @!p0 $0xFFFFFFFF  }
0xb3: {  	s25 =	simm.s32 $0x1B8E;
	s24 =	sld [smem:$0x3FFE];
	[sflag:s4] =	ssyncadd.remote.s32 @!p0 $0x1  }
0xb4: {  	s26 =	simm.s32 $execute0_lowered;
	[smem:$0x3FD2] =	sst s25  }
0xb5: {  	s5 =	sshll.u32 s26, $0x1;
	_ =	strace $0x80000052;
	[dreg:$0x1] =	wrdreg $0xFFFFFFFF  }
0xb6: {  	s28 =	simm.s32 $_size_execute0_lowered;
	s3 =	sadd.s32 s3, s5;
	[dreg:$0x0] =	wrdreg $0x0  }
0xb7: {  	s5 =	sshll.u32 s28, $0x1;
	[dreg:$0x2] =	wrdreg s3  }
0xb8: {  	[dreg:$0x3] =	wrdreg s5  }
0xb9: {  	[dreg:$0x4] =	wrdreg $0xC0  }
0xba: {  	_ =	task [dreg:s22], $0x5FFFF  }
0xbb: {  	[dreg:$0x1] =	wrdreg $0xFFFFFFFF  }
0xbc: {  	[dreg:$0x0] =	wrdreg $0x60  }
0xbd: {  	[dreg:$0x2] =	wrdreg s24  }
0xbe: {  	[dreg:$0x3] =	wrdreg $0xA7100  }
0xbf: {  	[dreg:$0x4] =	wrdreg $0xA  }
0xc0: {  	_ =	task.clear_ibuf [dreg:s22], $0x5FFFF;
	_ =	strace $0x90000052  }
0xc1: {  	s29 =	simm.s32 $0xA;
	_ =	strace $0x80000054  }
0xc2: {  	_ =	swait.ge [sflag:s29], $0x1  }
0xc3: {  	[sflag:s29] =	ssyncadd.s32 $0xFFFFFFFF  }
0xc4: {  	_ =	strace $0x90000054  }
0xc5: {  	_ =	sfence  }
0xc6: {  	s30 =	sld [smem:$0x0];
	_ =	sdelay $0x2  }
0xc7: {  	s31 =	sshll.u32 s1, $0xD;
	s1 =	sshrl.u32 s1, $0x2  }
0xc8: {  	s4 =	sand.u32 $0x4000, s31;
	s1 =	sadd.s32 s1, s30  }
0xc9: {  	s0 =	sor.u32 s4, s0;
	s1 =	sshll.u32 s1, $0x11  }
0xca: {  	s0 =	sor.u32 s1, s0  }
0xcb: {  	s0 =	sadd.s32 $0x8F2B, s0  }
0xcc: {  	[sflag:s0] =	ssyncadd.remote.s32 $0x1  }
0xcd: {  	_ =	sfence.sel $0xFFFF  }
0xce: {  	[dreg:$0x0] =	wrdreg $0xFFFFFFFF;
	(pc) =	sbr.abs _section_cstart, $3  }
0xcf: {  	[dreg:$0x1] =	wrdreg $0xFFFFFFFF  }
0xd0: {  	_ =	task.clear_ibuf [dreg:s22], $0x2FFFF;
	_ =	strace $0x9FFFFFFF  }
0xd1: {  	(tm) =	ssettm $0x7FFFFFFF  }
tec
execute0_lowered:
.L_overlay_start_1:
0x0: {  	(tag) =	ssettag $0x1  }
0x1: {  	s0 =	rddreg [dreg:$0x0]  }
0x2: {  	s2 =	rddreg [dreg:$0x1]  }
0x3: {  	s1 =	stileid.u32;
	s3 =	srdreg.scid;
	s17 =	simm.s32 $0x2  }
0x4: {  	s18 =	simm.s32 $0x2780;
	s19 =	simm.s32 $0x4F00;
	s20 =	simm.s32 $0x80  }
0x5: {  	s21 =	simm.s32 $0x4F10;
	s22 =	simm.s32 $0x8F10;
	s23 =	simm.s32 $0x9710  }
0x6: {  	s24 =	simm.s32 $0x9F10;
	s25 =	simm.s32 $0x1;
	s26 =	simm.s32 $0x0  }
0x7: {  	s8 =	sand.u32 $0x1, s3;
	s4 =	sshll.u32 s1, $0x1;
	s3 =	simm.s32 $0x0  }
0x8: {  	s9 =	smul.u32 $0x13C00, s1;
	s31 =	sshll.u32 s1, $0x6;
	s13 =	sor.u32 s8, s4  }
0x9: {  	[smem:$0x7FF] =	sst s3;
	s7 =	smul.u32 $0x13C000, s8;
	s4 =	sadd.s32 $0x31C00, s0  }
0xa: {  	s14 =	ssub.s32 $0x2, s8;
	s8 =	sadd.s32 $0x14000, s0;
	s5 =	smul.u32 $0x4F0, s13  }
0xb: {  	_ =	strace $0x80000053;
	s6 =	sshrl.u32 s9, $0x3;
	s30 =	sshrl.u32 s14, $0x1  }
0xc: {  	s16 =	sadd.s32 s9, s2;
	s13 =	smul.u32 $0x27800, s13;
	s10 =	sadd.s32 s6, s0  }
0xd: {  	s6 =	sadd.s32 $0x1AC00, s0;
	s11 =	sadd.s32 s9, s7;
	s7 =	sadd.s32 $0x15C00, s0  }
0xe: {  	s15 =	ssub.s32 s14, s30;
	s16 =	sshrl.u32 s16, $0x3;
	s12 =	sadd.s32 s5, s0  }
0xf: {  	s5 =	sadd.s32 $0x5C9C00, s0;
	s11 =	sshrl.u32 s11, $0x3;
	s9 =	sadd.s32 $0x63200, s10  }
0x10: {  	s10 =	sor.u32 $0x1C02, s31;
	s15 =	smax.u32 s15, $0x1;
	s0 =	sadd.s32 s11, s0  }
0x11: {  	s11 =	sadd.s32 $0x27E00, s12;
	s12 =	sadd.s32 $0x5200, s12;
	s14 =	sadd.s32 $0xD9C00, s0  }
.LBB2_1:
0x12: {  	[spmem:s16], [sflag:s10] =	dma.local [hbm:s9], $0x2780  }
0x13: {  	_ =	swait.ge [sflag:s17], $0x2780  }
0x14: {  	[sflag:s17] =	ssyncset.done $0x0  }
0x15: {  	[sflag:s17] =	ssyncadd.s32 $0xFFFFD880  }
0x16: {  	[tilespmem:s3], [sflag:$0x2] =	stream.linear.gather [hbm4b:s11+s3], $0x2780, $0x38;
	[tilespmem:$0x1E310] =	vst v63  }
0x17: {  	_ =	swait.ge [sflag:s17], $0x2780  }
0x18: {  	[sflag:s17] =	ssyncset.done $0x0  }
0x19: {  	[sflag:s17] =	ssyncadd.s32 $0xFFFFD880  }
0x1a: {  	[tilespmem:s18], [sflag:$0x2] =	stream.linear.gather [hbm4b:s12+s3], $0x2780, $0x38;
	[tilespmem:$0x1E310] =	vst v63  }
0x1b: {  	_ =	swait.ge [sflag:s17], $0x2780  }
0x1c: {  	[sflag:s17] =	ssyncset.done $0x0  }
0x1d: {  	[sflag:s17] =	ssyncadd.s32 $0xFFFFD880  }
0x1e: {  	[tilespmem:s19], [sflag:$0x2] =	stream.linear.gather [hbm4b:s8+s3], $0x10, $0x38;
	[tilespmem:$0x1E310] =	vst v63  }
0x1f: {  	_ =	swait.ge [sflag:s17], $0x10  }
0x20: {  	[sflag:s17] =	ssyncset.done $0x0  }
0x21: {  	[sflag:s17] =	ssyncadd.s32 $0xFFFFFFF0  }
0x22: {  	[bflag:$0x0] =	sbarrier.arrive $0xFFFF  }
0x23: {  	s28 =	simm.s32 $0x0;
	v0 =	vld [tilespmem:$0x4F00]  }
.LBB2_2:
0x24: {  	s0 =	sshll.u32 s28, $0x7  }
0x25: {  	[tilespmem:s21], [sflag:$0x1] =	stream.indirect.gather [hbm4b:s4+s20], $0x80, s0, s20, $0xb8;
	[tilespmem:$0x1E310] =	vst v63  }
0x26: {  	_ = 	snop  }
0x27: {  	[tilespmem:s22], [sflag:$0x1] =	stream.indirect.gather [hbm4b:s6+s20], $0x10, s0, s20, $0xb8;
	[tilespmem:$0x1E310] =	vst v63  }
0x28: {  	s29 =	sadd.s32 $0x2780, s0;
	s0 =	sshll.u32 s28, $0xB  }
0x29: {  	s0 =	sadd.s32 s13, s0  }
0x2a: {  	[tilespmem:s23], [sflag:$0x1] =	stream.indirect.gather [hbm4b:s7+s20], $0x10, s29, s20, $0xb8;
	[tilespmem:$0x1E310] =	vst v63  }
0x2b: {  	s0 =	sshrl.u32 s0, $0x3  }
0x2c: {  	s30 =	simm.s32 $0x0;
	s0 =	sadd.s32 s5, s0  }
0x2d: {  	[tilespmem:s24], [sflag:$0x2] =	stream.linear.gather [hbm4b:s0+s30], $0x800, $0x38;
	[tilespmem:$0x1E310] =	vst v63  }
0x2e: {  	_ =	swait.ge [sflag:s17], $0x800  }
0x2f: {  	[sflag:s17] =	ssyncset.done $0x0  }
0x30: {  	[sflag:s17] =	ssyncadd.s32 $0xFFFFF800  }
0x31: {  	_ =	swait.ge [sflag:s25], $0x4000  }
0x32: {  	[sflag:s25] =	ssyncset.done $0x0  }
0x33: {  	[sflag:s25] =	ssyncadd.s32 $0xFFFFC000  }
0x34: {  	_ =	swait.ge [sflag:s25], $0x800  }
0x35: {  	[sflag:s25] =	ssyncset.done $0x0  }
0x36: {  	[sflag:s25] =	ssyncadd.s32 $0xFFFFF800  }
0x37: {  	_ =	swait.ge [sflag:s25], $0x800  }
0x38: {  	[sflag:s25] =	ssyncset.done $0x0  }
0x39: {  	s0 =	simm.s32 $0x0;
	[sflag:s25] =	ssyncadd.s32 $0xFFFFF800  }
0x3a: {  	v1 =	vld [tilespmem:s0+$0x9710]  }
0x3b: {  	v2 =	vld [tilespmem:s0+$0x8F10];
	_ =	sdelay $0x1  }
0x3c: {  	v3 =	vld [tilespmem:s0+$0x9F10];
	_ =	sdelay $0x2  }
0x3d: {  	v1 =	vadd.f32 v1, v2;
	_ =	sdelay $0x1  }
0x3e: {  	v1 =	vadd.f32 v3, v1;
	_ =	sdelay $0x1  }
0x3f: {  	v2 =	vmul.f32 $2.000000030e-01, v1;
	_ =	sdelay $0x1  }
0x40: {  	v1 =	vmax.f32 v1, v2  }
0x41: {  	v1 =	vsub.f32 v1, v0;
	_ =	sdelay $0x1  }
0x42: {  	v1 =	vmul.f32 $1.442695020e+00, v1;
	_ =	sdelay $0x1  }
0x43: {  	(erf) = vpow2.f32 v1;
	_ =	sdelay $0x3  }
0x44: {  	s30 =	simm.s32 $0x4F50  }
0x45: {  	v1 =	vld [tilespmem:s30+$0x30]  }
0x46: {  	v2 =	vld [tilespmem:s30+$0x20]  }
0x47: {  	v3 =	vld [tilespmem:s30+$0x10]  }
0x48: {  	v4 =	vld [tilespmem:s30+$0x0]  }
0x49: {  	v5 =	vld [tilespmem:s30+$0xFFFFFFF0];
	v6 =	vpop (erf)  }
0x4a: {  	v7 =	vld [tilespmem:s30+$0xFFFFFFE0];
	v1 =	vmul.f32 v1, v6  }
0x4b: {  	v8 =	vld [tilespmem:s30+$0xFFFFFFD0];
	v2 =	vmul.f32 v2, v6  }
0x4c: {  	v9 =	vld [tilespmem:s30+$0xFFFFFFC0];
	v3 =	vmul.f32 v3, v6;
	[tilespmem:s30+$0x30] =	vst v1  }
0x4d: {  	v1 =	vmul.f32 v4, v6;
	[tilespmem:s30+$0x20] =	vst v2  }
0x4e: {  	v2 =	vmul.f32 v5, v6;
	[tilespmem:s30+$0x10] =	vst v3  }
0x4f: {  	v3 =	vmul.f32 v6, v7;
	[tilespmem:s30+$0x0] =	vst v1  }
0x50: {  	v1 =	vmul.f32 v6, v8;
	[tilespmem:s30+$0xFFFFFFF0] =	vst v2  }
0x51: {  	v2 =	vmul.f32 v6, v9;
	[tilespmem:s30+$0xFFFFFFE0] =	vst v3  }
0x52: {  	[tilespmem:s30+$0xFFFFFFD0] =	vst v1  }
0x53: {  	s0 =	simm.s32 $0x10;
	[tilespmem:s30+$0xFFFFFFC0] =	vst v2  }
0x54: {  	s31 =	simm.s32 $0x80;
	v1 =	vld [tilespmem:s0+$0x9710]  }
.LBB2_3:
0x55: {  	p0 =	sne.s32 s31, $0x1FC0;
	v2 =	vld [tilespmem:s0+$0x8F10]  }
0x56: {  	v3 =	vld [tilespmem:s0+$0x9F10];
	_ =	sdelay $0x3  }
0x57: {  	v1 =	vadd.f32 v1, v2;
	_ =	sdelay $0x1  }
0x58: {  	v1 =	vadd.f32 v3, v1;
	_ =	sdelay $0x1  }
0x59: {  	v2 =	vmul.f32 $2.000000030e-01, v1;
	_ =	sdelay $0x1  }
0x5a: {  	v1 =	vmax.f32 v1, v2  }
0x5b: {  	v1 =	vsub.f32 v1, v0;
	_ =	sdelay $0x1  }
0x5c: {  	v1 =	vmul.f32 $1.442695020e+00, v1;
	_ =	sdelay $0x1  }
0x5d: {  	s30 =	sadd.s32 $0x80, s30;
	(erf) = vpow2.f32 v1  }
0x5e: {  	v1 =	vld [tilespmem:s30+$0xFFFFFFF0]  }
0x5f: {  	v2 =	vld [tilespmem:s30+$0x30]  }
0x60: {  	v3 =	vld [tilespmem:s30+$0x20]  }
0x61: {  	v4 =	vld [tilespmem:s30+$0x10]  }
0x62: {  	v5 =	vld [tilespmem:s30+$0x0]  }
0x63: {  	v6 =	vld [tilespmem:s30+$0xFFFFFFE0]  }
0x64: {  	v7 =	vld [tilespmem:s30+$0xFFFFFFD0]  }
0x65: {  	v8 =	vld [tilespmem:s30+$0xFFFFFFC0]  }
0x66: {  	v9 =	vpop (erf)  }
0x67: {  	v3 =	vmul.f32 v3, v9;
	v2 =	vmul.f32 v2, v9  }
0x68: {  	v5 =	vmul.f32 v5, v9;
	v4 =	vmul.f32 v4, v9  }
0x69: {  	v1 =	vmul.f32 v1, v9;
	v6 =	vmul.f32 v9, v6;
	[tilespmem:s30+$0x30] =	vst v2  }
0x6a: {  	v7 =	vmul.f32 v9, v7;
	v2 =	vmul.f32 v9, v8;
	[tilespmem:s30+$0x20] =	vst v3  }
0x6b: {  	[tilespmem:s30+$0x10] =	vst v4  }
0x6c: {  	[tilespmem:s30+$0x0] =	vst v5  }
.Ltmp0:
0x6d: {  	[tilespmem:s30+$0xFFFFFFF0] =	vst v1;
	(pc) =	sbr.rel @p0 .LBB2_3-.Ltmp0, $4  }
0x6e: {  	[tilespmem:s30+$0xFFFFFFE0] =	vst v6  }
0x6f: {  	[tilespmem:s30+$0xFFFFFFD0] =	vst v7  }
0x70: {  	s0 =	sshra.s32 s31, $0x2;
	[tilespmem:s30+$0xFFFFFFC0] =	vst v2  }
0x71: {  	s31 =	sadd.s32 $0x40, s31;
	v1 =	vld [tilespmem:s0+$0x9710]  }
0x72: {  	v2 =	vld [tilespmem:s0+$0x8F10];
	_ =	sdelay $0x1  }
0x73: {  	v3 =	vld [tilespmem:s0+$0x9F10];
	_ =	sdelay $0x2  }
0x74: {  	v1 =	vadd.f32 v1, v2;
	_ =	sdelay $0x1  }
0x75: {  	v1 =	vadd.f32 v3, v1;
	_ =	sdelay $0x1  }
0x76: {  	v2 =	vmul.f32 $2.000000030e-01, v1;
	_ =	sdelay $0x1  }
0x77: {  	v1 =	vmax.f32 v1, v2  }
0x78: {  	v1 =	vsub.f32 v1, v0;
	_ =	sdelay $0x1  }
0x79: {  	v1 =	vmul.f32 $1.442695020e+00, v1;
	_ =	sdelay $0x1  }
0x7a: {  	(erf) = vpow2.f32 v1;
	_ =	sdelay $0x3  }
0x7b: {  	s31 =	sadd.s32 $0x80, s30  }
0x7c: {  	v1 =	vld [tilespmem:s31+$0x30]  }
0x7d: {  	v2 =	vld [tilespmem:s31+$0x20]  }
0x7e: {  	v3 =	vld [tilespmem:s31+$0x10]  }
0x7f: {  	v4 =	vld [tilespmem:s31+$0x0]  }
0x80: {  	v5 =	vld [tilespmem:s31+$0xFFFFFFF0];
	v6 =	vpop (erf)  }
0x81: {  	v7 =	vld [tilespmem:s31+$0xFFFFFFE0];
	v1 =	vmul.f32 v1, v6  }
0x82: {  	v8 =	vld [tilespmem:s31+$0xFFFFFFD0];
	v2 =	vmul.f32 v2, v6  }
0x83: {  	v9 =	vld [tilespmem:s31+$0xFFFFFFC0];
	v3 =	vmul.f32 v3, v6;
	[tilespmem:s31+$0x30] =	vst v1  }
0x84: {  	v1 =	vmul.f32 v4, v6;
	[tilespmem:s31+$0x20] =	vst v2  }
0x85: {  	v2 =	vmul.f32 v5, v6;
	[tilespmem:s31+$0x10] =	vst v3  }
0x86: {  	v3 =	vmul.f32 v6, v7;
	[tilespmem:s31+$0x0] =	vst v1  }
0x87: {  	v1 =	vmul.f32 v6, v8;
	[tilespmem:s31+$0xFFFFFFF0] =	vst v2  }
0x88: {  	s28 =	sadd.s32 $0x1, s28;
	v2 =	vmul.f32 v6, v9;
	[tilespmem:s31+$0xFFFFFFE0] =	vst v3  }
0x89: {  	p0 =	sne.s32 s28, $0x4F;
	[tilespmem:s31+$0xFFFFFFD0] =	vst v1  }
.Ltmp1:
0x8a: {  	[tilespmem:s31+$0xFFFFFFC0] =	vst v2;
	(pc) =	sbr.rel @p0 .LBB2_2-.Ltmp1, $4  }
0x8b: {  	[spmem:s2] =	stream.indirect.scatter.add.f32 [tilespmem:s21], [sflag:$0x2], $0x80, s29, s20, $0xb8;
	[tilespmem:$0x1E310] =	vst v63  }
0x8c: {  	_ =	swait.ge [sflag:s17], $0x4000  }
0x8d: {  	[sflag:s17] =	ssyncset.done $0x0  }
0x8e: {  	[sflag:s17] =	ssyncadd.s32 $0xFFFFC000  }
0x8f: {  	s26 =	sadd.s32 $0x1, s26  }
0x90: {  	p0 =	sne.s32 s26, s15  }
.Ltmp2:
0x91: {  	[bflag:$0x0] =	sbarrier.arrive $0xFFFF;
	(pc) =	sbr.rel @p0 .LBB2_1-.Ltmp2, $4  }
0x92: {  	[hbm:s14], [sflag:s10] =	dma.local [spmem:s16], $0x2780  }
0x93: {  	_ =	swait.ge [sflag:s17], $0x2780  }
0x94: {  	[sflag:s17] =	ssyncset.done $0x0  }
0x95: {  	[sflag:s17] =	ssyncadd.s32 $0xFFFFD880  }
0x96: {  	_ =	sfence.sel $0x180000  }
0x97: {  	[bflag:$0x0] =	sbarrier.arrive $0xFFFF  }
0x98: {  	_ =	strace $0x90000053  }
0x99: {  	[bflag:$0x2] =	sbarrier.arrive $0xFFFF  }
0x9a: {  	p0 =	sne.s32 s1, $0x0;
	s0 =	rddreg [dreg:$0x2]  }
0x9b: {  	s0 =	sadd.s32 @!p0 $0x100000, s0  }
0x9c: {  	[sflag:s0] =	ssyncadd.tile.s32 @!p0 $0x1;
	_ =	shalt  }
.Lfunc_end2:
_tile_overlayer_lowered:
.L_overlay_start_2:
0x9d: {  	(tag) =	ssettag $0x2  }
0x9e: {  	s0 =	rddreg [dreg:$0x0];
	s2 =	stileid.u32  }
0x9f: {  	s1 =	rddreg [dreg:$0x1];
	p0 =	sne.s32 s2, $0x0  }
0xa0: {  	s3 =	rddreg [dreg:$0x2];
	[bflag:$0x3] =	sbarrier.arrive $0xFFFF;
	s2 =	simm.s32 @!p0 $0x1C02  }
0xa1: {  	[timem:s3], [sflag:s2] =	dma.local @!p0 [hbm:s0], s1  }
0xa2: {  	s0 =	simm.s32 @!p0 $0x2  }
0xa3: {  	_ =	swait.ge @!p0 [sflag:s0], s1  }
0xa4: {  	s1 =	ssub.s32 @!p0 $0x0, s1;
	[sflag:s0] =	ssyncset.done @!p0 $0x0  }
0xa5: {  	[sflag:s0] =	ssyncadd.s32 @!p0 s1  }
0xa6: {  	[bflag:$0x3] =	sbarrier.arrive $0xFFFF  }
0xa7: {  	_ =	shalt  }

</sc_bundles>
